<compile_context>
chip_gen: v7x
topology: tpu7x:2x2x1
jax: 0.10.2.dev20260603
libtpu: 0.0.44.dev20260713+nightly
codegen_flags: <defaults>
</compile_context>

<pallas_src>
import functools

import jax
import jax.numpy as jnp
from jax import lax
from jax.experimental import pallas as pl
from jax.experimental.pallas import tpu as pltpu
from jax.experimental.pallas import tpu_sc as plsc

D_M = 512
D_H = 64
ALPHA = 2048
L_OBS = 1024

_NC = 2
_NS = 16
_NW = _NC * _NS
_FPW = D_M // _NW
_LANES = 16
_CHUNKS = ALPHA // _LANES


_OCHUNKS = L_OBS // _LANES


def _impute_body(t_hbm, x_hbm, g_hbm, out_hbm,
                 times_v, obs_v, rows_v, bins_v, pos_v, pref_v, pref2_v,
                 dma_sem, rest_sem, out_sem):
    wid = lax.axis_index("s") * _NC + lax.axis_index("c")
    f0 = wid * _FPW
    head = [
        pltpu.async_copy(
            t_hbm.at[f0], times_v.at[pl.ds(0, L_OBS)], dma_sem),
        pltpu.async_copy(
            x_hbm.at[f0], obs_v.at[pl.ds(0, L_OBS)], dma_sem),
        pltpu.async_copy(
            g_hbm.at[pl.ds(f0, _FPW)],
            obs_v.at[pl.ds(_FPW * L_OBS, _FPW)], dma_sem),
    ]
    rest = []
    for j in range(1, _FPW):
        rest.append(pltpu.async_copy(
            t_hbm.at[f0 + j], times_v.at[pl.ds(j * L_OBS, L_OBS)], rest_sem))
        rest.append(pltpu.async_copy(
            x_hbm.at[f0 + j], obs_v.at[pl.ds(j * L_OBS, L_OBS)], rest_sem))
    for cp in head:
        cp.wait()

    lanes = lax.iota(jnp.int32, _LANES)
    zero_v = jnp.zeros((_LANES,), jnp.int32)

    @plsc.parallel_loop(0, _CHUNKS, unroll=4)
    def zero_bins(c):
        bins_v[pl.ds(c * _LANES, _LANES)] = zero_v

    def per_feature(j, carry):
        bt = j * L_OBS
        bo = j * ALPHA

        @plsc.parallel_loop(0, _OCHUNKS, unroll=4)
        def scatter_pass(c):
            li1 = lanes + (bt + c * _LANES + 1)
            tau = times_v[pl.ds(bt + c * _LANES, _LANES)]
            tau_nxt = plsc.load_gather(times_v, [li1])
            mask = (tau != tau_nxt) | (li1 == bt + L_OBS)
            plsc.store_scatter(bins_v, [tau], li1, mask=mask)

        @plsc.parallel_loop(0, _CHUNKS, unroll=4)
        def local_scan(c):
            v = bins_v[pl.ds(c * _LANES, _LANES)]
            bins_v[pl.ds(c * _LANES, _LANES)] = zero_v
            pos_v[pl.ds(c * _LANES, _LANES)] = plsc.cummax(v)

        tails = lanes * _LANES + (_LANES - 1)

        def group_scan(g, carry_vec):
            tot = plsc.load_gather(pos_v, [tails + g * (_LANES * _LANES)])
            pm = jnp.maximum(plsc.cummax(tot), carry_vec)
            pref_v[pl.ds(g * _LANES, _LANES)] = pm
            return plsc.load_gather(
                pref_v, [jnp.full((_LANES,), g * _LANES + (_LANES - 1),
                                  jnp.int32)])

        lax.fori_loop(0, _CHUNKS // _LANES, group_scan, zero_v)

        @plsc.parallel_loop(0, _CHUNKS // _LANES)
        def excl_pass(g):
            gi = lanes + g * _LANES
            e = plsc.load_gather(pref_v, [jnp.maximum(gi - 1, 0)])
            pref2_v[pl.ds(g * _LANES, _LANES)] = jnp.where(gi > 0, e, 0)

        @plsc.parallel_loop(0, _CHUNKS // 2, unroll=4)
        def fill_pass(c):
            t_even = lanes * 2 + c * (2 * _LANES)
            t_odd = t_even + 1
            s_e = plsc.load_gather(pos_v, [t_even])
            s_o = plsc.load_gather(pos_v, [t_odd])
            p = plsc.load_gather(
                pref2_v, [lax.shift_right_logical(t_even, 4)])
            pos_e = jnp.maximum(s_e, p)
            pos_o = jnp.maximum(s_o, p)
            gid_e = jnp.where(pos_e > 0, pos_e - 1, _FPW * L_OBS + j)
            gid_o = jnp.where(pos_o > 0, pos_o - 1, _FPW * L_OBS + j)
            val_e = plsc.load_gather(obs_v, [gid_e])
            val_o = plsc.load_gather(obs_v, [gid_o])
            packed = plsc.pack(val_e, val_o,
                               format=plsc.PackFormat.INTERLEAVED)
            rows_v[j, pl.ds(c * (2 * _LANES), 2 * _LANES)] = packed

        @pl.when(jnp.equal(j, _FPW // 2 - 1))
        def _():
            pltpu.async_copy(
                rows_v.at[pl.ds(0, _FPW // 2)],
                out_hbm.at[pl.ds(f0, _FPW // 2)], out_sem)

        return carry

    per_feature(0, jnp.int32(0))
    for cp in rest:
        cp.wait()
    lax.fori_loop(1, _FPW, per_feature, jnp.int32(0))
    pltpu.async_copy(
        rows_v.at[pl.ds(_FPW // 2, _FPW // 2)],
        out_hbm.at[pl.ds(f0 + _FPW // 2, _FPW // 2)], out_sem)
    pltpu.make_async_copy(
        rows_v.at[pl.ds(0, _FPW // 2)],
        out_hbm.at[pl.ds(f0, _FPW // 2)], out_sem).wait()
    pltpu.make_async_copy(
        rows_v.at[pl.ds(_FPW // 2, _FPW // 2)],
        out_hbm.at[pl.ds(f0 + _FPW // 2, _FPW // 2)], out_sem).wait()


_impute_sc = functools.partial(
    pl.kernel,
    out_type=jax.ShapeDtypeStruct((D_M, ALPHA), jnp.bfloat16),
    mesh=plsc.VectorSubcoreMesh(
        core_axis_name="c", subcore_axis_name="s",
        num_cores=_NC, num_subcores=_NS),
    compiler_params=pltpu.CompilerParams(needs_layout_passes=False),
    scratch_types=[
        pltpu.VMEM((_FPW * L_OBS + _LANES,), jnp.int32),
        pltpu.VMEM((_FPW * L_OBS + _FPW,), jnp.float32),
        pltpu.VMEM((_FPW, ALPHA), jnp.bfloat16),
        pltpu.VMEM((ALPHA,), jnp.int32),
        pltpu.VMEM((ALPHA,), jnp.int32),
        pltpu.VMEM((_CHUNKS,), jnp.int32),
        pltpu.VMEM((_CHUNKS,), jnp.int32),
        pltpu.SemaphoreType.DMA,
        pltpu.SemaphoreType.DMA,
        pltpu.SemaphoreType.DMA,
    ],
)(_impute_body)


def _matmul_body(rs_ref, w_ref, b_ref, out_ref):
    out_ref[...] = lax.dot_general(
        rs_ref[...], w_ref[...].astype(jnp.bfloat16), (((0,), (1,)), ((), ())),
        preferred_element_type=jnp.float32) + b_ref[...]


_A_BLK = 1024


def _matmul_tc(rs, W, b2):
    return pl.pallas_call(
        _matmul_body,
        grid=(ALPHA // _A_BLK,),
        in_specs=[
            pl.BlockSpec((D_M, _A_BLK), lambda k: (0, k)),
            pl.BlockSpec((D_H, D_M), lambda k: (0, 0)),
            pl.BlockSpec((1, D_H), lambda k: (0, 0)),
        ],
        out_specs=pl.BlockSpec((_A_BLK, D_H), lambda k: (k, 0)),
        out_shape=jax.ShapeDtypeStruct((ALPHA, D_H), jnp.float32),
    )(rs, W, b2)


def kernel(x_ts, t_ts, global_means, W, b):
    rs = _impute_sc(t_ts.astype(jnp.int32), x_ts, global_means)
    return _matmul_tc(rs, W, b.reshape(1, D_H))

# --- scband reference (transcript-rebuilt; emitter-appended) ---
"""Pipeline reference for scband-imputation-module-59708635349351 (READ-ONLY COPY).

The authoritative reference and input builder live on the scoring server;
editing this copy changes nothing except your own understanding.
"""

import jax, jax.numpy as jnp
import numpy as np

D_M = 512
D_H = 64
ALPHA = 2048
L_OBS = 1024


def setup_inputs(seed: int = 0) -> dict:
    key = jax.random.key(seed)
    k1, k2, k3, k4, k5 = jax.random.split(key, 5)
    x_ts = jax.random.normal(k1, (D_M, L_OBS), dtype=jnp.float32)
    t_ts = jnp.sort(jax.random.randint(k2, (D_M, L_OBS), 0, ALPHA), axis=-1)
    global_means = jax.random.normal(k3, (D_M,), dtype=jnp.float32)
    # conv1d with kernel_size=1: weight [d_h, d_m, 1] -> [d_h, d_m], bias [d_h]
    W = jax.random.normal(k4, (D_H, D_M), dtype=jnp.float32) / np.sqrt(D_M)
    b = jax.random.normal(k5, (D_H,), dtype=jnp.float32) * 0.01
    return {"x_ts": x_ts, "t_ts": t_ts, "global_means": global_means, "W": W, "b": b}


def _impute_feature(obs, times, gmean):
    # obs: [L], times: [L] int, gmean: scalar
    L = obs.shape[0]
    order = jnp.arange(L)
    valid = (~jnp.isnan(obs)) & (times >= 0) & (times < ALPHA)
    # scatter-overwrite semantics of the torch loop: LAST valid obs per bin wins.
    seg = jnp.where(valid, times, ALPHA)  # invalid -> overflow bin
    winner = jax.ops.segment_max(jnp.where(valid, order, -1), seg, num_segments=ALPHA + 1)[:ALPHA]
    has_obs = winner >= 0
    vals = obs[jnp.clip(winner, 0, L - 1)]  # value at each bin (garbage where no obs)
    # forward fill: index of most recent observed bin via cumulative max
    bin_idx = jnp.where(has_obs, jnp.arange(ALPHA), -1)
    last = jax.lax.associative_scan(jnp.maximum, bin_idx)
    filled = jnp.where(last >= 0, vals[jnp.clip(last, 0, ALPHA - 1)], gmean)
    return filled


def reference(x_ts, t_ts, global_means, W, b):
    regular_series = jax.vmap(_impute_feature)(x_ts, t_ts, global_means)  # [d_m, alpha]
    # conv1d kernel_size=1 == matmul over channel dim
    emb = W @ regular_series + b[:, None]  # [d_h, alpha]
    return emb.T  # [alpha, d_h]

if __name__ == "__main__":
    import jax
    _d = setup_inputs()
    print(jax.jit(kernel)(*tuple(_d.values())))

</pallas_src>

<mosaic_0001>
#map = affine_map<(d0, d1) -> (0, 0)>
#map1 = affine_map<(d0, d1) -> (0)>
module attributes {stable_mosaic.version = 14 : i64} {
  func.func @_impute_body(%arg0: i32, %arg1: i32, %arg2: memref<512x1024xi32, #tpu.memory_space<hbm>>, %arg3: memref<512x1024xf32, #tpu.memory_space<hbm>>, %arg4: memref<512xf32, #tpu.memory_space<hbm>>, %arg5: memref<512x2048xbf16, #tpu.memory_space<hbm>>, %arg6: memref<16400xi32, #tpu.memory_space<vmem>>, %arg7: memref<16400xf32, #tpu.memory_space<vmem>>, %arg8: memref<16x2048xbf16, #tpu.memory_space<vmem>>, %arg9: memref<2048xi32, #tpu.memory_space<vmem>>, %arg10: memref<2048xi32, #tpu.memory_space<vmem>>, %arg11: memref<128xi32, #tpu.memory_space<vmem>>, %arg12: memref<128xi32, #tpu.memory_space<vmem>>, %arg13: memref<!tpu.dma_semaphore, #tpu.memory_space<semaphore_mem>>, %arg14: memref<!tpu.dma_semaphore, #tpu.memory_space<semaphore_mem>>, %arg15: memref<!tpu.dma_semaphore, #tpu.memory_space<semaphore_mem>>) attributes {dimension_semantics = [#tpu.dimension_semantics<core_parallel>, #tpu.dimension_semantics<subcore_parallel>], iteration_bounds = array<i64: 2, 16>, scalar_prefetch = 0 : i64, scratch_operands = 10 : i64, tpu.core_type = #tpu.core_type<sc_vector_subcore>, window_params = [{transform_indices = #map}, {transform_indices = #map}, {transform_indices = #map1}, {transform_indices = #map}]} {
    %mul3A = arith.constant 2 : i32
    %mul3A_0 = arith.muli %arg1, %mul3A : i32
    %add3A = arith.addi %mul3A_0, %arg0 : i32
    %mul3A_1 = arith.constant 16 : i32
    %mul3A_2 = arith.muli %add3A, %mul3A_1 : i32
    %dma_start3A = arith.constant 0 : i32
    %dma_start3A_3 = tpu.memref_slice %arg6[%dma_start3A] : memref<16400xi32, #tpu.memory_space<vmem>> -> memref<1024xi32, #tpu.memory_space<vmem>>
    %dma_start3A_4 = arith.constant 0 : i32
    %dma_start3A_5 = tpu.memref_slice %arg2[%mul3A_2, %dma_start3A_4] : memref<512x1024xi32, #tpu.memory_space<hbm>> -> memref<1x1024xi32, #tpu.memory_space<hbm>>
    %dma_start3A_6 = tpu.memref_squeeze %dma_start3A_5 : memref<1x1024xi32, #tpu.memory_space<hbm>> -> memref<1024xi32, #tpu.memory_space<hbm>>
    %dma_start3A_7 = arith.constant 0 : i32
    %dma_start3A_8 = tpu.memref_slice %arg6[%dma_start3A_7] : memref<16400xi32, #tpu.memory_space<vmem>> -> memref<1024xi32, #tpu.memory_space<vmem>>
    %dma_start3A_9 = arith.constant 0 : i32
    %dma_start3A_10 = tpu.memref_slice %arg2[%mul3A_2, %dma_start3A_9] : memref<512x1024xi32, #tpu.memory_space<hbm>> -> memref<1x1024xi32, #tpu.memory_space<hbm>>
    %dma_start3A_11 = tpu.memref_squeeze %dma_start3A_10 : memref<1x1024xi32, #tpu.memory_space<hbm>> -> memref<1024xi32, #tpu.memory_space<hbm>>
    tpu.enqueue_dma source(%dma_start3A_11 : memref<1024xi32, #tpu.memory_space<hbm>>) target(%dma_start3A_8 : memref<1024xi32, #tpu.memory_space<vmem>>) target_semaphore(%arg13 : memref<!tpu.dma_semaphore, #tpu.memory_space<semaphore_mem>>)
    %dma_start3A_12 = arith.constant 0 : i32
    %dma_start3A_13 = tpu.memref_slice %arg7[%dma_start3A_12] : memref<16400xf32, #tpu.memory_space<vmem>> -> memref<1024xf32, #tpu.memory_space<vmem>>
    %dma_start3A_14 = arith.constant 0 : i32
    %dma_start3A_15 = tpu.memref_slice %arg3[%mul3A_2, %dma_start3A_14] : memref<512x1024xf32, #tpu.memory_space<hbm>> -> memref<1x1024xf32, #tpu.memory_space<hbm>>
    %dma_start3A_16 = tpu.memref_squeeze %dma_start3A_15 : memref<1x1024xf32, #tpu.memory_space<hbm>> -> memref<1024xf32, #tpu.memory_space<hbm>>
    %dma_start3A_17 = arith.constant 0 : i32
    %dma_start3A_18 = tpu.memref_slice %arg7[%dma_start3A_17] : memref<16400xf32, #tpu.memory_space<vmem>> -> memref<1024xf32, #tpu.memory_space<vmem>>
    %dma_start3A_19 = arith.constant 0 : i32
    %dma_start3A_20 = tpu.memref_slice %arg3[%mul3A_2, %dma_start3A_19] : memref<512x1024xf32, #tpu.memory_space<hbm>> -> memref<1x1024xf32, #tpu.memory_space<hbm>>
    %dma_start3A_21 = tpu.memref_squeeze %dma_start3A_20 : memref<1x1024xf32, #tpu.memory_space<hbm>> -> memref<1024xf32, #tpu.memory_space<hbm>>
    tpu.enqueue_dma source(%dma_start3A_21 : memref<1024xf32, #tpu.memory_space<hbm>>) target(%dma_start3A_18 : memref<1024xf32, #tpu.memory_space<vmem>>) target_semaphore(%arg13 : memref<!tpu.dma_semaphore, #tpu.memory_space<semaphore_mem>>)
    %dma_start3A_22 = arith.constant 16384 : i32
    %dma_start3A_23 = tpu.memref_slice %arg7[%dma_start3A_22] : memref<16400xf32, #tpu.memory_space<vmem>> -> memref<16xf32, #tpu.memory_space<vmem>>
    %dma_start3A_24 = tpu.memref_slice %arg4[%mul3A_2] : memref<512xf32, #tpu.memory_space<hbm>> -> memref<16xf32, #tpu.memory_space<hbm>>
    %dma_start3A_25 = arith.constant 16384 : i32
    %dma_start3A_26 = tpu.memref_slice %arg7[%dma_start3A_25] : memref<16400xf32, #tpu.memory_space<vmem>> -> memref<16xf32, #tpu.memory_space<vmem>>
    %dma_start3A_27 = tpu.memref_slice %arg4[%mul3A_2] : memref<512xf32, #tpu.memory_space<hbm>> -> memref<16xf32, #tpu.memory_space<hbm>>
    tpu.enqueue_dma source(%dma_start3A_27 : memref<16xf32, #tpu.memory_space<hbm>>) target(%dma_start3A_26 : memref<16xf32, #tpu.memory_space<vmem>>) target_semaphore(%arg13 : memref<!tpu.dma_semaphore, #tpu.memory_space<semaphore_mem>>)
    %add3A_28 = arith.constant 1 : i32
    %add3A_29 = arith.addi %mul3A_2, %add3A_28 : i32
    %dma_start3A_30 = arith.constant 1024 : i32
    %dma_start3A_31 = tpu.memref_slice %arg6[%dma_start3A_30] : memref<16400xi32, #tpu.memory_space<vmem>> -> memref<1024xi32, #tpu.memory_space<vmem>>
    %dma_start3A_32 = arith.constant 0 : i32
    %dma_start3A_33 = tpu.memref_slice %arg2[%add3A_29, %dma_start3A_32] : memref<512x1024xi32, #tpu.memory_space<hbm>> -> memref<1x1024xi32, #tpu.memory_space<hbm>>
    %dma_start3A_34 = tpu.memref_squeeze %dma_start3A_33 : memref<1x1024xi32, #tpu.memory_space<hbm>> -> memref<1024xi32, #tpu.memory_space<hbm>>
    %dma_start3A_35 = arith.constant 1024 : i32
    %dma_start3A_36 = tpu.memref_slice %arg6[%dma_start3A_35] : memref<16400xi32, #tpu.memory_space<vmem>> -> memref<1024xi32, #tpu.memory_space<vmem>>
    %dma_start3A_37 = arith.constant 0 : i32
    %dma_start3A_38 = tpu.memref_slice %arg2[%add3A_29, %dma_start3A_37] : memref<512x1024xi32, #tpu.memory_space<hbm>> -> memref<1x1024xi32, #tpu.memory_space<hbm>>
    %dma_start3A_39 = tpu.memref_squeeze %dma_start3A_38 : memref<1x1024xi32, #tpu.memory_space<hbm>> -> memref<1024xi32, #tpu.memory_space<hbm>>
    tpu.enqueue_dma source(%dma_start3A_39 : memref<1024xi32, #tpu.memory_space<hbm>>) target(%dma_start3A_36 : memref<1024xi32, #tpu.memory_space<vmem>>) target_semaphore(%arg14 : memref<!tpu.dma_semaphore, #tpu.memory_space<semaphore_mem>>)
    %add3A_40 = arith.constant 1 : i32
    %add3A_41 = arith.addi %mul3A_2, %add3A_40 : i32
    %dma_start3A_42 = arith.constant 1024 : i32
    %dma_start3A_43 = tpu.memref_slice %arg7[%dma_start3A_42] : memref<16400xf32, #tpu.memory_space<vmem>> -> memref<1024xf32, #tpu.memory_space<vmem>>
    %dma_start3A_44 = arith.constant 0 : i32
    %dma_start3A_45 = tpu.memref_slice %arg3[%add3A_41, %dma_start3A_44] : memref<512x1024xf32, #tpu.memory_space<hbm>> -> memref<1x1024xf32, #tpu.memory_space<hbm>>
    %dma_start3A_46 = tpu.memref_squeeze %dma_start3A_45 : memref<1x1024xf32, #tpu.memory_space<hbm>> -> memref<1024xf32, #tpu.memory_space<hbm>>
    %dma_start3A_47 = arith.constant 1024 : i32
    %dma_start3A_48 = tpu.memref_slice %arg7[%dma_start3A_47] : memref<16400xf32, #tpu.memory_space<vmem>> -> memref<1024xf32, #tpu.memory_space<vmem>>
    %dma_start3A_49 = arith.constant 0 : i32
    %dma_start3A_50 = tpu.memref_slice %arg3[%add3A_41, %dma_start3A_49] : memref<512x1024xf32, #tpu.memory_space<hbm>> -> memref<1x1024xf32, #tpu.memory_space<hbm>>
    %dma_start3A_51 = tpu.memref_squeeze %dma_start3A_50 : memref<1x1024xf32, #tpu.memory_space<hbm>> -> memref<1024xf32, #tpu.memory_space<hbm>>
    tpu.enqueue_dma source(%dma_start3A_51 : memref<1024xf32, #tpu.memory_space<hbm>>) target(%dma_start3A_48 : memref<1024xf32, #tpu.memory_space<vmem>>) target_semaphore(%arg14 : memref<!tpu.dma_semaphore, #tpu.memory_space<semaphore_mem>>)
    %add3A_52 = arith.constant 2 : i32
    %add3A_53 = arith.addi %mul3A_2, %add3A_52 : i32
    %dma_start3A_54 = arith.constant 2048 : i32
    %dma_start3A_55 = tpu.memref_slice %arg6[%dma_start3A_54] : memref<16400xi32, #tpu.memory_space<vmem>> -> memref<1024xi32, #tpu.memory_space<vmem>>
    %dma_start3A_56 = arith.constant 0 : i32
    %dma_start3A_57 = tpu.memref_slice %arg2[%add3A_53, %dma_start3A_56] : memref<512x1024xi32, #tpu.memory_space<hbm>> -> memref<1x1024xi32, #tpu.memory_space<hbm>>
    %dma_start3A_58 = tpu.memref_squeeze %dma_start3A_57 : memref<1x1024xi32, #tpu.memory_space<hbm>> -> memref<1024xi32, #tpu.memory_space<hbm>>
    %dma_start3A_59 = arith.constant 2048 : i32
    %dma_start3A_60 = tpu.memref_slice %arg6[%dma_start3A_59] : memref<16400xi32, #tpu.memory_space<vmem>> -> memref<1024xi32, #tpu.memory_space<vmem>>
    %dma_start3A_61 = arith.constant 0 : i32
    %dma_start3A_62 = tpu.memref_slice %arg2[%add3A_53, %dma_start3A_61] : memref<512x1024xi32, #tpu.memory_space<hbm>> -> memref<1x1024xi32, #tpu.memory_space<hbm>>
    %dma_start3A_63 = tpu.memref_squeeze %dma_start3A_62 : memref<1x1024xi32, #tpu.memory_space<hbm>> -> memref<1024xi32, #tpu.memory_space<hbm>>
    tpu.enqueue_dma source(%dma_start3A_63 : memref<1024xi32, #tpu.memory_space<hbm>>) target(%dma_start3A_60 : memref<1024xi32, #tpu.memory_space<vmem>>) target_semaphore(%arg14 : memref<!tpu.dma_semaphore, #tpu.memory_space<semaphore_mem>>)
    %add3A_64 = arith.constant 2 : i32
    %add3A_65 = arith.addi %mul3A_2, %add3A_64 : i32
    %dma_start3A_66 = arith.constant 2048 : i32
    %dma_start3A_67 = tpu.memref_slice %arg7[%dma_start3A_66] : memref<16400xf32, #tpu.memory_space<vmem>> -> memref<1024xf32, #tpu.memory_space<vmem>>
    %dma_start3A_68 = arith.constant 0 : i32
    %dma_start3A_69 = tpu.memref_slice %arg3[%add3A_65, %dma_start3A_68] : memref<512x1024xf32, #tpu.memory_space<hbm>> -> memref<1x1024xf32, #tpu.memory_space<hbm>>
    %dma_start3A_70 = tpu.memref_squeeze %dma_start3A_69 : memref<1x1024xf32, #tpu.memory_space<hbm>> -> memref<1024xf32, #tpu.memory_space<hbm>>
    %dma_start3A_71 = arith.constant 2048 : i32
    %dma_start3A_72 = tpu.memref_slice %arg7[%dma_start3A_71] : memref<16400xf32, #tpu.memory_space<vmem>> -> memref<1024xf32, #tpu.memory_space<vmem>>
    %dma_start3A_73 = arith.constant 0 : i32
    %dma_start3A_74 = tpu.memref_slice %arg3[%add3A_65, %dma_start3A_73] : memref<512x1024xf32, #tpu.memory_space<hbm>> -> memref<1x1024xf32, #tpu.memory_space<hbm>>
    %dma_start3A_75 = tpu.memref_squeeze %dma_start3A_74 : memref<1x1024xf32, #tpu.memory_space<hbm>> -> memref<1024xf32, #tpu.memory_space<hbm>>
    tpu.enqueue_dma source(%dma_start3A_75 : memref<1024xf32, #tpu.memory_space<hbm>>) target(%dma_start3A_72 : memref<1024xf32, #tpu.memory_space<vmem>>) target_semaphore(%arg14 : memref<!tpu.dma_semaphore, #tpu.memory_space<semaphore_mem>>)
    %add3A_76 = arith.constant 3 : i32
    %add3A_77 = arith.addi %mul3A_2, %add3A_76 : i32
    %dma_start3A_78 = arith.constant 3072 : i32
    %dma_start3A_79 = tpu.memref_slice %arg6[%dma_start3A_78] : memref<16400xi32, #tpu.memory_space<vmem>> -> memref<1024xi32, #tpu.memory_space<vmem>>
    %dma_start3A_80 = arith.constant 0 : i32
    %dma_start3A_81 = tpu.memref_slice %arg2[%add3A_77, %dma_start3A_80] : memref<512x1024xi32, #tpu.memory_space<hbm>> -> memref<1x1024xi32, #tpu.memory_space<hbm>>
    %dma_start3A_82 = tpu.memref_squeeze %dma_start3A_81 : memref<1x1024xi32, #tpu.memory_space<hbm>> -> memref<1024xi32, #tpu.memory_space<hbm>>
    %dma_start3A_83 = arith.constant 3072 : i32
    %dma_start3A_84 = tpu.memref_slice %arg6[%dma_start3A_83] : memref<16400xi32, #tpu.memory_space<vmem>> -> memref<1024xi32, #tpu.memory_space<vmem>>
    %dma_start3A_85 = arith.constant 0 : i32
    %dma_start3A_86 = tpu.memref_slice %arg2[%add3A_77, %dma_start3A_85] : memref<512x1024xi32, #tpu.memory_space<hbm>> -> memref<1x1024xi32, #tpu.memory_space<hbm>>
    %dma_start3A_87 = tpu.memref_squeeze %dma_start3A_86 : memref<1x1024xi32, #tpu.memory_space<hbm>> -> memref<1024xi32, #tpu.memory_space<hbm>>
    tpu.enqueue_dma source(%dma_start3A_87 : memref<1024xi32, #tpu.memory_space<hbm>>) target(%dma_start3A_84 : memref<1024xi32, #tpu.memory_space<vmem>>) target_semaphore(%arg14 : memref<!tpu.dma_semaphore, #tpu.memory_space<semaphore_mem>>)
    %add3A_88 = arith.constant 3 : i32
    %add3A_89 = arith.addi %mul3A_2, %add3A_88 : i32
    %dma_start3A_90 = arith.constant 3072 : i32
    %dma_start3A_91 = tpu.memref_slice %arg7[%dma_start3A_90] : memref<16400xf32, #tpu.memory_space<vmem>> -> memref<1024xf32, #tpu.memory_space<vmem>>
    %dma_start3A_92 = arith.constant 0 : i32
    %dma_start3A_93 = tpu.memref_slice %arg3[%add3A_89, %dma_start3A_92] : memref<512x1024xf32, #tpu.memory_space<hbm>> -> memref<1x1024xf32, #tpu.memory_space<hbm>>
    %dma_start3A_94 = tpu.memref_squeeze %dma_start3A_93 : memref<1x1024xf32, #tpu.memory_space<hbm>> -> memref<1024xf32, #tpu.memory_space<hbm>>
    %dma_start3A_95 = arith.constant 3072 : i32
    %dma_start3A_96 = tpu.memref_slice %arg7[%dma_start3A_95] : memref<16400xf32, #tpu.memory_space<vmem>> -> memref<1024xf32, #tpu.memory_space<vmem>>
    %dma_start3A_97 = arith.constant 0 : i32
    %dma_start3A_98 = tpu.memref_slice %arg3[%add3A_89, %dma_start3A_97] : memref<512x1024xf32, #tpu.memory_space<hbm>> -> memref<1x1024xf32, #tpu.memory_space<hbm>>
    %dma_start3A_99 = tpu.memref_squeeze %dma_start3A_98 : memref<1x1024xf32, #tpu.memory_space<hbm>> -> memref<1024xf32, #tpu.memory_space<hbm>>
    tpu.enqueue_dma source(%dma_start3A_99 : memref<1024xf32, #tpu.memory_space<hbm>>) target(%dma_start3A_96 : memref<1024xf32, #tpu.memory_space<vmem>>) target_semaphore(%arg14 : memref<!tpu.dma_semaphore, #tpu.memory_space<semaphore_mem>>)
    %add3A_100 = arith.constant 4 : i32
    %add3A_101 = arith.addi %mul3A_2, %add3A_100 : i32
    %dma_start3A_102 = arith.constant 4096 : i32
    %dma_start3A_103 = tpu.memref_slice %arg6[%dma_start3A_102] : memref<16400xi32, #tpu.memory_space<vmem>> -> memref<1024xi32, #tpu.memory_space<vmem>>
    %dma_start3A_104 = arith.constant 0 : i32
    %dma_start3A_105 = tpu.memref_slice %arg2[%add3A_101, %dma_start3A_104] : memref<512x1024xi32, #tpu.memory_space<hbm>> -> memref<1x1024xi32, #tpu.memory_space<hbm>>
    %dma_start3A_106 = tpu.memref_squeeze %dma_start3A_105 : memref<1x1024xi32, #tpu.memory_space<hbm>> -> memref<1024xi32, #tpu.memory_space<hbm>>
    %dma_start3A_107 = arith.constant 4096 : i32
    %dma_start3A_108 = tpu.memref_slice %arg6[%dma_start3A_107] : memref<16400xi32, #tpu.memory_space<vmem>> -> memref<1024xi32, #tpu.memory_space<vmem>>
    %dma_start3A_109 = arith.constant 0 : i32
    %dma_start3A_110 = tpu.memref_slice %arg2[%add3A_101, %dma_start3A_109] : memref<512x1024xi32, #tpu.memory_space<hbm>> -> memref<1x1024xi32, #tpu.memory_space<hbm>>
    %dma_start3A_111 = tpu.memref_squeeze %dma_start3A_110 : memref<1x1024xi32, #tpu.memory_space<hbm>> -> memref<1024xi32, #tpu.memory_space<hbm>>
    tpu.enqueue_dma source(%dma_start3A_111 : memref<1024xi32, #tpu.memory_space<hbm>>) target(%dma_start3A_108 : memref<1024xi32, #tpu.memory_space<vmem>>) target_semaphore(%arg14 : memref<!tpu.dma_semaphore, #tpu.memory_space<semaphore_mem>>)
    %add3A_112 = arith.constant 4 : i32
    %add3A_113 = arith.addi %mul3A_2, %add3A_112 : i32
    %dma_start3A_114 = arith.constant 4096 : i32
    %dma_start3A_115 = tpu.memref_slice %arg7[%dma_start3A_114] : memref<16400xf32, #tpu.memory_space<vmem>> -> memref<1024xf32, #tpu.memory_space<vmem>>
    %dma_start3A_116 = arith.constant 0 : i32
    %dma_start3A_117 = tpu.memref_slice %arg3[%add3A_113, %dma_start3A_116] : memref<512x1024xf32, #tpu.memory_space<hbm>> -> memref<1x1024xf32, #tpu.memory_space<hbm>>
    %dma_start3A_118 = tpu.memref_squeeze %dma_start3A_117 : memref<1x1024xf32, #tpu.memory_space<hbm>> -> memref<1024xf32, #tpu.memory_space<hbm>>
    %dma_start3A_119 = arith.constant 4096 : i32
    %dma_start3A_120 = tpu.memref_slice %arg7[%dma_start3A_119] : memref<16400xf32, #tpu.memory_space<vmem>> -> memref<1024xf32, #tpu.memory_space<vmem>>
    %dma_start3A_121 = arith.constant 0 : i32
    %dma_start3A_122 = tpu.memref_slice %arg3[%add3A_113, %dma_start3A_121] : memref<512x1024xf32, #tpu.memory_space<hbm>> -> memref<1x1024xf32, #tpu.memory_space<hbm>>
    %dma_start3A_123 = tpu.memref_squeeze %dma_start3A_122 : memref<1x1024xf32, #tpu.memory_space<hbm>> -> memref<1024xf32, #tpu.memory_space<hbm>>
    tpu.enqueue_dma source(%dma_start3A_123 : memref<1024xf32, #tpu.memory_space<hbm>>) target(%dma_start3A_120 : memref<1024xf32, #tpu.memory_space<vmem>>) target_semaphore(%arg14 : memref<!tpu.dma_semaphore, #tpu.memory_space<semaphore_mem>>)
    %add3A_124 = arith.constant 5 : i32
    %add3A_125 = arith.addi %mul3A_2, %add3A_124 : i32
    %dma_start3A_126 = arith.constant 5120 : i32
    %dma_start3A_127 = tpu.memref_slice %arg6[%dma_start3A_126] : memref<16400xi32, #tpu.memory_space<vmem>> -> memref<1024xi32, #tpu.memory_space<vmem>>
    %dma_start3A_128 = arith.constant 0 : i32
    %dma_start3A_129 = tpu.memref_slice %arg2[%add3A_125, %dma_start3A_128] : memref<512x1024xi32, #tpu.memory_space<hbm>> -> memref<1x1024xi32, #tpu.memory_space<hbm>>
    %dma_start3A_130 = tpu.memref_squeeze %dma_start3A_129 : memref<1x1024xi32, #tpu.memory_space<hbm>> -> memref<1024xi32, #tpu.memory_space<hbm>>
    %dma_start3A_131 = arith.constant 5120 : i32
    %dma_start3A_132 = tpu.memref_slice %arg6[%dma_start3A_131] : memref<16400xi32, #tpu.memory_space<vmem>> -> memref<1024xi32, #tpu.memory_space<vmem>>
    %dma_start3A_133 = arith.constant 0 : i32
    %dma_start3A_134 = tpu.memref_slice %arg2[%add3A_125, %dma_start3A_133] : memref<512x1024xi32, #tpu.memory_space<hbm>> -> memref<1x1024xi32, #tpu.memory_space<hbm>>
    %dma_start3A_135 = tpu.memref_squeeze %dma_start3A_134 : memref<1x1024xi32, #tpu.memory_space<hbm>> -> memref<1024xi32, #tpu.memory_space<hbm>>
    tpu.enqueue_dma source(%dma_start3A_135 : memref<1024xi32, #tpu.memory_space<hbm>>) target(%dma_start3A_132 : memref<1024xi32, #tpu.memory_space<vmem>>) target_semaphore(%arg14 : memref<!tpu.dma_semaphore, #tpu.memory_space<semaphore_mem>>)
    %add3A_136 = arith.constant 5 : i32
    %add3A_137 = arith.addi %mul3A_2, %add3A_136 : i32
    %dma_start3A_138 = arith.constant 5120 : i32
    %dma_start3A_139 = tpu.memref_slice %arg7[%dma_start3A_138] : memref<16400xf32, #tpu.memory_space<vmem>> -> memref<1024xf32, #tpu.memory_space<vmem>>
    %dma_start3A_140 = arith.constant 0 : i32
    %dma_start3A_141 = tpu.memref_slice %arg3[%add3A_137, %dma_start3A_140] : memref<512x1024xf32, #tpu.memory_space<hbm>> -> memref<1x1024xf32, #tpu.memory_space<hbm>>
    %dma_start3A_142 = tpu.memref_squeeze %dma_start3A_141 : memref<1x1024xf32, #tpu.memory_space<hbm>> -> memref<1024xf32, #tpu.memory_space<hbm>>
    %dma_start3A_143 = arith.constant 5120 : i32
    %dma_start3A_144 = tpu.memref_slice %arg7[%dma_start3A_143] : memref<16400xf32, #tpu.memory_space<vmem>> -> memref<1024xf32, #tpu.memory_space<vmem>>
    %dma_start3A_145 = arith.constant 0 : i32
    %dma_start3A_146 = tpu.memref_slice %arg3[%add3A_137, %dma_start3A_145] : memref<512x1024xf32, #tpu.memory_space<hbm>> -> memref<1x1024xf32, #tpu.memory_space<hbm>>
    %dma_start3A_147 = tpu.memref_squeeze %dma_start3A_146 : memref<1x1024xf32, #tpu.memory_space<hbm>> -> memref<1024xf32, #tpu.memory_space<hbm>>
    tpu.enqueue_dma source(%dma_start3A_147 : memref<1024xf32, #tpu.memory_space<hbm>>) target(%dma_start3A_144 : memref<1024xf32, #tpu.memory_space<vmem>>) target_semaphore(%arg14 : memref<!tpu.dma_semaphore, #tpu.memory_space<semaphore_mem>>)
    %add3A_148 = arith.constant 6 : i32
    %add3A_149 = arith.addi %mul3A_2, %add3A_148 : i32
    %dma_start3A_150 = arith.constant 6144 : i32
    %dma_start3A_151 = tpu.memref_slice %arg6[%dma_start3A_150] : memref<16400xi32, #tpu.memory_space<vmem>> -> memref<1024xi32, #tpu.memory_space<vmem>>
    %dma_start3A_152 = arith.constant 0 : i32
    %dma_start3A_153 = tpu.memref_slice %arg2[%add3A_149, %dma_start3A_152] : memref<512x1024xi32, #tpu.memory_space<hbm>> -> memref<1x1024xi32, #tpu.memory_space<hbm>>
    %dma_start3A_154 = tpu.memref_squeeze %dma_start3A_153 : memref<1x1024xi32, #tpu.memory_space<hbm>> -> memref<1024xi32, #tpu.memory_space<hbm>>
    %dma_start3A_155 = arith.constant 6144 : i32
    %dma_start3A_156 = tpu.memref_slice %arg6[%dma_start3A_155] : memref<16400xi32, #tpu.memory_space<vmem>> -> memref<1024xi32, #tpu.memory_space<vmem>>
    %dma_start3A_157 = arith.constant 0 : i32
    %dma_start3A_158 = tpu.memref_slice %arg2[%add3A_149, %dma_start3A_157] : memref<512x1024xi32, #tpu.memory_space<hbm>> -> memref<1x1024xi32, #tpu.memory_space<hbm>>
    %dma_start3A_159 = tpu.memref_squeeze %dma_start3A_158 : memref<1x1024xi32, #tpu.memory_space<hbm>> -> memref<1024xi32, #tpu.memory_space<hbm>>
    tpu.enqueue_dma source(%dma_start3A_159 : memref<1024xi32, #tpu.memory_space<hbm>>) target(%dma_start3A_156 : memref<1024xi32, #tpu.memory_space<vmem>>) target_semaphore(%arg14 : memref<!tpu.dma_semaphore, #tpu.memory_space<semaphore_mem>>)
    %add3A_160 = arith.constant 6 : i32
    %add3A_161 = arith.addi %mul3A_2, %add3A_160 : i32
    %dma_start3A_162 = arith.constant 6144 : i32
    %dma_start3A_163 = tpu.memref_slice %arg7[%dma_start3A_162] : memref<16400xf32, #tpu.memory_space<vmem>> -> memref<1024xf32, #tpu.memory_space<vmem>>
    %dma_start3A_164 = arith.constant 0 : i32
    %dma_start3A_165 = tpu.memref_slice %arg3[%add3A_161, %dma_start3A_164] : memref<512x1024xf32, #tpu.memory_space<hbm>> -> memref<1x1024xf32, #tpu.memory_space<hbm>>
    %dma_start3A_166 = tpu.memref_squeeze %dma_start3A_165 : memref<1x1024xf32, #tpu.memory_space<hbm>> -> memref<1024xf32, #tpu.memory_space<hbm>>
    %dma_start3A_167 = arith.constant 6144 : i32
    %dma_start3A_168 = tpu.memref_slice %arg7[%dma_start3A_167] : memref<16400xf32, #tpu.memory_space<vmem>> -> memref<1024xf32, #tpu.memory_space<vmem>>
    %dma_start3A_169 = arith.constant 0 : i32
    %dma_start3A_170 = tpu.memref_slice %arg3[%add3A_161, %dma_start3A_169] : memref<512x1024xf32, #tpu.memory_space<hbm>> -> memref<1x1024xf32, #tpu.memory_space<hbm>>
    %dma_start3A_171 = tpu.memref_squeeze %dma_start3A_170 : memref<1x1024xf32, #tpu.memory_space<hbm>> -> memref<1024xf32, #tpu.memory_space<hbm>>
    tpu.enqueue_dma source(%dma_start3A_171 : memref<1024xf32, #tpu.memory_space<hbm>>) target(%dma_start3A_168 : memref<1024xf32, #tpu.memory_space<vmem>>) target_semaphore(%arg14 : memref<!tpu.dma_semaphore, #tpu.memory_space<semaphore_mem>>)
    %add3A_172 = arith.constant 7 : i32
    %add3A_173 = arith.addi %mul3A_2, %add3A_172 : i32
    %dma_start3A_174 = arith.constant 7168 : i32
    %dma_start3A_175 = tpu.memref_slice %arg6[%dma_start3A_174] : memref<16400xi32, #tpu.memory_space<vmem>> -> memref<1024xi32, #tpu.memory_space<vmem>>
    %dma_start3A_176 = arith.constant 0 : i32
    %dma_start3A_177 = tpu.memref_slice %arg2[%add3A_173, %dma_start3A_176] : memref<512x1024xi32, #tpu.memory_space<hbm>> -> memref<1x1024xi32, #tpu.memory_space<hbm>>
    %dma_start3A_178 = tpu.memref_squeeze %dma_start3A_177 : memref<1x1024xi32, #tpu.memory_space<hbm>> -> memref<1024xi32, #tpu.memory_space<hbm>>
    %dma_start3A_179 = arith.constant 7168 : i32
    %dma_start3A_180 = tpu.memref_slice %arg6[%dma_start3A_179] : memref<16400xi32, #tpu.memory_space<vmem>> -> memref<1024xi32, #tpu.memory_space<vmem>>
    %dma_start3A_181 = arith.constant 0 : i32
    %dma_start3A_182 = tpu.memref_slice %arg2[%add3A_173, %dma_start3A_181] : memref<512x1024xi32, #tpu.memory_space<hbm>> -> memref<1x1024xi32, #tpu.memory_space<hbm>>
    %dma_start3A_183 = tpu.memref_squeeze %dma_start3A_182 : memref<1x1024xi32, #tpu.memory_space<hbm>> -> memref<1024xi32, #tpu.memory_space<hbm>>
    tpu.enqueue_dma source(%dma_start3A_183 : memref<1024xi32, #tpu.memory_space<hbm>>) target(%dma_start3A_180 : memref<1024xi32, #tpu.memory_space<vmem>>) target_semaphore(%arg14 : memref<!tpu.dma_semaphore, #tpu.memory_space<semaphore_mem>>)
    %add3A_184 = arith.constant 7 : i32
    %add3A_185 = arith.addi %mul3A_2, %add3A_184 : i32
    %dma_start3A_186 = arith.constant 7168 : i32
    %dma_start3A_187 = tpu.memref_slice %arg7[%dma_start3A_186] : memref<16400xf32, #tpu.memory_space<vmem>> -> memref<1024xf32, #tpu.memory_space<vmem>>
    %dma_start3A_188 = arith.constant 0 : i32
    %dma_start3A_189 = tpu.memref_slice %arg3[%add3A_185, %dma_start3A_188] : memref<512x1024xf32, #tpu.memory_space<hbm>> -> memref<1x1024xf32, #tpu.memory_space<hbm>>
    %dma_start3A_190 = tpu.memref_squeeze %dma_start3A_189 : memref<1x1024xf32, #tpu.memory_space<hbm>> -> memref<1024xf32, #tpu.memory_space<hbm>>
    %dma_start3A_191 = arith.constant 7168 : i32
    %dma_start3A_192 = tpu.memref_slice %arg7[%dma_start3A_191] : memref<16400xf32, #tpu.memory_space<vmem>> -> memref<1024xf32, #tpu.memory_space<vmem>>
    %dma_start3A_193 = arith.constant 0 : i32
    %dma_start3A_194 = tpu.memref_slice %arg3[%add3A_185, %dma_start3A_193] : memref<512x1024xf32, #tpu.memory_space<hbm>> -> memref<1x1024xf32, #tpu.memory_space<hbm>>
    %dma_start3A_195 = tpu.memref_squeeze %dma_start3A_194 : memref<1x1024xf32, #tpu.memory_space<hbm>> -> memref<1024xf32, #tpu.memory_space<hbm>>
    tpu.enqueue_dma source(%dma_start3A_195 : memref<1024xf32, #tpu.memory_space<hbm>>) target(%dma_start3A_192 : memref<1024xf32, #tpu.memory_space<vmem>>) target_semaphore(%arg14 : memref<!tpu.dma_semaphore, #tpu.memory_space<semaphore_mem>>)
    %add3A_196 = arith.constant 8 : i32
    %add3A_197 = arith.addi %mul3A_2, %add3A_196 : i32
    %dma_start3A_198 = arith.constant 8192 : i32
    %dma_start3A_199 = tpu.memref_slice %arg6[%dma_start3A_198] : memref<16400xi32, #tpu.memory_space<vmem>> -> memref<1024xi32, #tpu.memory_space<vmem>>
    %dma_start3A_200 = arith.constant 0 : i32
    %dma_start3A_201 = tpu.memref_slice %arg2[%add3A_197, %dma_start3A_200] : memref<512x1024xi32, #tpu.memory_space<hbm>> -> memref<1x1024xi32, #tpu.memory_space<hbm>>
    %dma_start3A_202 = tpu.memref_squeeze %dma_start3A_201 : memref<1x1024xi32, #tpu.memory_space<hbm>> -> memref<1024xi32, #tpu.memory_space<hbm>>
    %dma_start3A_203 = arith.constant 8192 : i32
    %dma_start3A_204 = tpu.memref_slice %arg6[%dma_start3A_203] : memref<16400xi32, #tpu.memory_space<vmem>> -> memref<1024xi32, #tpu.memory_space<vmem>>
    %dma_start3A_205 = arith.constant 0 : i32
    %dma_start3A_206 = tpu.memref_slice %arg2[%add3A_197, %dma_start3A_205] : memref<512x1024xi32, #tpu.memory_space<hbm>> -> memref<1x1024xi32, #tpu.memory_space<hbm>>
    %dma_start3A_207 = tpu.memref_squeeze %dma_start3A_206 : memref<1x1024xi32, #tpu.memory_space<hbm>> -> memref<1024xi32, #tpu.memory_space<hbm>>
    tpu.enqueue_dma source(%dma_start3A_207 : memref<1024xi32, #tpu.memory_space<hbm>>) target(%dma_start3A_204 : memref<1024xi32, #tpu.memory_space<vmem>>) target_semaphore(%arg14 : memref<!tpu.dma_semaphore, #tpu.memory_space<semaphore_mem>>)
    %add3A_208 = arith.constant 8 : i32
    %add3A_209 = arith.addi %mul3A_2, %add3A_208 : i32
    %dma_start3A_210 = arith.constant 8192 : i32
    %dma_start3A_211 = tpu.memref_slice %arg7[%dma_start3A_210] : memref<16400xf32, #tpu.memory_space<vmem>> -> memref<1024xf32, #tpu.memory_space<vmem>>
    %dma_start3A_212 = arith.constant 0 : i32
    %dma_start3A_213 = tpu.memref_slice %arg3[%add3A_209, %dma_start3A_212] : memref<512x1024xf32, #tpu.memory_space<hbm>> -> memref<1x1024xf32, #tpu.memory_space<hbm>>
    %dma_start3A_214 = tpu.memref_squeeze %dma_start3A_213 : memref<1x1024xf32, #tpu.memory_space<hbm>> -> memref<1024xf32, #tpu.memory_space<hbm>>
    %dma_start3A_215 = arith.constant 8192 : i32
    %dma_start3A_216 = tpu.memref_slice %arg7[%dma_start3A_215] : memref<16400xf32, #tpu.memory_space<vmem>> -> memref<1024xf32, #tpu.memory_space<vmem>>
    %dma_start3A_217 = arith.constant 0 : i32
    %dma_start3A_218 = tpu.memref_slice %arg3[%add3A_209, %dma_start3A_217] : memref<512x1024xf32, #tpu.memory_space<hbm>> -> memref<1x1024xf32, #tpu.memory_space<hbm>>
    %dma_start3A_219 = tpu.memref_squeeze %dma_start3A_218 : memref<1x1024xf32, #tpu.memory_space<hbm>> -> memref<1024xf32, #tpu.memory_space<hbm>>
    tpu.enqueue_dma source(%dma_start3A_219 : memref<1024xf32, #tpu.memory_space<hbm>>) target(%dma_start3A_216 : memref<1024xf32, #tpu.memory_space<vmem>>) target_semaphore(%arg14 : memref<!tpu.dma_semaphore, #tpu.memory_space<semaphore_mem>>)
    %add3A_220 = arith.constant 9 : i32
    %add3A_221 = arith.addi %mul3A_2, %add3A_220 : i32
    %dma_start3A_222 = arith.constant 9216 : i32
    %dma_start3A_223 = tpu.memref_slice %arg6[%dma_start3A_222] : memref<16400xi32, #tpu.memory_space<vmem>> -> memref<1024xi32, #tpu.memory_space<vmem>>
    %dma_start3A_224 = arith.constant 0 : i32
    %dma_start3A_225 = tpu.memref_slice %arg2[%add3A_221, %dma_start3A_224] : memref<512x1024xi32, #tpu.memory_space<hbm>> -> memref<1x1024xi32, #tpu.memory_space<hbm>>
    %dma_start3A_226 = tpu.memref_squeeze %dma_start3A_225 : memref<1x1024xi32, #tpu.memory_space<hbm>> -> memref<1024xi32, #tpu.memory_space<hbm>>
    %dma_start3A_227 = arith.constant 9216 : i32
    %dma_start3A_228 = tpu.memref_slice %arg6[%dma_start3A_227] : memref<16400xi32, #tpu.memory_space<vmem>> -> memref<1024xi32, #tpu.memory_space<vmem>>
    %dma_start3A_229 = arith.constant 0 : i32
    %dma_start3A_230 = tpu.memref_slice %arg2[%add3A_221, %dma_start3A_229] : memref<512x1024xi32, #tpu.memory_space<hbm>> -> memref<1x1024xi32, #tpu.memory_space<hbm>>
    %dma_start3A_231 = tpu.memref_squeeze %dma_start3A_230 : memref<1x1024xi32, #tpu.memory_space<hbm>> -> memref<1024xi32, #tpu.memory_space<hbm>>
    tpu.enqueue_dma source(%dma_start3A_231 : memref<1024xi32, #tpu.memory_space<hbm>>) target(%dma_start3A_228 : memref<1024xi32, #tpu.memory_space<vmem>>) target_semaphore(%arg14 : memref<!tpu.dma_semaphore, #tpu.memory_space<semaphore_mem>>)
    %add3A_232 = arith.constant 9 : i32
    %add3A_233 = arith.addi %mul3A_2, %add3A_232 : i32
    %dma_start3A_234 = arith.constant 9216 : i32
    %dma_start3A_235 = tpu.memref_slice %arg7[%dma_start3A_234] : memref<16400xf32, #tpu.memory_space<vmem>> -> memref<1024xf32, #tpu.memory_space<vmem>>
    %dma_start3A_236 = arith.constant 0 : i32
    %dma_start3A_237 = tpu.memref_slice %arg3[%add3A_233, %dma_start3A_236] : memref<512x1024xf32, #tpu.memory_space<hbm>> -> memref<1x1024xf32, #tpu.memory_space<hbm>>
    %dma_start3A_238 = tpu.memref_squeeze %dma_start3A_237 : memref<1x1024xf32, #tpu.memory_space<hbm>> -> memref<1024xf32, #tpu.memory_space<hbm>>
    %dma_start3A_239 = arith.constant 9216 : i32
    %dma_start3A_240 = tpu.memref_slice %arg7[%dma_start3A_239] : memref<16400xf32, #tpu.memory_space<vmem>> -> memref<1024xf32, #tpu.memory_space<vmem>>
    %dma_start3A_241 = arith.constant 0 : i32
    %dma_start3A_242 = tpu.memref_slice %arg3[%add3A_233, %dma_start3A_241] : memref<512x1024xf32, #tpu.memory_space<hbm>> -> memref<1x1024xf32, #tpu.memory_space<hbm>>
    %dma_start3A_243 = tpu.memref_squeeze %dma_start3A_242 : memref<1x1024xf32, #tpu.memory_space<hbm>> -> memref<1024xf32, #tpu.memory_space<hbm>>
    tpu.enqueue_dma source(%dma_start3A_243 : memref<1024xf32, #tpu.memory_space<hbm>>) target(%dma_start3A_240 : memref<1024xf32, #tpu.memory_space<vmem>>) target_semaphore(%arg14 : memref<!tpu.dma_semaphore, #tpu.memory_space<semaphore_mem>>)
    %add3A_244 = arith.constant 10 : i32
    %add3A_245 = arith.addi %mul3A_2, %add3A_244 : i32
    %dma_start3A_246 = arith.constant 10240 : i32
    %dma_start3A_247 = tpu.memref_slice %arg6[%dma_start3A_246] : memref<16400xi32, #tpu.memory_space<vmem>> -> memref<1024xi32, #tpu.memory_space<vmem>>
    %dma_start3A_248 = arith.constant 0 : i32
    %dma_start3A_249 = tpu.memref_slice %arg2[%add3A_245, %dma_start3A_248] : memref<512x1024xi32, #tpu.memory_space<hbm>> -> memref<1x1024xi32, #tpu.memory_space<hbm>>
    %dma_start3A_250 = tpu.memref_squeeze %dma_start3A_249 : memref<1x1024xi32, #tpu.memory_space<hbm>> -> memref<1024xi32, #tpu.memory_space<hbm>>
    %dma_start3A_251 = arith.constant 10240 : i32
    %dma_start3A_252 = tpu.memref_slice %arg6[%dma_start3A_251] : memref<16400xi32, #tpu.memory_space<vmem>> -> memref<1024xi32, #tpu.memory_space<vmem>>
    %dma_start3A_253 = arith.constant 0 : i32
    %dma_start3A_254 = tpu.memref_slice %arg2[%add3A_245, %dma_start3A_253] : memref<512x1024xi32, #tpu.memory_space<hbm>> -> memref<1x1024xi32, #tpu.memory_space<hbm>>
    %dma_start3A_255 = tpu.memref_squeeze %dma_start3A_254 : memref<1x1024xi32, #tpu.memory_space<hbm>> -> memref<1024xi32, #tpu.memory_space<hbm>>
    tpu.enqueue_dma source(%dma_start3A_255 : memref<1024xi32, #tpu.memory_space<hbm>>) target(%dma_start3A_252 : memref<1024xi32, #tpu.memory_space<vmem>>) target_semaphore(%arg14 : memref<!tpu.dma_semaphore, #tpu.memory_space<semaphore_mem>>)
    %add3A_256 = arith.constant 10 : i32
    %add3A_257 = arith.addi %mul3A_2, %add3A_256 : i32
    %dma_start3A_258 = arith.constant 10240 : i32
    %dma_start3A_259 = tpu.memref_slice %arg7[%dma_start3A_258] : memref<16400xf32, #tpu.memory_space<vmem>> -> memref<1024xf32, #tpu.memory_space<vmem>>
    %dma_start3A_260 = arith.constant 0 : i32
    %dma_start3A_261 = tpu.memref_slice %arg3[%add3A_257, %dma_start3A_260] : memref<512x1024xf32, #tpu.memory_space<hbm>> -> memref<1x1024xf32, #tpu.memory_space<hbm>>
    %dma_start3A_262 = tpu.memref_squeeze %dma_start3A_261 : memref<1x1024xf32, #tpu.memory_space<hbm>> -> memref<1024xf32, #tpu.memory_space<hbm>>
    %dma_start3A_263 = arith.constant 10240 : i32
    %dma_start3A_264 = tpu.memref_slice %arg7[%dma_start3A_263] : memref<16400xf32, #tpu.memory_space<vmem>> -> memref<1024xf32, #tpu.memory_space<vmem>>
    %dma_start3A_265 = arith.constant 0 : i32
    %dma_start3A_266 = tpu.memref_slice %arg3[%add3A_257, %dma_start3A_265] : memref<512x1024xf32, #tpu.memory_space<hbm>> -> memref<1x1024xf32, #tpu.memory_space<hbm>>
    %dma_start3A_267 = tpu.memref_squeeze %dma_start3A_266 : memref<1x1024xf32, #tpu.memory_space<hbm>> -> memref<1024xf32, #tpu.memory_space<hbm>>
    tpu.enqueue_dma source(%dma_start3A_267 : memref<1024xf32, #tpu.memory_space<hbm>>) target(%dma_start3A_264 : memref<1024xf32, #tpu.memory_space<vmem>>) target_semaphore(%arg14 : memref<!tpu.dma_semaphore, #tpu.memory_space<semaphore_mem>>)
    %add3A_268 = arith.constant 11 : i32
    %add3A_269 = arith.addi %mul3A_2, %add3A_268 : i32
    %dma_start3A_270 = arith.constant 11264 : i32
    %dma_start3A_271 = tpu.memref_slice %arg6[%dma_start3A_270] : memref<16400xi32, #tpu.memory_space<vmem>> -> memref<1024xi32, #tpu.memory_space<vmem>>
    %dma_start3A_272 = arith.constant 0 : i32
    %dma_start3A_273 = tpu.memref_slice %arg2[%add3A_269, %dma_start3A_272] : memref<512x1024xi32, #tpu.memory_space<hbm>> -> memref<1x1024xi32, #tpu.memory_space<hbm>>
    %dma_start3A_274 = tpu.memref_squeeze %dma_start3A_273 : memref<1x1024xi32, #tpu.memory_space<hbm>> -> memref<1024xi32, #tpu.memory_space<hbm>>
    %dma_start3A_275 = arith.constant 11264 : i32
    %dma_start3A_276 = tpu.memref_slice %arg6[%dma_start3A_275] : memref<16400xi32, #tpu.memory_space<vmem>> -> memref<1024xi32, #tpu.memory_space<vmem>>
    %dma_start3A_277 = arith.constant 0 : i32
    %dma_start3A_278 = tpu.memref_slice %arg2[%add3A_269, %dma_start3A_277] : memref<512x1024xi32, #tpu.memory_space<hbm>> -> memref<1x1024xi32, #tpu.memory_space<hbm>>
    %dma_start3A_279 = tpu.memref_squeeze %dma_start3A_278 : memref<1x1024xi32, #tpu.memory_space<hbm>> -> memref<1024xi32, #tpu.memory_space<hbm>>
    tpu.enqueue_dma source(%dma_start3A_279 : memref<1024xi32, #tpu.memory_space<hbm>>) target(%dma_start3A_276 : memref<1024xi32, #tpu.memory_space<vmem>>) target_semaphore(%arg14 : memref<!tpu.dma_semaphore, #tpu.memory_space<semaphore_mem>>)
    %add3A_280 = arith.constant 11 : i32
    %add3A_281 = arith.addi %mul3A_2, %add3A_280 : i32
    %dma_start3A_282 = arith.constant 11264 : i32
    %dma_start3A_283 = tpu.memref_slice %arg7[%dma_start3A_282] : memref<16400xf32, #tpu.memory_space<vmem>> -> memref<1024xf32, #tpu.memory_space<vmem>>
    %dma_start3A_284 = arith.constant 0 : i32
    %dma_start3A_285 = tpu.memref_slice %arg3[%add3A_281, %dma_start3A_284] : memref<512x1024xf32, #tpu.memory_space<hbm>> -> memref<1x1024xf32, #tpu.memory_space<hbm>>
    %dma_start3A_286 = tpu.memref_squeeze %dma_start3A_285 : memref<1x1024xf32, #tpu.memory_space<hbm>> -> memref<1024xf32, #tpu.memory_space<hbm>>
    %dma_start3A_287 = arith.constant 11264 : i32
    %dma_start3A_288 = tpu.memref_slice %arg7[%dma_start3A_287] : memref<16400xf32, #tpu.memory_space<vmem>> -> memref<1024xf32, #tpu.memory_space<vmem>>
    %dma_start3A_289 = arith.constant 0 : i32
    %dma_start3A_290 = tpu.memref_slice %arg3[%add3A_281, %dma_start3A_289] : memref<512x1024xf32, #tpu.memory_space<hbm>> -> memref<1x1024xf32, #tpu.memory_space<hbm>>
    %dma_start3A_291 = tpu.memref_squeeze %dma_start3A_290 : memref<1x1024xf32, #tpu.memory_space<hbm>> -> memref<1024xf32, #tpu.memory_space<hbm>>
    tpu.enqueue_dma source(%dma_start3A_291 : memref<1024xf32, #tpu.memory_space<hbm>>) target(%dma_start3A_288 : memref<1024xf32, #tpu.memory_space<vmem>>) target_semaphore(%arg14 : memref<!tpu.dma_semaphore, #tpu.memory_space<semaphore_mem>>)
    %add3A_292 = arith.constant 12 : i32
    %add3A_293 = arith.addi %mul3A_2, %add3A_292 : i32
    %dma_start3A_294 = arith.constant 12288 : i32
    %dma_start3A_295 = tpu.memref_slice %arg6[%dma_start3A_294] : memref<16400xi32, #tpu.memory_space<vmem>> -> memref<1024xi32, #tpu.memory_space<vmem>>
    %dma_start3A_296 = arith.constant 0 : i32
    %dma_start3A_297 = tpu.memref_slice %arg2[%add3A_293, %dma_start3A_296] : memref<512x1024xi32, #tpu.memory_space<hbm>> -> memref<1x1024xi32, #tpu.memory_space<hbm>>
    %dma_start3A_298 = tpu.memref_squeeze %dma_start3A_297 : memref<1x1024xi32, #tpu.memory_space<hbm>> -> memref<1024xi32, #tpu.memory_space<hbm>>
    %dma_start3A_299 = arith.constant 12288 : i32
    %dma_start3A_300 = tpu.memref_slice %arg6[%dma_start3A_299] : memref<16400xi32, #tpu.memory_space<vmem>> -> memref<1024xi32, #tpu.memory_space<vmem>>
    %dma_start3A_301 = arith.constant 0 : i32
    %dma_start3A_302 = tpu.memref_slice %arg2[%add3A_293, %dma_start3A_301] : memref<512x1024xi32, #tpu.memory_space<hbm>> -> memref<1x1024xi32, #tpu.memory_space<hbm>>
    %dma_start3A_303 = tpu.memref_squeeze %dma_start3A_302 : memref<1x1024xi32, #tpu.memory_space<hbm>> -> memref<1024xi32, #tpu.memory_space<hbm>>
    tpu.enqueue_dma source(%dma_start3A_303 : memref<1024xi32, #tpu.memory_space<hbm>>) target(%dma_start3A_300 : memref<1024xi32, #tpu.memory_space<vmem>>) target_semaphore(%arg14 : memref<!tpu.dma_semaphore, #tpu.memory_space<semaphore_mem>>)
    %add3A_304 = arith.constant 12 : i32
    %add3A_305 = arith.addi %mul3A_2, %add3A_304 : i32
    %dma_start3A_306 = arith.constant 12288 : i32
    %dma_start3A_307 = tpu.memref_slice %arg7[%dma_start3A_306] : memref<16400xf32, #tpu.memory_space<vmem>> -> memref<1024xf32, #tpu.memory_space<vmem>>
    %dma_start3A_308 = arith.constant 0 : i32
    %dma_start3A_309 = tpu.memref_slice %arg3[%add3A_305, %dma_start3A_308] : memref<512x1024xf32, #tpu.memory_space<hbm>> -> memref<1x1024xf32, #tpu.memory_space<hbm>>
    %dma_start3A_310 = tpu.memref_squeeze %dma_start3A_309 : memref<1x1024xf32, #tpu.memory_space<hbm>> -> memref<1024xf32, #tpu.memory_space<hbm>>
    %dma_start3A_311 = arith.constant 12288 : i32
    %dma_start3A_312 = tpu.memref_slice %arg7[%dma_start3A_311] : memref<16400xf32, #tpu.memory_space<vmem>> -> memref<1024xf32, #tpu.memory_space<vmem>>
    %dma_start3A_313 = arith.constant 0 : i32
    %dma_start3A_314 = tpu.memref_slice %arg3[%add3A_305, %dma_start3A_313] : memref<512x1024xf32, #tpu.memory_space<hbm>> -> memref<1x1024xf32, #tpu.memory_space<hbm>>
    %dma_start3A_315 = tpu.memref_squeeze %dma_start3A_314 : memref<1x1024xf32, #tpu.memory_space<hbm>> -> memref<1024xf32, #tpu.memory_space<hbm>>
    tpu.enqueue_dma source(%dma_start3A_315 : memref<1024xf32, #tpu.memory_space<hbm>>) target(%dma_start3A_312 : memref<1024xf32, #tpu.memory_space<vmem>>) target_semaphore(%arg14 : memref<!tpu.dma_semaphore, #tpu.memory_space<semaphore_mem>>)
    %add3A_316 = arith.constant 13 : i32
    %add3A_317 = arith.addi %mul3A_2, %add3A_316 : i32
    %dma_start3A_318 = arith.constant 13312 : i32
    %dma_start3A_319 = tpu.memref_slice %arg6[%dma_start3A_318] : memref<16400xi32, #tpu.memory_space<vmem>> -> memref<1024xi32, #tpu.memory_space<vmem>>
    %dma_start3A_320 = arith.constant 0 : i32
    %dma_start3A_321 = tpu.memref_slice %arg2[%add3A_317, %dma_start3A_320] : memref<512x1024xi32, #tpu.memory_space<hbm>> -> memref<1x1024xi32, #tpu.memory_space<hbm>>
    %dma_start3A_322 = tpu.memref_squeeze %dma_start3A_321 : memref<1x1024xi32, #tpu.memory_space<hbm>> -> memref<1024xi32, #tpu.memory_space<hbm>>
    %dma_start3A_323 = arith.constant 13312 : i32
    %dma_start3A_324 = tpu.memref_slice %arg6[%dma_start3A_323] : memref<16400xi32, #tpu.memory_space<vmem>> -> memref<1024xi32, #tpu.memory_space<vmem>>
    %dma_start3A_325 = arith.constant 0 : i32
    %dma_start3A_326 = tpu.memref_slice %arg2[%add3A_317, %dma_start3A_325] : memref<512x1024xi32, #tpu.memory_space<hbm>> -> memref<1x1024xi32, #tpu.memory_space<hbm>>
    %dma_start3A_327 = tpu.memref_squeeze %dma_start3A_326 : memref<1x1024xi32, #tpu.memory_space<hbm>> -> memref<1024xi32, #tpu.memory_space<hbm>>
    tpu.enqueue_dma source(%dma_start3A_327 : memref<1024xi32, #tpu.memory_space<hbm>>) target(%dma_start3A_324 : memref<1024xi32, #tpu.memory_space<vmem>>) target_semaphore(%arg14 : memref<!tpu.dma_semaphore, #tpu.memory_space<semaphore_mem>>)
    %add3A_328 = arith.constant 13 : i32
    %add3A_329 = arith.addi %mul3A_2, %add3A_328 : i32
    %dma_start3A_330 = arith.constant 13312 : i32
    %dma_start3A_331 = tpu.memref_slice %arg7[%dma_start3A_330] : memref<16400xf32, #tpu.memory_space<vmem>> -> memref<1024xf32, #tpu.memory_space<vmem>>
    %dma_start3A_332 = arith.constant 0 : i32
    %dma_start3A_333 = tpu.memref_slice %arg3[%add3A_329, %dma_start3A_332] : memref<512x1024xf32, #tpu.memory_space<hbm>> -> memref<1x1024xf32, #tpu.memory_space<hbm>>
    %dma_start3A_334 = tpu.memref_squeeze %dma_start3A_333 : memref<1x1024xf32, #tpu.memory_space<hbm>> -> memref<1024xf32, #tpu.memory_space<hbm>>
    %dma_start3A_335 = arith.constant 13312 : i32
    %dma_start3A_336 = tpu.memref_slice %arg7[%dma_start3A_335] : memref<16400xf32, #tpu.memory_space<vmem>> -> memref<1024xf32, #tpu.memory_space<vmem>>
    %dma_start3A_337 = arith.constant 0 : i32
    %dma_start3A_338 = tpu.memref_slice %arg3[%add3A_329, %dma_start3A_337] : memref<512x1024xf32, #tpu.memory_space<hbm>> -> memref<1x1024xf32, #tpu.memory_space<hbm>>
    %dma_start3A_339 = tpu.memref_squeeze %dma_start3A_338 : memref<1x1024xf32, #tpu.memory_space<hbm>> -> memref<1024xf32, #tpu.memory_space<hbm>>
    tpu.enqueue_dma source(%dma_start3A_339 : memref<1024xf32, #tpu.memory_space<hbm>>) target(%dma_start3A_336 : memref<1024xf32, #tpu.memory_space<vmem>>) target_semaphore(%arg14 : memref<!tpu.dma_semaphore, #tpu.memory_space<semaphore_mem>>)
    %add3A_340 = arith.constant 14 : i32
    %add3A_341 = arith.addi %mul3A_2, %add3A_340 : i32
    %dma_start3A_342 = arith.constant 14336 : i32
    %dma_start3A_343 = tpu.memref_slice %arg6[%dma_start3A_342] : memref<16400xi32, #tpu.memory_space<vmem>> -> memref<1024xi32, #tpu.memory_space<vmem>>
    %dma_start3A_344 = arith.constant 0 : i32
    %dma_start3A_345 = tpu.memref_slice %arg2[%add3A_341, %dma_start3A_344] : memref<512x1024xi32, #tpu.memory_space<hbm>> -> memref<1x1024xi32, #tpu.memory_space<hbm>>
    %dma_start3A_346 = tpu.memref_squeeze %dma_start3A_345 : memref<1x1024xi32, #tpu.memory_space<hbm>> -> memref<1024xi32, #tpu.memory_space<hbm>>
    %dma_start3A_347 = arith.constant 14336 : i32
    %dma_start3A_348 = tpu.memref_slice %arg6[%dma_start3A_347] : memref<16400xi32, #tpu.memory_space<vmem>> -> memref<1024xi32, #tpu.memory_space<vmem>>
    %dma_start3A_349 = arith.constant 0 : i32
    %dma_start3A_350 = tpu.memref_slice %arg2[%add3A_341, %dma_start3A_349] : memref<512x1024xi32, #tpu.memory_space<hbm>> -> memref<1x1024xi32, #tpu.memory_space<hbm>>
    %dma_start3A_351 = tpu.memref_squeeze %dma_start3A_350 : memref<1x1024xi32, #tpu.memory_space<hbm>> -> memref<1024xi32, #tpu.memory_space<hbm>>
    tpu.enqueue_dma source(%dma_start3A_351 : memref<1024xi32, #tpu.memory_space<hbm>>) target(%dma_start3A_348 : memref<1024xi32, #tpu.memory_space<vmem>>) target_semaphore(%arg14 : memref<!tpu.dma_semaphore, #tpu.memory_space<semaphore_mem>>)
    %add3A_352 = arith.constant 14 : i32
    %add3A_353 = arith.addi %mul3A_2, %add3A_352 : i32
    %dma_start3A_354 = arith.constant 14336 : i32
    %dma_start3A_355 = tpu.memref_slice %arg7[%dma_start3A_354] : memref<16400xf32, #tpu.memory_space<vmem>> -> memref<1024xf32, #tpu.memory_space<vmem>>
    %dma_start3A_356 = arith.constant 0 : i32
    %dma_start3A_357 = tpu.memref_slice %arg3[%add3A_353, %dma_start3A_356] : memref<512x1024xf32, #tpu.memory_space<hbm>> -> memref<1x1024xf32, #tpu.memory_space<hbm>>
    %dma_start3A_358 = tpu.memref_squeeze %dma_start3A_357 : memref<1x1024xf32, #tpu.memory_space<hbm>> -> memref<1024xf32, #tpu.memory_space<hbm>>
    %dma_start3A_359 = arith.constant 14336 : i32
    %dma_start3A_360 = tpu.memref_slice %arg7[%dma_start3A_359] : memref<16400xf32, #tpu.memory_space<vmem>> -> memref<1024xf32, #tpu.memory_space<vmem>>
    %dma_start3A_361 = arith.constant 0 : i32
    %dma_start3A_362 = tpu.memref_slice %arg3[%add3A_353, %dma_start3A_361] : memref<512x1024xf32, #tpu.memory_space<hbm>> -> memref<1x1024xf32, #tpu.memory_space<hbm>>
    %dma_start3A_363 = tpu.memref_squeeze %dma_start3A_362 : memref<1x1024xf32, #tpu.memory_space<hbm>> -> memref<1024xf32, #tpu.memory_space<hbm>>
    tpu.enqueue_dma source(%dma_start3A_363 : memref<1024xf32, #tpu.memory_space<hbm>>) target(%dma_start3A_360 : memref<1024xf32, #tpu.memory_space<vmem>>) target_semaphore(%arg14 : memref<!tpu.dma_semaphore, #tpu.memory_space<semaphore_mem>>)
    %add3A_364 = arith.constant 15 : i32
    %add3A_365 = arith.addi %mul3A_2, %add3A_364 : i32
    %dma_start3A_366 = arith.constant 15360 : i32
    %dma_start3A_367 = tpu.memref_slice %arg6[%dma_start3A_366] : memref<16400xi32, #tpu.memory_space<vmem>> -> memref<1024xi32, #tpu.memory_space<vmem>>
    %dma_start3A_368 = arith.constant 0 : i32
    %dma_start3A_369 = tpu.memref_slice %arg2[%add3A_365, %dma_start3A_368] : memref<512x1024xi32, #tpu.memory_space<hbm>> -> memref<1x1024xi32, #tpu.memory_space<hbm>>
    %dma_start3A_370 = tpu.memref_squeeze %dma_start3A_369 : memref<1x1024xi32, #tpu.memory_space<hbm>> -> memref<1024xi32, #tpu.memory_space<hbm>>
    %dma_start3A_371 = arith.constant 15360 : i32
    %dma_start3A_372 = tpu.memref_slice %arg6[%dma_start3A_371] : memref<16400xi32, #tpu.memory_space<vmem>> -> memref<1024xi32, #tpu.memory_space<vmem>>
    %dma_start3A_373 = arith.constant 0 : i32
    %dma_start3A_374 = tpu.memref_slice %arg2[%add3A_365, %dma_start3A_373] : memref<512x1024xi32, #tpu.memory_space<hbm>> -> memref<1x1024xi32, #tpu.memory_space<hbm>>
    %dma_start3A_375 = tpu.memref_squeeze %dma_start3A_374 : memref<1x1024xi32, #tpu.memory_space<hbm>> -> memref<1024xi32, #tpu.memory_space<hbm>>
    tpu.enqueue_dma source(%dma_start3A_375 : memref<1024xi32, #tpu.memory_space<hbm>>) target(%dma_start3A_372 : memref<1024xi32, #tpu.memory_space<vmem>>) target_semaphore(%arg14 : memref<!tpu.dma_semaphore, #tpu.memory_space<semaphore_mem>>)
    %add3A_376 = arith.constant 15 : i32
    %add3A_377 = arith.addi %mul3A_2, %add3A_376 : i32
    %dma_start3A_378 = arith.constant 15360 : i32
    %dma_start3A_379 = tpu.memref_slice %arg7[%dma_start3A_378] : memref<16400xf32, #tpu.memory_space<vmem>> -> memref<1024xf32, #tpu.memory_space<vmem>>
    %dma_start3A_380 = arith.constant 0 : i32
    %dma_start3A_381 = tpu.memref_slice %arg3[%add3A_377, %dma_start3A_380] : memref<512x1024xf32, #tpu.memory_space<hbm>> -> memref<1x1024xf32, #tpu.memory_space<hbm>>
    %dma_start3A_382 = tpu.memref_squeeze %dma_start3A_381 : memref<1x1024xf32, #tpu.memory_space<hbm>> -> memref<1024xf32, #tpu.memory_space<hbm>>
    %dma_start3A_383 = arith.constant 15360 : i32
    %dma_start3A_384 = tpu.memref_slice %arg7[%dma_start3A_383] : memref<16400xf32, #tpu.memory_space<vmem>> -> memref<1024xf32, #tpu.memory_space<vmem>>
    %dma_start3A_385 = arith.constant 0 : i32
    %dma_start3A_386 = tpu.memref_slice %arg3[%add3A_377, %dma_start3A_385] : memref<512x1024xf32, #tpu.memory_space<hbm>> -> memref<1x1024xf32, #tpu.memory_space<hbm>>
    %dma_start3A_387 = tpu.memref_squeeze %dma_start3A_386 : memref<1x1024xf32, #tpu.memory_space<hbm>> -> memref<1024xf32, #tpu.memory_space<hbm>>
    tpu.enqueue_dma source(%dma_start3A_387 : memref<1024xf32, #tpu.memory_space<hbm>>) target(%dma_start3A_384 : memref<1024xf32, #tpu.memory_space<vmem>>) target_semaphore(%arg14 : memref<!tpu.dma_semaphore, #tpu.memory_space<semaphore_mem>>)
    %dma_wait3A = arith.constant 0 : i32
    %dma_wait3A_388 = tpu.memref_slice %arg6[%dma_wait3A] : memref<16400xi32, #tpu.memory_space<vmem>> -> memref<1024xi32, #tpu.memory_space<vmem>>
    %dma_wait3A_389 = arith.constant 0 : i32
    %dma_wait3A_390 = tpu.memref_slice %arg2[%mul3A_2, %dma_wait3A_389] : memref<512x1024xi32, #tpu.memory_space<hbm>> -> memref<1x1024xi32, #tpu.memory_space<hbm>>
    %dma_wait3A_391 = tpu.memref_squeeze %dma_wait3A_390 : memref<1x1024xi32, #tpu.memory_space<hbm>> -> memref<1024xi32, #tpu.memory_space<hbm>>
    %dma_wait3A_392 = arith.constant 0 : i32
    %dma_wait3A_393 = tpu.memref_slice %arg6[%dma_wait3A_392] : memref<16400xi32, #tpu.memory_space<vmem>> -> memref<1024xi32, #tpu.memory_space<vmem>>
    %dma_wait3A_394 = arith.constant 0 : i32
    %dma_wait3A_395 = tpu.memref_slice %arg2[%mul3A_2, %dma_wait3A_394] : memref<512x1024xi32, #tpu.memory_space<hbm>> -> memref<1x1024xi32, #tpu.memory_space<hbm>>
    %dma_wait3A_396 = tpu.memref_squeeze %dma_wait3A_395 : memref<1x1024xi32, #tpu.memory_space<hbm>> -> memref<1024xi32, #tpu.memory_space<hbm>>
    tpu.wait_dma2 semaphore(%arg13 : memref<!tpu.dma_semaphore, #tpu.memory_space<semaphore_mem>>) src(%dma_wait3A_396 : memref<1024xi32, #tpu.memory_space<hbm>>) dst(%dma_wait3A_393 : memref<1024xi32, #tpu.memory_space<vmem>>)
    %dma_wait3A_397 = arith.constant 0 : i32
    %dma_wait3A_398 = tpu.memref_slice %arg7[%dma_wait3A_397] : memref<16400xf32, #tpu.memory_space<vmem>> -> memref<1024xf32, #tpu.memory_space<vmem>>
    %dma_wait3A_399 = arith.constant 0 : i32
    %dma_wait3A_400 = tpu.memref_slice %arg3[%mul3A_2, %dma_wait3A_399] : memref<512x1024xf32, #tpu.memory_space<hbm>> -> memref<1x1024xf32, #tpu.memory_space<hbm>>
    %dma_wait3A_401 = tpu.memref_squeeze %dma_wait3A_400 : memref<1x1024xf32, #tpu.memory_space<hbm>> -> memref<1024xf32, #tpu.memory_space<hbm>>
    %dma_wait3A_402 = arith.constant 0 : i32
    %dma_wait3A_403 = tpu.memref_slice %arg7[%dma_wait3A_402] : memref<16400xf32, #tpu.memory_space<vmem>> -> memref<1024xf32, #tpu.memory_space<vmem>>
    %dma_wait3A_404 = arith.constant 0 : i32
    %dma_wait3A_405 = tpu.memref_slice %arg3[%mul3A_2, %dma_wait3A_404] : memref<512x1024xf32, #tpu.memory_space<hbm>> -> memref<1x1024xf32, #tpu.memory_space<hbm>>
    %dma_wait3A_406 = tpu.memref_squeeze %dma_wait3A_405 : memref<1x1024xf32, #tpu.memory_space<hbm>> -> memref<1024xf32, #tpu.memory_space<hbm>>
    tpu.wait_dma2 semaphore(%arg13 : memref<!tpu.dma_semaphore, #tpu.memory_space<semaphore_mem>>) src(%dma_wait3A_406 : memref<1024xf32, #tpu.memory_space<hbm>>) dst(%dma_wait3A_403 : memref<1024xf32, #tpu.memory_space<vmem>>)
    %dma_wait3A_407 = arith.constant 16384 : i32
    %dma_wait3A_408 = tpu.memref_slice %arg7[%dma_wait3A_407] : memref<16400xf32, #tpu.memory_space<vmem>> -> memref<16xf32, #tpu.memory_space<vmem>>
    %dma_wait3A_409 = tpu.memref_slice %arg4[%mul3A_2] : memref<512xf32, #tpu.memory_space<hbm>> -> memref<16xf32, #tpu.memory_space<hbm>>
    %dma_wait3A_410 = arith.constant 16384 : i32
    %dma_wait3A_411 = tpu.memref_slice %arg7[%dma_wait3A_410] : memref<16400xf32, #tpu.memory_space<vmem>> -> memref<16xf32, #tpu.memory_space<vmem>>
    %dma_wait3A_412 = tpu.memref_slice %arg4[%mul3A_2] : memref<512xf32, #tpu.memory_space<hbm>> -> memref<16xf32, #tpu.memory_space<hbm>>
    tpu.wait_dma2 semaphore(%arg13 : memref<!tpu.dma_semaphore, #tpu.memory_space<semaphore_mem>>) src(%dma_wait3A_412 : memref<16xf32, #tpu.memory_space<hbm>>) dst(%dma_wait3A_411 : memref<16xf32, #tpu.memory_space<vmem>>)
    %iota3A = tpu.iota {dimensions = array<i32: 0>} : vector<16xi32>
    %broadcast_in_dim3A = arith.constant 0 : i32
    %broadcast_in_dim3A_413 = vector.broadcast %broadcast_in_dim3A : i32 to vector<16xi32>
    %parallel_loop3A = arith.constant 0 : i32
    %parallel_loop3A_414 = arith.constant 128 : i32
    %parallel_loop3A_415 = arith.constant 1 : i32
    scf.for %parallel_loop3A_782 = %parallel_loop3A to %parallel_loop3A_414 step %parallel_loop3A_415  : i32 {
      %parallel_loop3A_783 = arith.constant 16 : i32
      %parallel_loop3A_784 = arith.muli %parallel_loop3A_782, %parallel_loop3A_783 : i32
      %parallel_loop3A_785 = arith.index_cast %parallel_loop3A_784 : i32 to index
      %parallel_loop3A_786 = tpu.vector_load %arg9[%parallel_loop3A_785] {strides = array<i32>} : memref<2048xi32, #tpu.memory_space<vmem>>, vector<16xi32>,
      tpu.vector_store %arg9[%parallel_loop3A_785], %broadcast_in_dim3A_413 {strides = array<i32>} : memref<2048xi32, #tpu.memory_space<vmem>>, vector<16xi32>,
    } {sc.loop_unroll_factor = 4 : i64, sc.parallel_access}
    %parallel_loop3A_416 = arith.constant 0 : i32
    %parallel_loop3A_417 = arith.constant 64 : i32
    %parallel_loop3A_418 = arith.constant 1 : i32
    scf.for %parallel_loop3A_782 = %parallel_loop3A_416 to %parallel_loop3A_417 step %parallel_loop3A_418  : i32 {
      %parallel_loop3A_783 = arith.constant 16 : i32
      %parallel_loop3A_784 = arith.muli %parallel_loop3A_782, %parallel_loop3A_783 : i32
      %parallel_loop3A_785 = arith.constant 0 : i32
      %parallel_loop3A_786 = arith.addi %parallel_loop3A_785, %parallel_loop3A_784 : i32
      %parallel_loop3A_787 = arith.constant 1 : i32
      %parallel_loop3A_788 = arith.addi %parallel_loop3A_786, %parallel_loop3A_787 : i32
      %parallel_loop3A_789 = vector.broadcast %parallel_loop3A_788 : i32 to vector<16xi32>
      %parallel_loop3A_790 = arith.addi %iota3A, %parallel_loop3A_789 : vector<16xi32>
      %parallel_loop3A_791 = arith.constant 16 : i32
      %parallel_loop3A_792 = arith.muli %parallel_loop3A_782, %parallel_loop3A_791 : i32
      %parallel_loop3A_793 = arith.constant 0 : i32
      %parallel_loop3A_794 = arith.addi %parallel_loop3A_793, %parallel_loop3A_792 : i32
      %parallel_loop3A_795 = arith.index_cast %parallel_loop3A_794 : i32 to index
      %parallel_loop3A_796 = tpu.vector_load %arg6[%parallel_loop3A_795] {strides = array<i32>} : memref<16400xi32, #tpu.memory_space<vmem>>, vector<16xi32>,
      %parallel_loop3A_797 = tpu.vector_load_idx %arg6[%parallel_loop3A_790] : memref<16400xi32, #tpu.memory_space<vmem>>[vector<16xi32>], vector<16xi32>,
      %parallel_loop3A_798 = arith.cmpi ne, %parallel_loop3A_796, %parallel_loop3A_797 : vector<16xi32>
      %parallel_loop3A_799 = arith.constant 1024 : i32
      %parallel_loop3A_800 = vector.broadcast %parallel_loop3A_799 : i32 to vector<16xi32>
      %parallel_loop3A_801 = arith.cmpi eq, %parallel_loop3A_790, %parallel_loop3A_800 : vector<16xi32>
      %parallel_loop3A_802 = arith.ori %parallel_loop3A_798, %parallel_loop3A_801 : vector<16xi1>
      tpu.vector_store_idx %arg9[%parallel_loop3A_796], %parallel_loop3A_790 masked %parallel_loop3A_802 : memref<2048xi32, #tpu.memory_space<vmem>>[vector<16xi32>], vector<16xi32>, vector<16xi1>
    } {sc.loop_unroll_factor = 4 : i64, sc.parallel_access}
    %parallel_loop3A_419 = arith.constant 0 : i32
    %parallel_loop3A_420 = arith.constant 128 : i32
    %parallel_loop3A_421 = arith.constant 1 : i32
    scf.for %parallel_loop3A_782 = %parallel_loop3A_419 to %parallel_loop3A_420 step %parallel_loop3A_421  : i32 {
      %parallel_loop3A_783 = arith.constant 16 : i32
      %parallel_loop3A_784 = arith.muli %parallel_loop3A_782, %parallel_loop3A_783 : i32
      %parallel_loop3A_785 = arith.index_cast %parallel_loop3A_784 : i32 to index
      %parallel_loop3A_786 = tpu.vector_load %arg9[%parallel_loop3A_785] {strides = array<i32>} : memref<2048xi32, #tpu.memory_space<vmem>>, vector<16xi32>,
      %parallel_loop3A_787 = arith.constant 16 : i32
      %parallel_loop3A_788 = arith.muli %parallel_loop3A_782, %parallel_loop3A_787 : i32
      %parallel_loop3A_789 = arith.index_cast %parallel_loop3A_788 : i32 to index
      %parallel_loop3A_790 = tpu.vector_load %arg9[%parallel_loop3A_789] {strides = array<i32>} : memref<2048xi32, #tpu.memory_space<vmem>>, vector<16xi32>,
      tpu.vector_store %arg9[%parallel_loop3A_789], %broadcast_in_dim3A_413 {strides = array<i32>} : memref<2048xi32, #tpu.memory_space<vmem>>, vector<16xi32>,
      %parallel_loop3A_791 = arith.constant true
      %parallel_loop3A_792 = vector.broadcast %parallel_loop3A_791 : i1 to vector<16xi1>
      %parallel_loop3A_793 = arith.constant -2147483648 : i32
      %parallel_loop3A_794 = vector.broadcast %parallel_loop3A_793 : i32 to vector<16xi32>
      %parallel_loop3A_795 = arith.xori %parallel_loop3A_786, %parallel_loop3A_794 : vector<16xi32>
      %parallel_loop3A_796 = tpu.scan <max>, %parallel_loop3A_795 masked %parallel_loop3A_792 : vector<16xi32>, vector<16xi1> -> vector<16xi32>
      %parallel_loop3A_797 = arith.xori %parallel_loop3A_796, %parallel_loop3A_794 : vector<16xi32>
      %parallel_loop3A_798 = arith.constant 16 : i32
      %parallel_loop3A_799 = arith.muli %parallel_loop3A_782, %parallel_loop3A_798 : i32
      %parallel_loop3A_800 = arith.index_cast %parallel_loop3A_799 : i32 to index
      %parallel_loop3A_801 = tpu.vector_load %arg10[%parallel_loop3A_800] {strides = array<i32>} : memref<2048xi32, #tpu.memory_space<vmem>>, vector<16xi32>,
      tpu.vector_store %arg10[%parallel_loop3A_800], %parallel_loop3A_797 {strides = array<i32>} : memref<2048xi32, #tpu.memory_space<vmem>>, vector<16xi32>,
    } {sc.loop_unroll_factor = 4 : i64, sc.parallel_access}
    %mul3A_422 = arith.constant 16 : i32
    %mul3A_423 = vector.broadcast %mul3A_422 : i32 to vector<16xi32>
    %mul3A_424 = arith.muli %iota3A, %mul3A_423 : vector<16xi32>
    %add3A_425 = arith.constant 15 : i32
    %add3A_426 = vector.broadcast %add3A_425 : i32 to vector<16xi32>
    %add3A_427 = arith.addi %mul3A_424, %add3A_426 : vector<16xi32>
    %scan3A = arith.constant 0 : i32
    %scan3A_428 = arith.constant 8 : i32
    %scan3A_429 = arith.addi %scan3A, %scan3A_428 : i32
    %scan3A_430 = arith.constant 1 : i32
    %scan3A_431 = scf.for %scan3A_782 = %scan3A to %scan3A_429 step %scan3A_430 iter_args(%scan3A_783 = %broadcast_in_dim3A_413) -> (vector<16xi32>)  : i32 {
      %mul3A_784 = arith.constant 256 : i32
      %mul3A_785 = arith.muli %scan3A_782, %mul3A_784 : i32
      %add3A_786 = vector.broadcast %mul3A_785 : i32 to vector<16xi32>
      %add3A_787 = arith.addi %add3A_427, %add3A_786 : vector<16xi32>
      %gather3A = tpu.vector_load_idx %arg10[%add3A_787] : memref<2048xi32, #tpu.memory_space<vmem>>[vector<16xi32>], vector<16xi32>,
      %broadcast_in_dim3A_788 = arith.constant true
      %broadcast_in_dim3A_789 = vector.broadcast %broadcast_in_dim3A_788 : i1 to vector<16xi1>
      %masked_cummax3A = arith.constant -2147483648 : i32
      %masked_cummax3A_790 = vector.broadcast %masked_cummax3A : i32 to vector<16xi32>
      %masked_cummax3A_791 = arith.xori %gather3A, %masked_cummax3A_790 : vector<16xi32>
      %masked_cummax3A_792 = tpu.scan <max>, %masked_cummax3A_791 masked %broadcast_in_dim3A_789 : vector<16xi32>, vector<16xi1> -> vector<16xi32>
      %masked_cummax3A_793 = arith.xori %masked_cummax3A_792, %masked_cummax3A_790 : vector<16xi32>
      %max3A = arith.maxsi %masked_cummax3A_793, %scan3A_783 : vector<16xi32>
      %mul3A_794 = arith.constant 16 : i32
      %mul3A_795 = arith.muli %scan3A_782, %mul3A_794 : i32
      %swap3A = arith.index_cast %mul3A_795 : i32 to index
      %swap3A_796 = tpu.vector_load %arg11[%swap3A] {strides = array<i32>} : memref<128xi32, #tpu.memory_space<vmem>>, vector<16xi32>,
      tpu.vector_store %arg11[%swap3A], %max3A {strides = array<i32>} : memref<128xi32, #tpu.memory_space<vmem>>, vector<16xi32>,
      %mul3A_797 = arith.constant 16 : i32
      %mul3A_798 = arith.muli %scan3A_782, %mul3A_797 : i32
      %add3A_799 = arith.constant 15 : i32
      %add3A_800 = arith.addi %mul3A_798, %add3A_799 : i32
      %broadcast_in_dim3A_801 = vector.broadcast %add3A_800 : i32 to vector<16xi32>
      %gather3A_802 = tpu.vector_load_idx %arg11[%broadcast_in_dim3A_801] : memref<128xi32, #tpu.memory_space<vmem>>[vector<16xi32>], vector<16xi32>,
      scf.yield %gather3A_802 : vector<16xi32>
    }
    %scan3A_432 = arith.constant 8 : i32
    %parallel_loop3A_433 = arith.constant 0 : i32
    %parallel_loop3A_434 = arith.constant 8 : i32
    %parallel_loop3A_435 = arith.constant 1 : i32
    scf.for %parallel_loop3A_782 = %parallel_loop3A_433 to %parallel_loop3A_434 step %parallel_loop3A_435  : i32 {
      %parallel_loop3A_783 = arith.constant 16 : i32
      %parallel_loop3A_784 = arith.muli %parallel_loop3A_782, %parallel_loop3A_783 : i32
      %parallel_loop3A_785 = vector.broadcast %parallel_loop3A_784 : i32 to vector<16xi32>
      %parallel_loop3A_786 = arith.addi %iota3A, %parallel_loop3A_785 : vector<16xi32>
      %parallel_loop3A_787 = arith.constant 1 : i32
      %parallel_loop3A_788 = vector.broadcast %parallel_loop3A_787 : i32 to vector<16xi32>
      %parallel_loop3A_789 = arith.subi %parallel_loop3A_786, %parallel_loop3A_788 : vector<16xi32>
      %parallel_loop3A_790 = arith.constant 0 : i32
      %parallel_loop3A_791 = vector.broadcast %parallel_loop3A_790 : i32 to vector<16xi32>
      %parallel_loop3A_792 = arith.maxsi %parallel_loop3A_789, %parallel_loop3A_791 : vector<16xi32>
      %parallel_loop3A_793 = tpu.vector_load_idx %arg11[%parallel_loop3A_792] : memref<128xi32, #tpu.memory_space<vmem>>[vector<16xi32>], vector<16xi32>,
      %parallel_loop3A_794 = arith.constant 0 : i32
      %parallel_loop3A_795 = vector.broadcast %parallel_loop3A_794 : i32 to vector<16xi32>
      %parallel_loop3A_796 = arith.cmpi sgt, %parallel_loop3A_786, %parallel_loop3A_795 : vector<16xi32>
      %parallel_loop3A_797 = arith.constant 0 : i32
      %parallel_loop3A_798 = vector.broadcast %parallel_loop3A_797 : i32 to vector<16xi32>
      %parallel_loop3A_799 = arith.select %parallel_loop3A_796, %parallel_loop3A_793, %parallel_loop3A_798 : vector<16xi1>, vector<16xi32>
      %parallel_loop3A_800 = arith.constant 16 : i32
      %parallel_loop3A_801 = arith.muli %parallel_loop3A_782, %parallel_loop3A_800 : i32
      %parallel_loop3A_802 = arith.index_cast %parallel_loop3A_801 : i32 to index
      %parallel_loop3A_803 = tpu.vector_load %arg12[%parallel_loop3A_802] {strides = array<i32>} : memref<128xi32, #tpu.memory_space<vmem>>, vector<16xi32>,
      tpu.vector_store %arg12[%parallel_loop3A_802], %parallel_loop3A_799 {strides = array<i32>} : memref<128xi32, #tpu.memory_space<vmem>>, vector<16xi32>,
    } {sc.loop_unroll_factor = 1 : i64, sc.parallel_access}
    %parallel_loop3A_436 = arith.constant 0 : i32
    %parallel_loop3A_437 = arith.constant 64 : i32
    %parallel_loop3A_438 = arith.constant 1 : i32
    scf.for %parallel_loop3A_782 = %parallel_loop3A_436 to %parallel_loop3A_437 step %parallel_loop3A_438  : i32 {
      %parallel_loop3A_783 = arith.constant 2 : i32
      %parallel_loop3A_784 = vector.broadcast %parallel_loop3A_783 : i32 to vector<16xi32>
      %parallel_loop3A_785 = arith.muli %iota3A, %parallel_loop3A_784 : vector<16xi32>
      %parallel_loop3A_786 = arith.constant 32 : i32
      %parallel_loop3A_787 = arith.muli %parallel_loop3A_782, %parallel_loop3A_786 : i32
      %parallel_loop3A_788 = vector.broadcast %parallel_loop3A_787 : i32 to vector<16xi32>
      %parallel_loop3A_789 = arith.addi %parallel_loop3A_785, %parallel_loop3A_788 : vector<16xi32>
      %parallel_loop3A_790 = arith.constant 1 : i32
      %parallel_loop3A_791 = vector.broadcast %parallel_loop3A_790 : i32 to vector<16xi32>
      %parallel_loop3A_792 = arith.addi %parallel_loop3A_789, %parallel_loop3A_791 : vector<16xi32>
      %parallel_loop3A_793 = tpu.vector_load_idx %arg10[%parallel_loop3A_789] : memref<2048xi32, #tpu.memory_space<vmem>>[vector<16xi32>], vector<16xi32>,
      %parallel_loop3A_794 = tpu.vector_load_idx %arg10[%parallel_loop3A_792] : memref<2048xi32, #tpu.memory_space<vmem>>[vector<16xi32>], vector<16xi32>,
      %parallel_loop3A_795 = arith.constant 4 : i32
      %parallel_loop3A_796 = vector.broadcast %parallel_loop3A_795 : i32 to vector<16xi32>
      %parallel_loop3A_797 = arith.shrui %parallel_loop3A_789, %parallel_loop3A_796 : vector<16xi32>
      %parallel_loop3A_798 = tpu.vector_load_idx %arg12[%parallel_loop3A_797] : memref<128xi32, #tpu.memory_space<vmem>>[vector<16xi32>], vector<16xi32>,
      %parallel_loop3A_799 = arith.maxsi %parallel_loop3A_793, %parallel_loop3A_798 : vector<16xi32>
      %parallel_loop3A_800 = arith.maxsi %parallel_loop3A_794, %parallel_loop3A_798 : vector<16xi32>
      %parallel_loop3A_801 = arith.constant 0 : i32
      %parallel_loop3A_802 = vector.broadcast %parallel_loop3A_801 : i32 to vector<16xi32>
      %parallel_loop3A_803 = arith.cmpi sgt, %parallel_loop3A_799, %parallel_loop3A_802 : vector<16xi32>
      %parallel_loop3A_804 = arith.constant 1 : i32
      %parallel_loop3A_805 = vector.broadcast %parallel_loop3A_804 : i32 to vector<16xi32>
      %parallel_loop3A_806 = arith.subi %parallel_loop3A_799, %parallel_loop3A_805 : vector<16xi32>
      %parallel_loop3A_807 = arith.constant 16384 : i32
      %parallel_loop3A_808 = vector.broadcast %parallel_loop3A_807 : i32 to vector<16xi32>
      %parallel_loop3A_809 = arith.select %parallel_loop3A_803, %parallel_loop3A_806, %parallel_loop3A_808 : vector<16xi1>, vector<16xi32>
      %parallel_loop3A_810 = arith.constant 0 : i32
      %parallel_loop3A_811 = vector.broadcast %parallel_loop3A_810 : i32 to vector<16xi32>
      %parallel_loop3A_812 = arith.cmpi sgt, %parallel_loop3A_800, %parallel_loop3A_811 : vector<16xi32>
      %parallel_loop3A_813 = arith.constant 1 : i32
      %parallel_loop3A_814 = vector.broadcast %parallel_loop3A_813 : i32 to vector<16xi32>
      %parallel_loop3A_815 = arith.subi %parallel_loop3A_800, %parallel_loop3A_814 : vector<16xi32>
      %parallel_loop3A_816 = arith.constant 16384 : i32
      %parallel_loop3A_817 = vector.broadcast %parallel_loop3A_816 : i32 to vector<16xi32>
      %parallel_loop3A_818 = arith.select %parallel_loop3A_812, %parallel_loop3A_815, %parallel_loop3A_817 : vector<16xi1>, vector<16xi32>
      %parallel_loop3A_819 = tpu.vector_load_idx %arg7[%parallel_loop3A_809] : memref<16400xf32, #tpu.memory_space<vmem>>[vector<16xi32>], vector<16xf32>,
      %parallel_loop3A_820 = tpu.vector_load_idx %arg7[%parallel_loop3A_818] : memref<16400xf32, #tpu.memory_space<vmem>>[vector<16xi32>], vector<16xf32>,
      %parallel_loop3A_821 = tpu.pack_subelements %parallel_loop3A_819, %parallel_loop3A_820 {pack_format = #tpu.pack_format<interleaved>, positions = array<i32: 0, 1>} : vector<16xf32>, vector<16xf32> -> vector<32xbf16>
      %parallel_loop3A_822 = arith.constant 32 : i32
      %parallel_loop3A_823 = arith.muli %parallel_loop3A_782, %parallel_loop3A_822 : i32
      %parallel_loop3A_824 = arith.constant 0 : i32
      %parallel_loop3A_825 = arith.index_cast %parallel_loop3A_824 : i32 to index
      %parallel_loop3A_826 = arith.index_cast %parallel_loop3A_823 : i32 to index
      %parallel_loop3A_827 = tpu.vector_load %arg8[%parallel_loop3A_825, %parallel_loop3A_826] {strides = array<i32>} : memref<16x2048xbf16, #tpu.memory_space<vmem>>, vector<32xbf16>,
      tpu.vector_store %arg8[%parallel_loop3A_825, %parallel_loop3A_826], %parallel_loop3A_821 {strides = array<i32>} : memref<16x2048xbf16, #tpu.memory_space<vmem>>, vector<32xbf16>,
    } {sc.loop_unroll_factor = 4 : i64, sc.parallel_access}
    %eq3A = arith.constant 0 : i32
    %eq3A_439 = arith.constant 7 : i32
    %eq3A_440 = arith.cmpi eq, %eq3A, %eq3A_439 : i32
    %convert_element_type3A = arith.extui %eq3A_440 : i1 to i32
    %cond3A = arith.constant 0 : i32
    %cond3A_441 = arith.cmpi ne, %convert_element_type3A, %cond3A : i32
    scf.if %cond3A_441 {
      %dma_start3A_782 = arith.constant 0 : i32
      %dma_start3A_783 = arith.constant 0 : i32
      %dma_start3A_784 = tpu.memref_slice %arg8[%dma_start3A_782, %dma_start3A_783] : memref<16x2048xbf16, #tpu.memory_space<vmem>> -> memref<8x2048xbf16, #tpu.memory_space<vmem>>
      %dma_start3A_785 = arith.constant 0 : i32
      %dma_start3A_786 = tpu.memref_slice %arg5[%mul3A_2, %dma_start3A_785] : memref<512x2048xbf16, #tpu.memory_space<hbm>> -> memref<8x2048xbf16, #tpu.memory_space<hbm>>
      %dma_start3A_787 = arith.constant 0 : i32
      %dma_start3A_788 = tpu.memref_slice %arg5[%mul3A_2, %dma_start3A_787] : memref<512x2048xbf16, #tpu.memory_space<hbm>> -> memref<8x2048xbf16, #tpu.memory_space<hbm>>
      %dma_start3A_789 = arith.constant 0 : i32
      %dma_start3A_790 = arith.constant 0 : i32
      %dma_start3A_791 = tpu.memref_slice %arg8[%dma_start3A_789, %dma_start3A_790] : memref<16x2048xbf16, #tpu.memory_space<vmem>> -> memref<8x2048xbf16, #tpu.memory_space<vmem>>
      tpu.enqueue_dma source(%dma_start3A_791 : memref<8x2048xbf16, #tpu.memory_space<vmem>>) target(%dma_start3A_788 : memref<8x2048xbf16, #tpu.memory_space<hbm>>) target_semaphore(%arg15 : memref<!tpu.dma_semaphore, #tpu.memory_space<semaphore_mem>>)
    } else {
    }
    %dma_wait3A_442 = arith.constant 1024 : i32
    %dma_wait3A_443 = tpu.memref_slice %arg6[%dma_wait3A_442] : memref<16400xi32, #tpu.memory_space<vmem>> -> memref<1024xi32, #tpu.memory_space<vmem>>
    %dma_wait3A_444 = arith.constant 0 : i32
    %dma_wait3A_445 = tpu.memref_slice %arg2[%add3A_29, %dma_wait3A_444] : memref<512x1024xi32, #tpu.memory_space<hbm>> -> memref<1x1024xi32, #tpu.memory_space<hbm>>
    %dma_wait3A_446 = tpu.memref_squeeze %dma_wait3A_445 : memref<1x1024xi32, #tpu.memory_space<hbm>> -> memref<1024xi32, #tpu.memory_space<hbm>>
    %dma_wait3A_447 = arith.constant 1024 : i32
    %dma_wait3A_448 = tpu.memref_slice %arg6[%dma_wait3A_447] : memref<16400xi32, #tpu.memory_space<vmem>> -> memref<1024xi32, #tpu.memory_space<vmem>>
    %dma_wait3A_449 = arith.constant 0 : i32
    %dma_wait3A_450 = tpu.memref_slice %arg2[%add3A_29, %dma_wait3A_449] : memref<512x1024xi32, #tpu.memory_space<hbm>> -> memref<1x1024xi32, #tpu.memory_space<hbm>>
    %dma_wait3A_451 = tpu.memref_squeeze %dma_wait3A_450 : memref<1x1024xi32, #tpu.memory_space<hbm>> -> memref<1024xi32, #tpu.memory_space<hbm>>
    tpu.wait_dma2 semaphore(%arg14 : memref<!tpu.dma_semaphore, #tpu.memory_space<semaphore_mem>>) src(%dma_wait3A_451 : memref<1024xi32, #tpu.memory_space<hbm>>) dst(%dma_wait3A_448 : memref<1024xi32, #tpu.memory_space<vmem>>)
    %dma_wait3A_452 = arith.constant 1024 : i32
    %dma_wait3A_453 = tpu.memref_slice %arg7[%dma_wait3A_452] : memref<16400xf32, #tpu.memory_space<vmem>> -> memref<1024xf32, #tpu.memory_space<vmem>>
    %dma_wait3A_454 = arith.constant 0 : i32
    %dma_wait3A_455 = tpu.memref_slice %arg3[%add3A_41, %dma_wait3A_454] : memref<512x1024xf32, #tpu.memory_space<hbm>> -> memref<1x1024xf32, #tpu.memory_space<hbm>>
    %dma_wait3A_456 = tpu.memref_squeeze %dma_wait3A_455 : memref<1x1024xf32, #tpu.memory_space<hbm>> -> memref<1024xf32, #tpu.memory_space<hbm>>
    %dma_wait3A_457 = arith.constant 1024 : i32
    %dma_wait3A_458 = tpu.memref_slice %arg7[%dma_wait3A_457] : memref<16400xf32, #tpu.memory_space<vmem>> -> memref<1024xf32, #tpu.memory_space<vmem>>
    %dma_wait3A_459 = arith.constant 0 : i32
    %dma_wait3A_460 = tpu.memref_slice %arg3[%add3A_41, %dma_wait3A_459] : memref<512x1024xf32, #tpu.memory_space<hbm>> -> memref<1x1024xf32, #tpu.memory_space<hbm>>
    %dma_wait3A_461 = tpu.memref_squeeze %dma_wait3A_460 : memref<1x1024xf32, #tpu.memory_space<hbm>> -> memref<1024xf32, #tpu.memory_space<hbm>>
    tpu.wait_dma2 semaphore(%arg14 : memref<!tpu.dma_semaphore, #tpu.memory_space<semaphore_mem>>) src(%dma_wait3A_461 : memref<1024xf32, #tpu.memory_space<hbm>>) dst(%dma_wait3A_458 : memref<1024xf32, #tpu.memory_space<vmem>>)
    %dma_wait3A_462 = arith.constant 2048 : i32
    %dma_wait3A_463 = tpu.memref_slice %arg6[%dma_wait3A_462] : memref<16400xi32, #tpu.memory_space<vmem>> -> memref<1024xi32, #tpu.memory_space<vmem>>
    %dma_wait3A_464 = arith.constant 0 : i32
    %dma_wait3A_465 = tpu.memref_slice %arg2[%add3A_53, %dma_wait3A_464] : memref<512x1024xi32, #tpu.memory_space<hbm>> -> memref<1x1024xi32, #tpu.memory_space<hbm>>
    %dma_wait3A_466 = tpu.memref_squeeze %dma_wait3A_465 : memref<1x1024xi32, #tpu.memory_space<hbm>> -> memref<1024xi32, #tpu.memory_space<hbm>>
    %dma_wait3A_467 = arith.constant 2048 : i32
    %dma_wait3A_468 = tpu.memref_slice %arg6[%dma_wait3A_467] : memref<16400xi32, #tpu.memory_space<vmem>> -> memref<1024xi32, #tpu.memory_space<vmem>>
    %dma_wait3A_469 = arith.constant 0 : i32
    %dma_wait3A_470 = tpu.memref_slice %arg2[%add3A_53, %dma_wait3A_469] : memref<512x1024xi32, #tpu.memory_space<hbm>> -> memref<1x1024xi32, #tpu.memory_space<hbm>>
    %dma_wait3A_471 = tpu.memref_squeeze %dma_wait3A_470 : memref<1x1024xi32, #tpu.memory_space<hbm>> -> memref<1024xi32, #tpu.memory_space<hbm>>
    tpu.wait_dma2 semaphore(%arg14 : memref<!tpu.dma_semaphore, #tpu.memory_space<semaphore_mem>>) src(%dma_wait3A_471 : memref<1024xi32, #tpu.memory_space<hbm>>) dst(%dma_wait3A_468 : memref<1024xi32, #tpu.memory_space<vmem>>)
    %dma_wait3A_472 = arith.constant 2048 : i32
    %dma_wait3A_473 = tpu.memref_slice %arg7[%dma_wait3A_472] : memref<16400xf32, #tpu.memory_space<vmem>> -> memref<1024xf32, #tpu.memory_space<vmem>>
    %dma_wait3A_474 = arith.constant 0 : i32
    %dma_wait3A_475 = tpu.memref_slice %arg3[%add3A_65, %dma_wait3A_474] : memref<512x1024xf32, #tpu.memory_space<hbm>> -> memref<1x1024xf32, #tpu.memory_space<hbm>>
    %dma_wait3A_476 = tpu.memref_squeeze %dma_wait3A_475 : memref<1x1024xf32, #tpu.memory_space<hbm>> -> memref<1024xf32, #tpu.memory_space<hbm>>
    %dma_wait3A_477 = arith.constant 2048 : i32
    %dma_wait3A_478 = tpu.memref_slice %arg7[%dma_wait3A_477] : memref<16400xf32, #tpu.memory_space<vmem>> -> memref<1024xf32, #tpu.memory_space<vmem>>
    %dma_wait3A_479 = arith.constant 0 : i32
    %dma_wait3A_480 = tpu.memref_slice %arg3[%add3A_65, %dma_wait3A_479] : memref<512x1024xf32, #tpu.memory_space<hbm>> -> memref<1x1024xf32, #tpu.memory_space<hbm>>
    %dma_wait3A_481 = tpu.memref_squeeze %dma_wait3A_480 : memref<1x1024xf32, #tpu.memory_space<hbm>> -> memref<1024xf32, #tpu.memory_space<hbm>>
    tpu.wait_dma2 semaphore(%arg14 : memref<!tpu.dma_semaphore, #tpu.memory_space<semaphore_mem>>) src(%dma_wait3A_481 : memref<1024xf32, #tpu.memory_space<hbm>>) dst(%dma_wait3A_478 : memref<1024xf32, #tpu.memory_space<vmem>>)
    %dma_wait3A_482 = arith.constant 3072 : i32
    %dma_wait3A_483 = tpu.memref_slice %arg6[%dma_wait3A_482] : memref<16400xi32, #tpu.memory_space<vmem>> -> memref<1024xi32, #tpu.memory_space<vmem>>
    %dma_wait3A_484 = arith.constant 0 : i32
    %dma_wait3A_485 = tpu.memref_slice %arg2[%add3A_77, %dma_wait3A_484] : memref<512x1024xi32, #tpu.memory_space<hbm>> -> memref<1x1024xi32, #tpu.memory_space<hbm>>
    %dma_wait3A_486 = tpu.memref_squeeze %dma_wait3A_485 : memref<1x1024xi32, #tpu.memory_space<hbm>> -> memref<1024xi32, #tpu.memory_space<hbm>>
    %dma_wait3A_487 = arith.constant 3072 : i32
    %dma_wait3A_488 = tpu.memref_slice %arg6[%dma_wait3A_487] : memref<16400xi32, #tpu.memory_space<vmem>> -> memref<1024xi32, #tpu.memory_space<vmem>>
    %dma_wait3A_489 = arith.constant 0 : i32
    %dma_wait3A_490 = tpu.memref_slice %arg2[%add3A_77, %dma_wait3A_489] : memref<512x1024xi32, #tpu.memory_space<hbm>> -> memref<1x1024xi32, #tpu.memory_space<hbm>>
    %dma_wait3A_491 = tpu.memref_squeeze %dma_wait3A_490 : memref<1x1024xi32, #tpu.memory_space<hbm>> -> memref<1024xi32, #tpu.memory_space<hbm>>
    tpu.wait_dma2 semaphore(%arg14 : memref<!tpu.dma_semaphore, #tpu.memory_space<semaphore_mem>>) src(%dma_wait3A_491 : memref<1024xi32, #tpu.memory_space<hbm>>) dst(%dma_wait3A_488 : memref<1024xi32, #tpu.memory_space<vmem>>)
    %dma_wait3A_492 = arith.constant 3072 : i32
    %dma_wait3A_493 = tpu.memref_slice %arg7[%dma_wait3A_492] : memref<16400xf32, #tpu.memory_space<vmem>> -> memref<1024xf32, #tpu.memory_space<vmem>>
    %dma_wait3A_494 = arith.constant 0 : i32
    %dma_wait3A_495 = tpu.memref_slice %arg3[%add3A_89, %dma_wait3A_494] : memref<512x1024xf32, #tpu.memory_space<hbm>> -> memref<1x1024xf32, #tpu.memory_space<hbm>>
    %dma_wait3A_496 = tpu.memref_squeeze %dma_wait3A_495 : memref<1x1024xf32, #tpu.memory_space<hbm>> -> memref<1024xf32, #tpu.memory_space<hbm>>
    %dma_wait3A_497 = arith.constant 3072 : i32
    %dma_wait3A_498 = tpu.memref_slice %arg7[%dma_wait3A_497] : memref<16400xf32, #tpu.memory_space<vmem>> -> memref<1024xf32, #tpu.memory_space<vmem>>
    %dma_wait3A_499 = arith.constant 0 : i32
    %dma_wait3A_500 = tpu.memref_slice %arg3[%add3A_89, %dma_wait3A_499] : memref<512x1024xf32, #tpu.memory_space<hbm>> -> memref<1x1024xf32, #tpu.memory_space<hbm>>
    %dma_wait3A_501 = tpu.memref_squeeze %dma_wait3A_500 : memref<1x1024xf32, #tpu.memory_space<hbm>> -> memref<1024xf32, #tpu.memory_space<hbm>>
    tpu.wait_dma2 semaphore(%arg14 : memref<!tpu.dma_semaphore, #tpu.memory_space<semaphore_mem>>) src(%dma_wait3A_501 : memref<1024xf32, #tpu.memory_space<hbm>>) dst(%dma_wait3A_498 : memref<1024xf32, #tpu.memory_space<vmem>>)
    %dma_wait3A_502 = arith.constant 4096 : i32
    %dma_wait3A_503 = tpu.memref_slice %arg6[%dma_wait3A_502] : memref<16400xi32, #tpu.memory_space<vmem>> -> memref<1024xi32, #tpu.memory_space<vmem>>
    %dma_wait3A_504 = arith.constant 0 : i32
    %dma_wait3A_505 = tpu.memref_slice %arg2[%add3A_101, %dma_wait3A_504] : memref<512x1024xi32, #tpu.memory_space<hbm>> -> memref<1x1024xi32, #tpu.memory_space<hbm>>
    %dma_wait3A_506 = tpu.memref_squeeze %dma_wait3A_505 : memref<1x1024xi32, #tpu.memory_space<hbm>> -> memref<1024xi32, #tpu.memory_space<hbm>>
    %dma_wait3A_507 = arith.constant 4096 : i32
    %dma_wait3A_508 = tpu.memref_slice %arg6[%dma_wait3A_507] : memref<16400xi32, #tpu.memory_space<vmem>> -> memref<1024xi32, #tpu.memory_space<vmem>>
    %dma_wait3A_509 = arith.constant 0 : i32
    %dma_wait3A_510 = tpu.memref_slice %arg2[%add3A_101, %dma_wait3A_509] : memref<512x1024xi32, #tpu.memory_space<hbm>> -> memref<1x1024xi32, #tpu.memory_space<hbm>>
    %dma_wait3A_511 = tpu.memref_squeeze %dma_wait3A_510 : memref<1x1024xi32, #tpu.memory_space<hbm>> -> memref<1024xi32, #tpu.memory_space<hbm>>
    tpu.wait_dma2 semaphore(%arg14 : memref<!tpu.dma_semaphore, #tpu.memory_space<semaphore_mem>>) src(%dma_wait3A_511 : memref<1024xi32, #tpu.memory_space<hbm>>) dst(%dma_wait3A_508 : memref<1024xi32, #tpu.memory_space<vmem>>)
    %dma_wait3A_512 = arith.constant 4096 : i32
    %dma_wait3A_513 = tpu.memref_slice %arg7[%dma_wait3A_512] : memref<16400xf32, #tpu.memory_space<vmem>> -> memref<1024xf32, #tpu.memory_space<vmem>>
    %dma_wait3A_514 = arith.constant 0 : i32
    %dma_wait3A_515 = tpu.memref_slice %arg3[%add3A_113, %dma_wait3A_514] : memref<512x1024xf32, #tpu.memory_space<hbm>> -> memref<1x1024xf32, #tpu.memory_space<hbm>>
    %dma_wait3A_516 = tpu.memref_squeeze %dma_wait3A_515 : memref<1x1024xf32, #tpu.memory_space<hbm>> -> memref<1024xf32, #tpu.memory_space<hbm>>
    %dma_wait3A_517 = arith.constant 4096 : i32
    %dma_wait3A_518 = tpu.memref_slice %arg7[%dma_wait3A_517] : memref<16400xf32, #tpu.memory_space<vmem>> -> memref<1024xf32, #tpu.memory_space<vmem>>
    %dma_wait3A_519 = arith.constant 0 : i32
    %dma_wait3A_520 = tpu.memref_slice %arg3[%add3A_113, %dma_wait3A_519] : memref<512x1024xf32, #tpu.memory_space<hbm>> -> memref<1x1024xf32, #tpu.memory_space<hbm>>
    %dma_wait3A_521 = tpu.memref_squeeze %dma_wait3A_520 : memref<1x1024xf32, #tpu.memory_space<hbm>> -> memref<1024xf32, #tpu.memory_space<hbm>>
    tpu.wait_dma2 semaphore(%arg14 : memref<!tpu.dma_semaphore, #tpu.memory_space<semaphore_mem>>) src(%dma_wait3A_521 : memref<1024xf32, #tpu.memory_space<hbm>>) dst(%dma_wait3A_518 : memref<1024xf32, #tpu.memory_space<vmem>>)
    %dma_wait3A_522 = arith.constant 5120 : i32
    %dma_wait3A_523 = tpu.memref_slice %arg6[%dma_wait3A_522] : memref<16400xi32, #tpu.memory_space<vmem>> -> memref<1024xi32, #tpu.memory_space<vmem>>
    %dma_wait3A_524 = arith.constant 0 : i32
    %dma_wait3A_525 = tpu.memref_slice %arg2[%add3A_125, %dma_wait3A_524] : memref<512x1024xi32, #tpu.memory_space<hbm>> -> memref<1x1024xi32, #tpu.memory_space<hbm>>
    %dma_wait3A_526 = tpu.memref_squeeze %dma_wait3A_525 : memref<1x1024xi32, #tpu.memory_space<hbm>> -> memref<1024xi32, #tpu.memory_space<hbm>>
    %dma_wait3A_527 = arith.constant 5120 : i32
    %dma_wait3A_528 = tpu.memref_slice %arg6[%dma_wait3A_527] : memref<16400xi32, #tpu.memory_space<vmem>> -> memref<1024xi32, #tpu.memory_space<vmem>>
    %dma_wait3A_529 = arith.constant 0 : i32
    %dma_wait3A_530 = tpu.memref_slice %arg2[%add3A_125, %dma_wait3A_529] : memref<512x1024xi32, #tpu.memory_space<hbm>> -> memref<1x1024xi32, #tpu.memory_space<hbm>>
    %dma_wait3A_531 = tpu.memref_squeeze %dma_wait3A_530 : memref<1x1024xi32, #tpu.memory_space<hbm>> -> memref<1024xi32, #tpu.memory_space<hbm>>
    tpu.wait_dma2 semaphore(%arg14 : memref<!tpu.dma_semaphore, #tpu.memory_space<semaphore_mem>>) src(%dma_wait3A_531 : memref<1024xi32, #tpu.memory_space<hbm>>) dst(%dma_wait3A_528 : memref<1024xi32, #tpu.memory_space<vmem>>)
    %dma_wait3A_532 = arith.constant 5120 : i32
    %dma_wait3A_533 = tpu.memref_slice %arg7[%dma_wait3A_532] : memref<16400xf32, #tpu.memory_space<vmem>> -> memref<1024xf32, #tpu.memory_space<vmem>>
    %dma_wait3A_534 = arith.constant 0 : i32
    %dma_wait3A_535 = tpu.memref_slice %arg3[%add3A_137, %dma_wait3A_534] : memref<512x1024xf32, #tpu.memory_space<hbm>> -> memref<1x1024xf32, #tpu.memory_space<hbm>>
    %dma_wait3A_536 = tpu.memref_squeeze %dma_wait3A_535 : memref<1x1024xf32, #tpu.memory_space<hbm>> -> memref<1024xf32, #tpu.memory_space<hbm>>
    %dma_wait3A_537 = arith.constant 5120 : i32
    %dma_wait3A_538 = tpu.memref_slice %arg7[%dma_wait3A_537] : memref<16400xf32, #tpu.memory_space<vmem>> -> memref<1024xf32, #tpu.memory_space<vmem>>
    %dma_wait3A_539 = arith.constant 0 : i32
    %dma_wait3A_540 = tpu.memref_slice %arg3[%add3A_137, %dma_wait3A_539] : memref<512x1024xf32, #tpu.memory_space<hbm>> -> memref<1x1024xf32, #tpu.memory_space<hbm>>
    %dma_wait3A_541 = tpu.memref_squeeze %dma_wait3A_540 : memref<1x1024xf32, #tpu.memory_space<hbm>> -> memref<1024xf32, #tpu.memory_space<hbm>>
    tpu.wait_dma2 semaphore(%arg14 : memref<!tpu.dma_semaphore, #tpu.memory_space<semaphore_mem>>) src(%dma_wait3A_541 : memref<1024xf32, #tpu.memory_space<hbm>>) dst(%dma_wait3A_538 : memref<1024xf32, #tpu.memory_space<vmem>>)
    %dma_wait3A_542 = arith.constant 6144 : i32
    %dma_wait3A_543 = tpu.memref_slice %arg6[%dma_wait3A_542] : memref<16400xi32, #tpu.memory_space<vmem>> -> memref<1024xi32, #tpu.memory_space<vmem>>
    %dma_wait3A_544 = arith.constant 0 : i32
    %dma_wait3A_545 = tpu.memref_slice %arg2[%add3A_149, %dma_wait3A_544] : memref<512x1024xi32, #tpu.memory_space<hbm>> -> memref<1x1024xi32, #tpu.memory_space<hbm>>
    %dma_wait3A_546 = tpu.memref_squeeze %dma_wait3A_545 : memref<1x1024xi32, #tpu.memory_space<hbm>> -> memref<1024xi32, #tpu.memory_space<hbm>>
    %dma_wait3A_547 = arith.constant 6144 : i32
    %dma_wait3A_548 = tpu.memref_slice %arg6[%dma_wait3A_547] : memref<16400xi32, #tpu.memory_space<vmem>> -> memref<1024xi32, #tpu.memory_space<vmem>>
    %dma_wait3A_549 = arith.constant 0 : i32
    %dma_wait3A_550 = tpu.memref_slice %arg2[%add3A_149, %dma_wait3A_549] : memref<512x1024xi32, #tpu.memory_space<hbm>> -> memref<1x1024xi32, #tpu.memory_space<hbm>>
    %dma_wait3A_551 = tpu.memref_squeeze %dma_wait3A_550 : memref<1x1024xi32, #tpu.memory_space<hbm>> -> memref<1024xi32, #tpu.memory_space<hbm>>
    tpu.wait_dma2 semaphore(%arg14 : memref<!tpu.dma_semaphore, #tpu.memory_space<semaphore_mem>>) src(%dma_wait3A_551 : memref<1024xi32, #tpu.memory_space<hbm>>) dst(%dma_wait3A_548 : memref<1024xi32, #tpu.memory_space<vmem>>)
    %dma_wait3A_552 = arith.constant 6144 : i32
    %dma_wait3A_553 = tpu.memref_slice %arg7[%dma_wait3A_552] : memref<16400xf32, #tpu.memory_space<vmem>> -> memref<1024xf32, #tpu.memory_space<vmem>>
    %dma_wait3A_554 = arith.constant 0 : i32
    %dma_wait3A_555 = tpu.memref_slice %arg3[%add3A_161, %dma_wait3A_554] : memref<512x1024xf32, #tpu.memory_space<hbm>> -> memref<1x1024xf32, #tpu.memory_space<hbm>>
    %dma_wait3A_556 = tpu.memref_squeeze %dma_wait3A_555 : memref<1x1024xf32, #tpu.memory_space<hbm>> -> memref<1024xf32, #tpu.memory_space<hbm>>
    %dma_wait3A_557 = arith.constant 6144 : i32
    %dma_wait3A_558 = tpu.memref_slice %arg7[%dma_wait3A_557] : memref<16400xf32, #tpu.memory_space<vmem>> -> memref<1024xf32, #tpu.memory_space<vmem>>
    %dma_wait3A_559 = arith.constant 0 : i32
    %dma_wait3A_560 = tpu.memref_slice %arg3[%add3A_161, %dma_wait3A_559] : memref<512x1024xf32, #tpu.memory_space<hbm>> -> memref<1x1024xf32, #tpu.memory_space<hbm>>
    %dma_wait3A_561 = tpu.memref_squeeze %dma_wait3A_560 : memref<1x1024xf32, #tpu.memory_space<hbm>> -> memref<1024xf32, #tpu.memory_space<hbm>>
    tpu.wait_dma2 semaphore(%arg14 : memref<!tpu.dma_semaphore, #tpu.memory_space<semaphore_mem>>) src(%dma_wait3A_561 : memref<1024xf32, #tpu.memory_space<hbm>>) dst(%dma_wait3A_558 : memref<1024xf32, #tpu.memory_space<vmem>>)
    %dma_wait3A_562 = arith.constant 7168 : i32
    %dma_wait3A_563 = tpu.memref_slice %arg6[%dma_wait3A_562] : memref<16400xi32, #tpu.memory_space<vmem>> -> memref<1024xi32, #tpu.memory_space<vmem>>
    %dma_wait3A_564 = arith.constant 0 : i32
    %dma_wait3A_565 = tpu.memref_slice %arg2[%add3A_173, %dma_wait3A_564] : memref<512x1024xi32, #tpu.memory_space<hbm>> -> memref<1x1024xi32, #tpu.memory_space<hbm>>
    %dma_wait3A_566 = tpu.memref_squeeze %dma_wait3A_565 : memref<1x1024xi32, #tpu.memory_space<hbm>> -> memref<1024xi32, #tpu.memory_space<hbm>>
    %dma_wait3A_567 = arith.constant 7168 : i32
    %dma_wait3A_568 = tpu.memref_slice %arg6[%dma_wait3A_567] : memref<16400xi32, #tpu.memory_space<vmem>> -> memref<1024xi32, #tpu.memory_space<vmem>>
    %dma_wait3A_569 = arith.constant 0 : i32
    %dma_wait3A_570 = tpu.memref_slice %arg2[%add3A_173, %dma_wait3A_569] : memref<512x1024xi32, #tpu.memory_space<hbm>> -> memref<1x1024xi32, #tpu.memory_space<hbm>>
    %dma_wait3A_571 = tpu.memref_squeeze %dma_wait3A_570 : memref<1x1024xi32, #tpu.memory_space<hbm>> -> memref<1024xi32, #tpu.memory_space<hbm>>
    tpu.wait_dma2 semaphore(%arg14 : memref<!tpu.dma_semaphore, #tpu.memory_space<semaphore_mem>>) src(%dma_wait3A_571 : memref<1024xi32, #tpu.memory_space<hbm>>) dst(%dma_wait3A_568 : memref<1024xi32, #tpu.memory_space<vmem>>)
    %dma_wait3A_572 = arith.constant 7168 : i32
    %dma_wait3A_573 = tpu.memref_slice %arg7[%dma_wait3A_572] : memref<16400xf32, #tpu.memory_space<vmem>> -> memref<1024xf32, #tpu.memory_space<vmem>>
    %dma_wait3A_574 = arith.constant 0 : i32
    %dma_wait3A_575 = tpu.memref_slice %arg3[%add3A_185, %dma_wait3A_574] : memref<512x1024xf32, #tpu.memory_space<hbm>> -> memref<1x1024xf32, #tpu.memory_space<hbm>>
    %dma_wait3A_576 = tpu.memref_squeeze %dma_wait3A_575 : memref<1x1024xf32, #tpu.memory_space<hbm>> -> memref<1024xf32, #tpu.memory_space<hbm>>
    %dma_wait3A_577 = arith.constant 7168 : i32
    %dma_wait3A_578 = tpu.memref_slice %arg7[%dma_wait3A_577] : memref<16400xf32, #tpu.memory_space<vmem>> -> memref<1024xf32, #tpu.memory_space<vmem>>
    %dma_wait3A_579 = arith.constant 0 : i32
    %dma_wait3A_580 = tpu.memref_slice %arg3[%add3A_185, %dma_wait3A_579] : memref<512x1024xf32, #tpu.memory_space<hbm>> -> memref<1x1024xf32, #tpu.memory_space<hbm>>
    %dma_wait3A_581 = tpu.memref_squeeze %dma_wait3A_580 : memref<1x1024xf32, #tpu.memory_space<hbm>> -> memref<1024xf32, #tpu.memory_space<hbm>>
    tpu.wait_dma2 semaphore(%arg14 : memref<!tpu.dma_semaphore, #tpu.memory_space<semaphore_mem>>) src(%dma_wait3A_581 : memref<1024xf32, #tpu.memory_space<hbm>>) dst(%dma_wait3A_578 : memref<1024xf32, #tpu.memory_space<vmem>>)
    %dma_wait3A_582 = arith.constant 8192 : i32
    %dma_wait3A_583 = tpu.memref_slice %arg6[%dma_wait3A_582] : memref<16400xi32, #tpu.memory_space<vmem>> -> memref<1024xi32, #tpu.memory_space<vmem>>
    %dma_wait3A_584 = arith.constant 0 : i32
    %dma_wait3A_585 = tpu.memref_slice %arg2[%add3A_197, %dma_wait3A_584] : memref<512x1024xi32, #tpu.memory_space<hbm>> -> memref<1x1024xi32, #tpu.memory_space<hbm>>
    %dma_wait3A_586 = tpu.memref_squeeze %dma_wait3A_585 : memref<1x1024xi32, #tpu.memory_space<hbm>> -> memref<1024xi32, #tpu.memory_space<hbm>>
    %dma_wait3A_587 = arith.constant 8192 : i32
    %dma_wait3A_588 = tpu.memref_slice %arg6[%dma_wait3A_587] : memref<16400xi32, #tpu.memory_space<vmem>> -> memref<1024xi32, #tpu.memory_space<vmem>>
    %dma_wait3A_589 = arith.constant 0 : i32
    %dma_wait3A_590 = tpu.memref_slice %arg2[%add3A_197, %dma_wait3A_589] : memref<512x1024xi32, #tpu.memory_space<hbm>> -> memref<1x1024xi32, #tpu.memory_space<hbm>>
    %dma_wait3A_591 = tpu.memref_squeeze %dma_wait3A_590 : memref<1x1024xi32, #tpu.memory_space<hbm>> -> memref<1024xi32, #tpu.memory_space<hbm>>
    tpu.wait_dma2 semaphore(%arg14 : memref<!tpu.dma_semaphore, #tpu.memory_space<semaphore_mem>>) src(%dma_wait3A_591 : memref<1024xi32, #tpu.memory_space<hbm>>) dst(%dma_wait3A_588 : memref<1024xi32, #tpu.memory_space<vmem>>)
    %dma_wait3A_592 = arith.constant 8192 : i32
    %dma_wait3A_593 = tpu.memref_slice %arg7[%dma_wait3A_592] : memref<16400xf32, #tpu.memory_space<vmem>> -> memref<1024xf32, #tpu.memory_space<vmem>>
    %dma_wait3A_594 = arith.constant 0 : i32
    %dma_wait3A_595 = tpu.memref_slice %arg3[%add3A_209, %dma_wait3A_594] : memref<512x1024xf32, #tpu.memory_space<hbm>> -> memref<1x1024xf32, #tpu.memory_space<hbm>>
    %dma_wait3A_596 = tpu.memref_squeeze %dma_wait3A_595 : memref<1x1024xf32, #tpu.memory_space<hbm>> -> memref<1024xf32, #tpu.memory_space<hbm>>
    %dma_wait3A_597 = arith.constant 8192 : i32
    %dma_wait3A_598 = tpu.memref_slice %arg7[%dma_wait3A_597] : memref<16400xf32, #tpu.memory_space<vmem>> -> memref<1024xf32, #tpu.memory_space<vmem>>
    %dma_wait3A_599 = arith.constant 0 : i32
    %dma_wait3A_600 = tpu.memref_slice %arg3[%add3A_209, %dma_wait3A_599] : memref<512x1024xf32, #tpu.memory_space<hbm>> -> memref<1x1024xf32, #tpu.memory_space<hbm>>
    %dma_wait3A_601 = tpu.memref_squeeze %dma_wait3A_600 : memref<1x1024xf32, #tpu.memory_space<hbm>> -> memref<1024xf32, #tpu.memory_space<hbm>>
    tpu.wait_dma2 semaphore(%arg14 : memref<!tpu.dma_semaphore, #tpu.memory_space<semaphore_mem>>) src(%dma_wait3A_601 : memref<1024xf32, #tpu.memory_space<hbm>>) dst(%dma_wait3A_598 : memref<1024xf32, #tpu.memory_space<vmem>>)
    %dma_wait3A_602 = arith.constant 9216 : i32
    %dma_wait3A_603 = tpu.memref_slice %arg6[%dma_wait3A_602] : memref<16400xi32, #tpu.memory_space<vmem>> -> memref<1024xi32, #tpu.memory_space<vmem>>
    %dma_wait3A_604 = arith.constant 0 : i32
    %dma_wait3A_605 = tpu.memref_slice %arg2[%add3A_221, %dma_wait3A_604] : memref<512x1024xi32, #tpu.memory_space<hbm>> -> memref<1x1024xi32, #tpu.memory_space<hbm>>
    %dma_wait3A_606 = tpu.memref_squeeze %dma_wait3A_605 : memref<1x1024xi32, #tpu.memory_space<hbm>> -> memref<1024xi32, #tpu.memory_space<hbm>>
    %dma_wait3A_607 = arith.constant 9216 : i32
    %dma_wait3A_608 = tpu.memref_slice %arg6[%dma_wait3A_607] : memref<16400xi32, #tpu.memory_space<vmem>> -> memref<1024xi32, #tpu.memory_space<vmem>>
    %dma_wait3A_609 = arith.constant 0 : i32
    %dma_wait3A_610 = tpu.memref_slice %arg2[%add3A_221, %dma_wait3A_609] : memref<512x1024xi32, #tpu.memory_space<hbm>> -> memref<1x1024xi32, #tpu.memory_space<hbm>>
    %dma_wait3A_611 = tpu.memref_squeeze %dma_wait3A_610 : memref<1x1024xi32, #tpu.memory_space<hbm>> -> memref<1024xi32, #tpu.memory_space<hbm>>
    tpu.wait_dma2 semaphore(%arg14 : memref<!tpu.dma_semaphore, #tpu.memory_space<semaphore_mem>>) src(%dma_wait3A_611 : memref<1024xi32, #tpu.memory_space<hbm>>) dst(%dma_wait3A_608 : memref<1024xi32, #tpu.memory_space<vmem>>)
    %dma_wait3A_612 = arith.constant 9216 : i32
    %dma_wait3A_613 = tpu.memref_slice %arg7[%dma_wait3A_612] : memref<16400xf32, #tpu.memory_space<vmem>> -> memref<1024xf32, #tpu.memory_space<vmem>>
    %dma_wait3A_614 = arith.constant 0 : i32
    %dma_wait3A_615 = tpu.memref_slice %arg3[%add3A_233, %dma_wait3A_614] : memref<512x1024xf32, #tpu.memory_space<hbm>> -> memref<1x1024xf32, #tpu.memory_space<hbm>>
    %dma_wait3A_616 = tpu.memref_squeeze %dma_wait3A_615 : memref<1x1024xf32, #tpu.memory_space<hbm>> -> memref<1024xf32, #tpu.memory_space<hbm>>
    %dma_wait3A_617 = arith.constant 9216 : i32
    %dma_wait3A_618 = tpu.memref_slice %arg7[%dma_wait3A_617] : memref<16400xf32, #tpu.memory_space<vmem>> -> memref<1024xf32, #tpu.memory_space<vmem>>
    %dma_wait3A_619 = arith.constant 0 : i32
    %dma_wait3A_620 = tpu.memref_slice %arg3[%add3A_233, %dma_wait3A_619] : memref<512x1024xf32, #tpu.memory_space<hbm>> -> memref<1x1024xf32, #tpu.memory_space<hbm>>
    %dma_wait3A_621 = tpu.memref_squeeze %dma_wait3A_620 : memref<1x1024xf32, #tpu.memory_space<hbm>> -> memref<1024xf32, #tpu.memory_space<hbm>>
    tpu.wait_dma2 semaphore(%arg14 : memref<!tpu.dma_semaphore, #tpu.memory_space<semaphore_mem>>) src(%dma_wait3A_621 : memref<1024xf32, #tpu.memory_space<hbm>>) dst(%dma_wait3A_618 : memref<1024xf32, #tpu.memory_space<vmem>>)
    %dma_wait3A_622 = arith.constant 10240 : i32
    %dma_wait3A_623 = tpu.memref_slice %arg6[%dma_wait3A_622] : memref<16400xi32, #tpu.memory_space<vmem>> -> memref<1024xi32, #tpu.memory_space<vmem>>
    %dma_wait3A_624 = arith.constant 0 : i32
    %dma_wait3A_625 = tpu.memref_slice %arg2[%add3A_245, %dma_wait3A_624] : memref<512x1024xi32, #tpu.memory_space<hbm>> -> memref<1x1024xi32, #tpu.memory_space<hbm>>
    %dma_wait3A_626 = tpu.memref_squeeze %dma_wait3A_625 : memref<1x1024xi32, #tpu.memory_space<hbm>> -> memref<1024xi32, #tpu.memory_space<hbm>>
    %dma_wait3A_627 = arith.constant 10240 : i32
    %dma_wait3A_628 = tpu.memref_slice %arg6[%dma_wait3A_627] : memref<16400xi32, #tpu.memory_space<vmem>> -> memref<1024xi32, #tpu.memory_space<vmem>>
    %dma_wait3A_629 = arith.constant 0 : i32
    %dma_wait3A_630 = tpu.memref_slice %arg2[%add3A_245, %dma_wait3A_629] : memref<512x1024xi32, #tpu.memory_space<hbm>> -> memref<1x1024xi32, #tpu.memory_space<hbm>>
    %dma_wait3A_631 = tpu.memref_squeeze %dma_wait3A_630 : memref<1x1024xi32, #tpu.memory_space<hbm>> -> memref<1024xi32, #tpu.memory_space<hbm>>
    tpu.wait_dma2 semaphore(%arg14 : memref<!tpu.dma_semaphore, #tpu.memory_space<semaphore_mem>>) src(%dma_wait3A_631 : memref<1024xi32, #tpu.memory_space<hbm>>) dst(%dma_wait3A_628 : memref<1024xi32, #tpu.memory_space<vmem>>)
    %dma_wait3A_632 = arith.constant 10240 : i32
    %dma_wait3A_633 = tpu.memref_slice %arg7[%dma_wait3A_632] : memref<16400xf32, #tpu.memory_space<vmem>> -> memref<1024xf32, #tpu.memory_space<vmem>>
    %dma_wait3A_634 = arith.constant 0 : i32
    %dma_wait3A_635 = tpu.memref_slice %arg3[%add3A_257, %dma_wait3A_634] : memref<512x1024xf32, #tpu.memory_space<hbm>> -> memref<1x1024xf32, #tpu.memory_space<hbm>>
    %dma_wait3A_636 = tpu.memref_squeeze %dma_wait3A_635 : memref<1x1024xf32, #tpu.memory_space<hbm>> -> memref<1024xf32, #tpu.memory_space<hbm>>
    %dma_wait3A_637 = arith.constant 10240 : i32
    %dma_wait3A_638 = tpu.memref_slice %arg7[%dma_wait3A_637] : memref<16400xf32, #tpu.memory_space<vmem>> -> memref<1024xf32, #tpu.memory_space<vmem>>
    %dma_wait3A_639 = arith.constant 0 : i32
    %dma_wait3A_640 = tpu.memref_slice %arg3[%add3A_257, %dma_wait3A_639] : memref<512x1024xf32, #tpu.memory_space<hbm>> -> memref<1x1024xf32, #tpu.memory_space<hbm>>
    %dma_wait3A_641 = tpu.memref_squeeze %dma_wait3A_640 : memref<1x1024xf32, #tpu.memory_space<hbm>> -> memref<1024xf32, #tpu.memory_space<hbm>>
    tpu.wait_dma2 semaphore(%arg14 : memref<!tpu.dma_semaphore, #tpu.memory_space<semaphore_mem>>) src(%dma_wait3A_641 : memref<1024xf32, #tpu.memory_space<hbm>>) dst(%dma_wait3A_638 : memref<1024xf32, #tpu.memory_space<vmem>>)
    %dma_wait3A_642 = arith.constant 11264 : i32
    %dma_wait3A_643 = tpu.memref_slice %arg6[%dma_wait3A_642] : memref<16400xi32, #tpu.memory_space<vmem>> -> memref<1024xi32, #tpu.memory_space<vmem>>
    %dma_wait3A_644 = arith.constant 0 : i32
    %dma_wait3A_645 = tpu.memref_slice %arg2[%add3A_269, %dma_wait3A_644] : memref<512x1024xi32, #tpu.memory_space<hbm>> -> memref<1x1024xi32, #tpu.memory_space<hbm>>
    %dma_wait3A_646 = tpu.memref_squeeze %dma_wait3A_645 : memref<1x1024xi32, #tpu.memory_space<hbm>> -> memref<1024xi32, #tpu.memory_space<hbm>>
    %dma_wait3A_647 = arith.constant 11264 : i32
    %dma_wait3A_648 = tpu.memref_slice %arg6[%dma_wait3A_647] : memref<16400xi32, #tpu.memory_space<vmem>> -> memref<1024xi32, #tpu.memory_space<vmem>>
    %dma_wait3A_649 = arith.constant 0 : i32
    %dma_wait3A_650 = tpu.memref_slice %arg2[%add3A_269, %dma_wait3A_649] : memref<512x1024xi32, #tpu.memory_space<hbm>> -> memref<1x1024xi32, #tpu.memory_space<hbm>>
    %dma_wait3A_651 = tpu.memref_squeeze %dma_wait3A_650 : memref<1x1024xi32, #tpu.memory_space<hbm>> -> memref<1024xi32, #tpu.memory_space<hbm>>
    tpu.wait_dma2 semaphore(%arg14 : memref<!tpu.dma_semaphore, #tpu.memory_space<semaphore_mem>>) src(%dma_wait3A_651 : memref<1024xi32, #tpu.memory_space<hbm>>) dst(%dma_wait3A_648 : memref<1024xi32, #tpu.memory_space<vmem>>)
    %dma_wait3A_652 = arith.constant 11264 : i32
    %dma_wait3A_653 = tpu.memref_slice %arg7[%dma_wait3A_652] : memref<16400xf32, #tpu.memory_space<vmem>> -> memref<1024xf32, #tpu.memory_space<vmem>>
    %dma_wait3A_654 = arith.constant 0 : i32
    %dma_wait3A_655 = tpu.memref_slice %arg3[%add3A_281, %dma_wait3A_654] : memref<512x1024xf32, #tpu.memory_space<hbm>> -> memref<1x1024xf32, #tpu.memory_space<hbm>>
    %dma_wait3A_656 = tpu.memref_squeeze %dma_wait3A_655 : memref<1x1024xf32, #tpu.memory_space<hbm>> -> memref<1024xf32, #tpu.memory_space<hbm>>
    %dma_wait3A_657 = arith.constant 11264 : i32
    %dma_wait3A_658 = tpu.memref_slice %arg7[%dma_wait3A_657] : memref<16400xf32, #tpu.memory_space<vmem>> -> memref<1024xf32, #tpu.memory_space<vmem>>
    %dma_wait3A_659 = arith.constant 0 : i32
    %dma_wait3A_660 = tpu.memref_slice %arg3[%add3A_281, %dma_wait3A_659] : memref<512x1024xf32, #tpu.memory_space<hbm>> -> memref<1x1024xf32, #tpu.memory_space<hbm>>
    %dma_wait3A_661 = tpu.memref_squeeze %dma_wait3A_660 : memref<1x1024xf32, #tpu.memory_space<hbm>> -> memref<1024xf32, #tpu.memory_space<hbm>>
    tpu.wait_dma2 semaphore(%arg14 : memref<!tpu.dma_semaphore, #tpu.memory_space<semaphore_mem>>) src(%dma_wait3A_661 : memref<1024xf32, #tpu.memory_space<hbm>>) dst(%dma_wait3A_658 : memref<1024xf32, #tpu.memory_space<vmem>>)
    %dma_wait3A_662 = arith.constant 12288 : i32
    %dma_wait3A_663 = tpu.memref_slice %arg6[%dma_wait3A_662] : memref<16400xi32, #tpu.memory_space<vmem>> -> memref<1024xi32, #tpu.memory_space<vmem>>
    %dma_wait3A_664 = arith.constant 0 : i32
    %dma_wait3A_665 = tpu.memref_slice %arg2[%add3A_293, %dma_wait3A_664] : memref<512x1024xi32, #tpu.memory_space<hbm>> -> memref<1x1024xi32, #tpu.memory_space<hbm>>
    %dma_wait3A_666 = tpu.memref_squeeze %dma_wait3A_665 : memref<1x1024xi32, #tpu.memory_space<hbm>> -> memref<1024xi32, #tpu.memory_space<hbm>>
    %dma_wait3A_667 = arith.constant 12288 : i32
    %dma_wait3A_668 = tpu.memref_slice %arg6[%dma_wait3A_667] : memref<16400xi32, #tpu.memory_space<vmem>> -> memref<1024xi32, #tpu.memory_space<vmem>>
    %dma_wait3A_669 = arith.constant 0 : i32
    %dma_wait3A_670 = tpu.memref_slice %arg2[%add3A_293, %dma_wait3A_669] : memref<512x1024xi32, #tpu.memory_space<hbm>> -> memref<1x1024xi32, #tpu.memory_space<hbm>>
    %dma_wait3A_671 = tpu.memref_squeeze %dma_wait3A_670 : memref<1x1024xi32, #tpu.memory_space<hbm>> -> memref<1024xi32, #tpu.memory_space<hbm>>
    tpu.wait_dma2 semaphore(%arg14 : memref<!tpu.dma_semaphore, #tpu.memory_space<semaphore_mem>>) src(%dma_wait3A_671 : memref<1024xi32, #tpu.memory_space<hbm>>) dst(%dma_wait3A_668 : memref<1024xi32, #tpu.memory_space<vmem>>)
    %dma_wait3A_672 = arith.constant 12288 : i32
    %dma_wait3A_673 = tpu.memref_slice %arg7[%dma_wait3A_672] : memref<16400xf32, #tpu.memory_space<vmem>> -> memref<1024xf32, #tpu.memory_space<vmem>>
    %dma_wait3A_674 = arith.constant 0 : i32
    %dma_wait3A_675 = tpu.memref_slice %arg3[%add3A_305, %dma_wait3A_674] : memref<512x1024xf32, #tpu.memory_space<hbm>> -> memref<1x1024xf32, #tpu.memory_space<hbm>>
    %dma_wait3A_676 = tpu.memref_squeeze %dma_wait3A_675 : memref<1x1024xf32, #tpu.memory_space<hbm>> -> memref<1024xf32, #tpu.memory_space<hbm>>
    %dma_wait3A_677 = arith.constant 12288 : i32
    %dma_wait3A_678 = tpu.memref_slice %arg7[%dma_wait3A_677] : memref<16400xf32, #tpu.memory_space<vmem>> -> memref<1024xf32, #tpu.memory_space<vmem>>
    %dma_wait3A_679 = arith.constant 0 : i32
    %dma_wait3A_680 = tpu.memref_slice %arg3[%add3A_305, %dma_wait3A_679] : memref<512x1024xf32, #tpu.memory_space<hbm>> -> memref<1x1024xf32, #tpu.memory_space<hbm>>
    %dma_wait3A_681 = tpu.memref_squeeze %dma_wait3A_680 : memref<1x1024xf32, #tpu.memory_space<hbm>> -> memref<1024xf32, #tpu.memory_space<hbm>>
    tpu.wait_dma2 semaphore(%arg14 : memref<!tpu.dma_semaphore, #tpu.memory_space<semaphore_mem>>) src(%dma_wait3A_681 : memref<1024xf32, #tpu.memory_space<hbm>>) dst(%dma_wait3A_678 : memref<1024xf32, #tpu.memory_space<vmem>>)
    %dma_wait3A_682 = arith.constant 13312 : i32
    %dma_wait3A_683 = tpu.memref_slice %arg6[%dma_wait3A_682] : memref<16400xi32, #tpu.memory_space<vmem>> -> memref<1024xi32, #tpu.memory_space<vmem>>
    %dma_wait3A_684 = arith.constant 0 : i32
    %dma_wait3A_685 = tpu.memref_slice %arg2[%add3A_317, %dma_wait3A_684] : memref<512x1024xi32, #tpu.memory_space<hbm>> -> memref<1x1024xi32, #tpu.memory_space<hbm>>
    %dma_wait3A_686 = tpu.memref_squeeze %dma_wait3A_685 : memref<1x1024xi32, #tpu.memory_space<hbm>> -> memref<1024xi32, #tpu.memory_space<hbm>>
    %dma_wait3A_687 = arith.constant 13312 : i32
    %dma_wait3A_688 = tpu.memref_slice %arg6[%dma_wait3A_687] : memref<16400xi32, #tpu.memory_space<vmem>> -> memref<1024xi32, #tpu.memory_space<vmem>>
    %dma_wait3A_689 = arith.constant 0 : i32
    %dma_wait3A_690 = tpu.memref_slice %arg2[%add3A_317, %dma_wait3A_689] : memref<512x1024xi32, #tpu.memory_space<hbm>> -> memref<1x1024xi32, #tpu.memory_space<hbm>>
    %dma_wait3A_691 = tpu.memref_squeeze %dma_wait3A_690 : memref<1x1024xi32, #tpu.memory_space<hbm>> -> memref<1024xi32, #tpu.memory_space<hbm>>
    tpu.wait_dma2 semaphore(%arg14 : memref<!tpu.dma_semaphore, #tpu.memory_space<semaphore_mem>>) src(%dma_wait3A_691 : memref<1024xi32, #tpu.memory_space<hbm>>) dst(%dma_wait3A_688 : memref<1024xi32, #tpu.memory_space<vmem>>)
    %dma_wait3A_692 = arith.constant 13312 : i32
    %dma_wait3A_693 = tpu.memref_slice %arg7[%dma_wait3A_692] : memref<16400xf32, #tpu.memory_space<vmem>> -> memref<1024xf32, #tpu.memory_space<vmem>>
    %dma_wait3A_694 = arith.constant 0 : i32
    %dma_wait3A_695 = tpu.memref_slice %arg3[%add3A_329, %dma_wait3A_694] : memref<512x1024xf32, #tpu.memory_space<hbm>> -> memref<1x1024xf32, #tpu.memory_space<hbm>>
    %dma_wait3A_696 = tpu.memref_squeeze %dma_wait3A_695 : memref<1x1024xf32, #tpu.memory_space<hbm>> -> memref<1024xf32, #tpu.memory_space<hbm>>
    %dma_wait3A_697 = arith.constant 13312 : i32
    %dma_wait3A_698 = tpu.memref_slice %arg7[%dma_wait3A_697] : memref<16400xf32, #tpu.memory_space<vmem>> -> memref<1024xf32, #tpu.memory_space<vmem>>
    %dma_wait3A_699 = arith.constant 0 : i32
    %dma_wait3A_700 = tpu.memref_slice %arg3[%add3A_329, %dma_wait3A_699] : memref<512x1024xf32, #tpu.memory_space<hbm>> -> memref<1x1024xf32, #tpu.memory_space<hbm>>
    %dma_wait3A_701 = tpu.memref_squeeze %dma_wait3A_700 : memref<1x1024xf32, #tpu.memory_space<hbm>> -> memref<1024xf32, #tpu.memory_space<hbm>>
    tpu.wait_dma2 semaphore(%arg14 : memref<!tpu.dma_semaphore, #tpu.memory_space<semaphore_mem>>) src(%dma_wait3A_701 : memref<1024xf32, #tpu.memory_space<hbm>>) dst(%dma_wait3A_698 : memref<1024xf32, #tpu.memory_space<vmem>>)
    %dma_wait3A_702 = arith.constant 14336 : i32
    %dma_wait3A_703 = tpu.memref_slice %arg6[%dma_wait3A_702] : memref<16400xi32, #tpu.memory_space<vmem>> -> memref<1024xi32, #tpu.memory_space<vmem>>
    %dma_wait3A_704 = arith.constant 0 : i32
    %dma_wait3A_705 = tpu.memref_slice %arg2[%add3A_341, %dma_wait3A_704] : memref<512x1024xi32, #tpu.memory_space<hbm>> -> memref<1x1024xi32, #tpu.memory_space<hbm>>
    %dma_wait3A_706 = tpu.memref_squeeze %dma_wait3A_705 : memref<1x1024xi32, #tpu.memory_space<hbm>> -> memref<1024xi32, #tpu.memory_space<hbm>>
    %dma_wait3A_707 = arith.constant 14336 : i32
    %dma_wait3A_708 = tpu.memref_slice %arg6[%dma_wait3A_707] : memref<16400xi32, #tpu.memory_space<vmem>> -> memref<1024xi32, #tpu.memory_space<vmem>>
    %dma_wait3A_709 = arith.constant 0 : i32
    %dma_wait3A_710 = tpu.memref_slice %arg2[%add3A_341, %dma_wait3A_709] : memref<512x1024xi32, #tpu.memory_space<hbm>> -> memref<1x1024xi32, #tpu.memory_space<hbm>>
    %dma_wait3A_711 = tpu.memref_squeeze %dma_wait3A_710 : memref<1x1024xi32, #tpu.memory_space<hbm>> -> memref<1024xi32, #tpu.memory_space<hbm>>
    tpu.wait_dma2 semaphore(%arg14 : memref<!tpu.dma_semaphore, #tpu.memory_space<semaphore_mem>>) src(%dma_wait3A_711 : memref<1024xi32, #tpu.memory_space<hbm>>) dst(%dma_wait3A_708 : memref<1024xi32, #tpu.memory_space<vmem>>)
    %dma_wait3A_712 = arith.constant 14336 : i32
    %dma_wait3A_713 = tpu.memref_slice %arg7[%dma_wait3A_712] : memref<16400xf32, #tpu.memory_space<vmem>> -> memref<1024xf32, #tpu.memory_space<vmem>>
    %dma_wait3A_714 = arith.constant 0 : i32
    %dma_wait3A_715 = tpu.memref_slice %arg3[%add3A_353, %dma_wait3A_714] : memref<512x1024xf32, #tpu.memory_space<hbm>> -> memref<1x1024xf32, #tpu.memory_space<hbm>>
    %dma_wait3A_716 = tpu.memref_squeeze %dma_wait3A_715 : memref<1x1024xf32, #tpu.memory_space<hbm>> -> memref<1024xf32, #tpu.memory_space<hbm>>
    %dma_wait3A_717 = arith.constant 14336 : i32
    %dma_wait3A_718 = tpu.memref_slice %arg7[%dma_wait3A_717] : memref<16400xf32, #tpu.memory_space<vmem>> -> memref<1024xf32, #tpu.memory_space<vmem>>
    %dma_wait3A_719 = arith.constant 0 : i32
    %dma_wait3A_720 = tpu.memref_slice %arg3[%add3A_353, %dma_wait3A_719] : memref<512x1024xf32, #tpu.memory_space<hbm>> -> memref<1x1024xf32, #tpu.memory_space<hbm>>
    %dma_wait3A_721 = tpu.memref_squeeze %dma_wait3A_720 : memref<1x1024xf32, #tpu.memory_space<hbm>> -> memref<1024xf32, #tpu.memory_space<hbm>>
    tpu.wait_dma2 semaphore(%arg14 : memref<!tpu.dma_semaphore, #tpu.memory_space<semaphore_mem>>) src(%dma_wait3A_721 : memref<1024xf32, #tpu.memory_space<hbm>>) dst(%dma_wait3A_718 : memref<1024xf32, #tpu.memory_space<vmem>>)
    %dma_wait3A_722 = arith.constant 15360 : i32
    %dma_wait3A_723 = tpu.memref_slice %arg6[%dma_wait3A_722] : memref<16400xi32, #tpu.memory_space<vmem>> -> memref<1024xi32, #tpu.memory_space<vmem>>
    %dma_wait3A_724 = arith.constant 0 : i32
    %dma_wait3A_725 = tpu.memref_slice %arg2[%add3A_365, %dma_wait3A_724] : memref<512x1024xi32, #tpu.memory_space<hbm>> -> memref<1x1024xi32, #tpu.memory_space<hbm>>
    %dma_wait3A_726 = tpu.memref_squeeze %dma_wait3A_725 : memref<1x1024xi32, #tpu.memory_space<hbm>> -> memref<1024xi32, #tpu.memory_space<hbm>>
    %dma_wait3A_727 = arith.constant 15360 : i32
    %dma_wait3A_728 = tpu.memref_slice %arg6[%dma_wait3A_727] : memref<16400xi32, #tpu.memory_space<vmem>> -> memref<1024xi32, #tpu.memory_space<vmem>>
    %dma_wait3A_729 = arith.constant 0 : i32
    %dma_wait3A_730 = tpu.memref_slice %arg2[%add3A_365, %dma_wait3A_729] : memref<512x1024xi32, #tpu.memory_space<hbm>> -> memref<1x1024xi32, #tpu.memory_space<hbm>>
    %dma_wait3A_731 = tpu.memref_squeeze %dma_wait3A_730 : memref<1x1024xi32, #tpu.memory_space<hbm>> -> memref<1024xi32, #tpu.memory_space<hbm>>
    tpu.wait_dma2 semaphore(%arg14 : memref<!tpu.dma_semaphore, #tpu.memory_space<semaphore_mem>>) src(%dma_wait3A_731 : memref<1024xi32, #tpu.memory_space<hbm>>) dst(%dma_wait3A_728 : memref<1024xi32, #tpu.memory_space<vmem>>)
    %dma_wait3A_732 = arith.constant 15360 : i32
    %dma_wait3A_733 = tpu.memref_slice %arg7[%dma_wait3A_732] : memref<16400xf32, #tpu.memory_space<vmem>> -> memref<1024xf32, #tpu.memory_space<vmem>>
    %dma_wait3A_734 = arith.constant 0 : i32
    %dma_wait3A_735 = tpu.memref_slice %arg3[%add3A_377, %dma_wait3A_734] : memref<512x1024xf32, #tpu.memory_space<hbm>> -> memref<1x1024xf32, #tpu.memory_space<hbm>>
    %dma_wait3A_736 = tpu.memref_squeeze %dma_wait3A_735 : memref<1x1024xf32, #tpu.memory_space<hbm>> -> memref<1024xf32, #tpu.memory_space<hbm>>
    %dma_wait3A_737 = arith.constant 15360 : i32
    %dma_wait3A_738 = tpu.memref_slice %arg7[%dma_wait3A_737] : memref<16400xf32, #tpu.memory_space<vmem>> -> memref<1024xf32, #tpu.memory_space<vmem>>
    %dma_wait3A_739 = arith.constant 0 : i32
    %dma_wait3A_740 = tpu.memref_slice %arg3[%add3A_377, %dma_wait3A_739] : memref<512x1024xf32, #tpu.memory_space<hbm>> -> memref<1x1024xf32, #tpu.memory_space<hbm>>
    %dma_wait3A_741 = tpu.memref_squeeze %dma_wait3A_740 : memref<1x1024xf32, #tpu.memory_space<hbm>> -> memref<1024xf32, #tpu.memory_space<hbm>>
    tpu.wait_dma2 semaphore(%arg14 : memref<!tpu.dma_semaphore, #tpu.memory_space<semaphore_mem>>) src(%dma_wait3A_741 : memref<1024xf32, #tpu.memory_space<hbm>>) dst(%dma_wait3A_738 : memref<1024xf32, #tpu.memory_space<vmem>>)
    %scan3A_742 = arith.constant 0 : i32
    %scan3A_743 = arith.constant 1 : i32
    %scan3A_744 = arith.constant 15 : i32
    %scan3A_745 = arith.addi %scan3A_743, %scan3A_744 : i32
    %scan3A_746 = arith.constant 1 : i32
    scf.for %scan3A_782 = %scan3A_743 to %scan3A_745 step %scan3A_746  : i32 {
      %mul3A_783 = arith.constant 1024 : i32
      %mul3A_784 = arith.muli %scan3A_782, %mul3A_783 : i32
      %mul3A_785 = arith.constant 2048 : i32
      %mul3A_786 = arith.muli %scan3A_782, %mul3A_785 : i32
      %parallel_loop3A_787 = arith.constant 0 : i32
      %parallel_loop3A_788 = arith.constant 64 : i32
      %parallel_loop3A_789 = arith.constant 1 : i32
      scf.for %parallel_loop3A_816 = %parallel_loop3A_787 to %parallel_loop3A_788 step %parallel_loop3A_789  : i32 {
        %parallel_loop3A_817 = arith.constant 16 : i32
        %parallel_loop3A_818 = arith.muli %parallel_loop3A_816, %parallel_loop3A_817 : i32
        %parallel_loop3A_819 = arith.addi %mul3A_784, %parallel_loop3A_818 : i32
        %parallel_loop3A_820 = arith.constant 1 : i32
        %parallel_loop3A_821 = arith.addi %parallel_loop3A_819, %parallel_loop3A_820 : i32
        %parallel_loop3A_822 = vector.broadcast %parallel_loop3A_821 : i32 to vector<16xi32>
        %parallel_loop3A_823 = arith.addi %iota3A, %parallel_loop3A_822 : vector<16xi32>
        %parallel_loop3A_824 = arith.constant 16 : i32
        %parallel_loop3A_825 = arith.muli %parallel_loop3A_816, %parallel_loop3A_824 : i32
        %parallel_loop3A_826 = arith.addi %mul3A_784, %parallel_loop3A_825 : i32
        %parallel_loop3A_827 = arith.index_cast %parallel_loop3A_826 : i32 to index
        %parallel_loop3A_828 = tpu.vector_load %arg6[%parallel_loop3A_827] {strides = array<i32>} : memref<16400xi32, #tpu.memory_space<vmem>>, vector<16xi32>,
        %parallel_loop3A_829 = tpu.vector_load_idx %arg6[%parallel_loop3A_823] : memref<16400xi32, #tpu.memory_space<vmem>>[vector<16xi32>], vector<16xi32>,
        %parallel_loop3A_830 = arith.cmpi ne, %parallel_loop3A_828, %parallel_loop3A_829 : vector<16xi32>
        %parallel_loop3A_831 = arith.constant 1024 : i32
        %parallel_loop3A_832 = arith.addi %mul3A_784, %parallel_loop3A_831 : i32
        %parallel_loop3A_833 = vector.broadcast %parallel_loop3A_832 : i32 to vector<16xi32>
        %parallel_loop3A_834 = arith.cmpi eq, %parallel_loop3A_823, %parallel_loop3A_833 : vector<16xi32>
        %parallel_loop3A_835 = arith.ori %parallel_loop3A_830, %parallel_loop3A_834 : vector<16xi1>
        tpu.vector_store_idx %arg9[%parallel_loop3A_828], %parallel_loop3A_823 masked %parallel_loop3A_835 : memref<2048xi32, #tpu.memory_space<vmem>>[vector<16xi32>], vector<16xi32>, vector<16xi1>
      } {sc.loop_unroll_factor = 4 : i64, sc.parallel_access}
      %parallel_loop3A_790 = arith.constant 0 : i32
      %parallel_loop3A_791 = arith.constant 128 : i32
      %parallel_loop3A_792 = arith.constant 1 : i32
      scf.for %parallel_loop3A_816 = %parallel_loop3A_790 to %parallel_loop3A_791 step %parallel_loop3A_792  : i32 {
        %parallel_loop3A_817 = arith.constant 16 : i32
        %parallel_loop3A_818 = arith.muli %parallel_loop3A_816, %parallel_loop3A_817 : i32
        %parallel_loop3A_819 = arith.index_cast %parallel_loop3A_818 : i32 to index
        %parallel_loop3A_820 = tpu.vector_load %arg9[%parallel_loop3A_819] {strides = array<i32>} : memref<2048xi32, #tpu.memory_space<vmem>>, vector<16xi32>,
        %parallel_loop3A_821 = arith.constant 16 : i32
        %parallel_loop3A_822 = arith.muli %parallel_loop3A_816, %parallel_loop3A_821 : i32
        %parallel_loop3A_823 = arith.index_cast %parallel_loop3A_822 : i32 to index
        %parallel_loop3A_824 = tpu.vector_load %arg9[%parallel_loop3A_823] {strides = array<i32>} : memref<2048xi32, #tpu.memory_space<vmem>>, vector<16xi32>,
        tpu.vector_store %arg9[%parallel_loop3A_823], %broadcast_in_dim3A_413 {strides = array<i32>} : memref<2048xi32, #tpu.memory_space<vmem>>, vector<16xi32>,
        %parallel_loop3A_825 = arith.constant true
        %parallel_loop3A_826 = vector.broadcast %parallel_loop3A_825 : i1 to vector<16xi1>
        %parallel_loop3A_827 = arith.constant -2147483648 : i32
        %parallel_loop3A_828 = vector.broadcast %parallel_loop3A_827 : i32 to vector<16xi32>
        %parallel_loop3A_829 = arith.xori %parallel_loop3A_820, %parallel_loop3A_828 : vector<16xi32>
        %parallel_loop3A_830 = tpu.scan <max>, %parallel_loop3A_829 masked %parallel_loop3A_826 : vector<16xi32>, vector<16xi1> -> vector<16xi32>
        %parallel_loop3A_831 = arith.xori %parallel_loop3A_830, %parallel_loop3A_828 : vector<16xi32>
        %parallel_loop3A_832 = arith.constant 16 : i32
        %parallel_loop3A_833 = arith.muli %parallel_loop3A_816, %parallel_loop3A_832 : i32
        %parallel_loop3A_834 = arith.index_cast %parallel_loop3A_833 : i32 to index
        %parallel_loop3A_835 = tpu.vector_load %arg10[%parallel_loop3A_834] {strides = array<i32>} : memref<2048xi32, #tpu.memory_space<vmem>>, vector<16xi32>,
        tpu.vector_store %arg10[%parallel_loop3A_834], %parallel_loop3A_831 {strides = array<i32>} : memref<2048xi32, #tpu.memory_space<vmem>>, vector<16xi32>,
      } {sc.loop_unroll_factor = 4 : i64, sc.parallel_access}
      %mul3A_793 = arith.constant 16 : i32
      %mul3A_794 = vector.broadcast %mul3A_793 : i32 to vector<16xi32>
      %mul3A_795 = arith.muli %iota3A, %mul3A_794 : vector<16xi32>
      %add3A_796 = arith.constant 15 : i32
      %add3A_797 = vector.broadcast %add3A_796 : i32 to vector<16xi32>
      %add3A_798 = arith.addi %mul3A_795, %add3A_797 : vector<16xi32>
      %scan3A_799 = arith.constant 0 : i32
      %scan3A_800 = arith.constant 8 : i32
      %scan3A_801 = arith.addi %scan3A_799, %scan3A_800 : i32
      %scan3A_802 = arith.constant 1 : i32
      %scan3A_803 = scf.for %scan3A_816 = %scan3A_799 to %scan3A_801 step %scan3A_802 iter_args(%scan3A_817 = %broadcast_in_dim3A_413) -> (vector<16xi32>)  : i32 {
        %mul3A_818 = arith.constant 256 : i32
        %mul3A_819 = arith.muli %scan3A_816, %mul3A_818 : i32
        %add3A_820 = vector.broadcast %mul3A_819 : i32 to vector<16xi32>
        %add3A_821 = arith.addi %add3A_798, %add3A_820 : vector<16xi32>
        %gather3A = tpu.vector_load_idx %arg10[%add3A_821] : memref<2048xi32, #tpu.memory_space<vmem>>[vector<16xi32>], vector<16xi32>,
        %broadcast_in_dim3A_822 = arith.constant true
        %broadcast_in_dim3A_823 = vector.broadcast %broadcast_in_dim3A_822 : i1 to vector<16xi1>
        %masked_cummax3A = arith.constant -2147483648 : i32
        %masked_cummax3A_824 = vector.broadcast %masked_cummax3A : i32 to vector<16xi32>
        %masked_cummax3A_825 = arith.xori %gather3A, %masked_cummax3A_824 : vector<16xi32>
        %masked_cummax3A_826 = tpu.scan <max>, %masked_cummax3A_825 masked %broadcast_in_dim3A_823 : vector<16xi32>, vector<16xi1> -> vector<16xi32>
        %masked_cummax3A_827 = arith.xori %masked_cummax3A_826, %masked_cummax3A_824 : vector<16xi32>
        %max3A = arith.maxsi %masked_cummax3A_827, %scan3A_817 : vector<16xi32>
        %mul3A_828 = arith.constant 16 : i32
        %mul3A_829 = arith.muli %scan3A_816, %mul3A_828 : i32
        %swap3A = arith.index_cast %mul3A_829 : i32 to index
        %swap3A_830 = tpu.vector_load %arg11[%swap3A] {strides = array<i32>} : memref<128xi32, #tpu.memory_space<vmem>>, vector<16xi32>,
        tpu.vector_store %arg11[%swap3A], %max3A {strides = array<i32>} : memref<128xi32, #tpu.memory_space<vmem>>, vector<16xi32>,
        %mul3A_831 = arith.constant 16 : i32
        %mul3A_832 = arith.muli %scan3A_816, %mul3A_831 : i32
        %add3A_833 = arith.constant 15 : i32
        %add3A_834 = arith.addi %mul3A_832, %add3A_833 : i32
        %broadcast_in_dim3A_835 = vector.broadcast %add3A_834 : i32 to vector<16xi32>
        %gather3A_836 = tpu.vector_load_idx %arg11[%broadcast_in_dim3A_835] : memref<128xi32, #tpu.memory_space<vmem>>[vector<16xi32>], vector<16xi32>,
        scf.yield %gather3A_836 : vector<16xi32>
      }
      %scan3A_804 = arith.constant 8 : i32
      %parallel_loop3A_805 = arith.constant 0 : i32
      %parallel_loop3A_806 = arith.constant 8 : i32
      %parallel_loop3A_807 = arith.constant 1 : i32
      scf.for %parallel_loop3A_816 = %parallel_loop3A_805 to %parallel_loop3A_806 step %parallel_loop3A_807  : i32 {
        %parallel_loop3A_817 = arith.constant 16 : i32
        %parallel_loop3A_818 = arith.muli %parallel_loop3A_816, %parallel_loop3A_817 : i32
        %parallel_loop3A_819 = vector.broadcast %parallel_loop3A_818 : i32 to vector<16xi32>
        %parallel_loop3A_820 = arith.addi %iota3A, %parallel_loop3A_819 : vector<16xi32>
        %parallel_loop3A_821 = arith.constant 1 : i32
        %parallel_loop3A_822 = vector.broadcast %parallel_loop3A_821 : i32 to vector<16xi32>
        %parallel_loop3A_823 = arith.subi %parallel_loop3A_820, %parallel_loop3A_822 : vector<16xi32>
        %parallel_loop3A_824 = arith.constant 0 : i32
        %parallel_loop3A_825 = vector.broadcast %parallel_loop3A_824 : i32 to vector<16xi32>
        %parallel_loop3A_826 = arith.maxsi %parallel_loop3A_823, %parallel_loop3A_825 : vector<16xi32>
        %parallel_loop3A_827 = tpu.vector_load_idx %arg11[%parallel_loop3A_826] : memref<128xi32, #tpu.memory_space<vmem>>[vector<16xi32>], vector<16xi32>,
        %parallel_loop3A_828 = arith.constant 0 : i32
        %parallel_loop3A_829 = vector.broadcast %parallel_loop3A_828 : i32 to vector<16xi32>
        %parallel_loop3A_830 = arith.cmpi sgt, %parallel_loop3A_820, %parallel_loop3A_829 : vector<16xi32>
        %parallel_loop3A_831 = arith.constant 0 : i32
        %parallel_loop3A_832 = vector.broadcast %parallel_loop3A_831 : i32 to vector<16xi32>
        %parallel_loop3A_833 = arith.select %parallel_loop3A_830, %parallel_loop3A_827, %parallel_loop3A_832 : vector<16xi1>, vector<16xi32>
        %parallel_loop3A_834 = arith.constant 16 : i32
        %parallel_loop3A_835 = arith.muli %parallel_loop3A_816, %parallel_loop3A_834 : i32
        %parallel_loop3A_836 = arith.index_cast %parallel_loop3A_835 : i32 to index
        %parallel_loop3A_837 = tpu.vector_load %arg12[%parallel_loop3A_836] {strides = array<i32>} : memref<128xi32, #tpu.memory_space<vmem>>, vector<16xi32>,
        tpu.vector_store %arg12[%parallel_loop3A_836], %parallel_loop3A_833 {strides = array<i32>} : memref<128xi32, #tpu.memory_space<vmem>>, vector<16xi32>,
      } {sc.loop_unroll_factor = 1 : i64, sc.parallel_access}
      %parallel_loop3A_808 = arith.constant 0 : i32
      %parallel_loop3A_809 = arith.constant 64 : i32
      %parallel_loop3A_810 = arith.constant 1 : i32
      scf.for %parallel_loop3A_816 = %parallel_loop3A_808 to %parallel_loop3A_809 step %parallel_loop3A_810  : i32 {
        %parallel_loop3A_817 = arith.constant 2 : i32
        %parallel_loop3A_818 = vector.broadcast %parallel_loop3A_817 : i32 to vector<16xi32>
        %parallel_loop3A_819 = arith.muli %iota3A, %parallel_loop3A_818 : vector<16xi32>
        %parallel_loop3A_820 = arith.constant 32 : i32
        %parallel_loop3A_821 = arith.muli %parallel_loop3A_816, %parallel_loop3A_820 : i32
        %parallel_loop3A_822 = vector.broadcast %parallel_loop3A_821 : i32 to vector<16xi32>
        %parallel_loop3A_823 = arith.addi %parallel_loop3A_819, %parallel_loop3A_822 : vector<16xi32>
        %parallel_loop3A_824 = arith.constant 1 : i32
        %parallel_loop3A_825 = vector.broadcast %parallel_loop3A_824 : i32 to vector<16xi32>
        %parallel_loop3A_826 = arith.addi %parallel_loop3A_823, %parallel_loop3A_825 : vector<16xi32>
        %parallel_loop3A_827 = tpu.vector_load_idx %arg10[%parallel_loop3A_823] : memref<2048xi32, #tpu.memory_space<vmem>>[vector<16xi32>], vector<16xi32>,
        %parallel_loop3A_828 = tpu.vector_load_idx %arg10[%parallel_loop3A_826] : memref<2048xi32, #tpu.memory_space<vmem>>[vector<16xi32>], vector<16xi32>,
        %parallel_loop3A_829 = arith.constant 4 : i32
        %parallel_loop3A_830 = vector.broadcast %parallel_loop3A_829 : i32 to vector<16xi32>
        %parallel_loop3A_831 = arith.shrui %parallel_loop3A_823, %parallel_loop3A_830 : vector<16xi32>
        %parallel_loop3A_832 = tpu.vector_load_idx %arg12[%parallel_loop3A_831] : memref<128xi32, #tpu.memory_space<vmem>>[vector<16xi32>], vector<16xi32>,
        %parallel_loop3A_833 = arith.maxsi %parallel_loop3A_827, %parallel_loop3A_832 : vector<16xi32>
        %parallel_loop3A_834 = arith.maxsi %parallel_loop3A_828, %parallel_loop3A_832 : vector<16xi32>
        %parallel_loop3A_835 = arith.constant 0 : i32
        %parallel_loop3A_836 = vector.broadcast %parallel_loop3A_835 : i32 to vector<16xi32>
        %parallel_loop3A_837 = arith.cmpi sgt, %parallel_loop3A_833, %parallel_loop3A_836 : vector<16xi32>
        %parallel_loop3A_838 = arith.constant 1 : i32
        %parallel_loop3A_839 = vector.broadcast %parallel_loop3A_838 : i32 to vector<16xi32>
        %parallel_loop3A_840 = arith.subi %parallel_loop3A_833, %parallel_loop3A_839 : vector<16xi32>
        %parallel_loop3A_841 = arith.constant 16384 : i32
        %parallel_loop3A_842 = arith.addi %parallel_loop3A_841, %scan3A_782 : i32
        %parallel_loop3A_843 = vector.broadcast %parallel_loop3A_842 : i32 to vector<16xi32>
        %parallel_loop3A_844 = arith.select %parallel_loop3A_837, %parallel_loop3A_840, %parallel_loop3A_843 : vector<16xi1>, vector<16xi32>
        %parallel_loop3A_845 = arith.constant 0 : i32
        %parallel_loop3A_846 = vector.broadcast %parallel_loop3A_845 : i32 to vector<16xi32>
        %parallel_loop3A_847 = arith.cmpi sgt, %parallel_loop3A_834, %parallel_loop3A_846 : vector<16xi32>
        %parallel_loop3A_848 = arith.constant 1 : i32
        %parallel_loop3A_849 = vector.broadcast %parallel_loop3A_848 : i32 to vector<16xi32>
        %parallel_loop3A_850 = arith.subi %parallel_loop3A_834, %parallel_loop3A_849 : vector<16xi32>
        %parallel_loop3A_851 = arith.constant 16384 : i32
        %parallel_loop3A_852 = arith.addi %parallel_loop3A_851, %scan3A_782 : i32
        %parallel_loop3A_853 = vector.broadcast %parallel_loop3A_852 : i32 to vector<16xi32>
        %parallel_loop3A_854 = arith.select %parallel_loop3A_847, %parallel_loop3A_850, %parallel_loop3A_853 : vector<16xi1>, vector<16xi32>
        %parallel_loop3A_855 = tpu.vector_load_idx %arg7[%parallel_loop3A_844] : memref<16400xf32, #tpu.memory_space<vmem>>[vector<16xi32>], vector<16xf32>,
        %parallel_loop3A_856 = tpu.vector_load_idx %arg7[%parallel_loop3A_854] : memref<16400xf32, #tpu.memory_space<vmem>>[vector<16xi32>], vector<16xf32>,
        %parallel_loop3A_857 = tpu.pack_subelements %parallel_loop3A_855, %parallel_loop3A_856 {pack_format = #tpu.pack_format<interleaved>, positions = array<i32: 0, 1>} : vector<16xf32>, vector<16xf32> -> vector<32xbf16>
        %parallel_loop3A_858 = arith.constant 32 : i32
        %parallel_loop3A_859 = arith.muli %parallel_loop3A_816, %parallel_loop3A_858 : i32
        %parallel_loop3A_860 = arith.index_cast %scan3A_782 : i32 to index
        %parallel_loop3A_861 = arith.index_cast %parallel_loop3A_859 : i32 to index
        %parallel_loop3A_862 = tpu.vector_load %arg8[%parallel_loop3A_860, %parallel_loop3A_861] {strides = array<i32>} : memref<16x2048xbf16, #tpu.memory_space<vmem>>, vector<32xbf16>,
        tpu.vector_store %arg8[%parallel_loop3A_860, %parallel_loop3A_861], %parallel_loop3A_857 {strides = array<i32>} : memref<16x2048xbf16, #tpu.memory_space<vmem>>, vector<32xbf16>,
      } {sc.loop_unroll_factor = 4 : i64, sc.parallel_access}
      %eq3A_811 = arith.constant 7 : i32
      %eq3A_812 = arith.cmpi eq, %scan3A_782, %eq3A_811 : i32
      %convert_element_type3A_813 = arith.extui %eq3A_812 : i1 to i32
      %cond3A_814 = arith.constant 0 : i32
      %cond3A_815 = arith.cmpi ne, %convert_element_type3A_813, %cond3A_814 : i32
      scf.if %cond3A_815 {
        %dma_start3A_816 = arith.constant 0 : i32
        %dma_start3A_817 = arith.constant 0 : i32
        %dma_start3A_818 = tpu.memref_slice %arg8[%dma_start3A_816, %dma_start3A_817] : memref<16x2048xbf16, #tpu.memory_space<vmem>> -> memref<8x2048xbf16, #tpu.memory_space<vmem>>
        %dma_start3A_819 = arith.constant 0 : i32
        %dma_start3A_820 = tpu.memref_slice %arg5[%mul3A_2, %dma_start3A_819] : memref<512x2048xbf16, #tpu.memory_space<hbm>> -> memref<8x2048xbf16, #tpu.memory_space<hbm>>
        %dma_start3A_821 = arith.constant 0 : i32
        %dma_start3A_822 = tpu.memref_slice %arg5[%mul3A_2, %dma_start3A_821] : memref<512x2048xbf16, #tpu.memory_space<hbm>> -> memref<8x2048xbf16, #tpu.memory_space<hbm>>
        %dma_start3A_823 = arith.constant 0 : i32
        %dma_start3A_824 = arith.constant 0 : i32
        %dma_start3A_825 = tpu.memref_slice %arg8[%dma_start3A_823, %dma_start3A_824] : memref<16x2048xbf16, #tpu.memory_space<vmem>> -> memref<8x2048xbf16, #tpu.memory_space<vmem>>
        tpu.enqueue_dma source(%dma_start3A_825 : memref<8x2048xbf16, #tpu.memory_space<vmem>>) target(%dma_start3A_822 : memref<8x2048xbf16, #tpu.memory_space<hbm>>) target_semaphore(%arg15 : memref<!tpu.dma_semaphore, #tpu.memory_space<semaphore_mem>>)
      } else {
      }
    }
    %scan3A_747 = arith.constant 15 : i32
    %add3A_748 = arith.constant 8 : i32
    %add3A_749 = arith.addi %mul3A_2, %add3A_748 : i32
    %dma_start3A_750 = arith.constant 8 : i32
    %dma_start3A_751 = arith.constant 0 : i32
    %dma_start3A_752 = tpu.memref_slice %arg8[%dma_start3A_750, %dma_start3A_751] : memref<16x2048xbf16, #tpu.memory_space<vmem>> -> memref<8x2048xbf16, #tpu.memory_space<vmem>>
    %dma_start3A_753 = arith.constant 0 : i32
    %dma_start3A_754 = tpu.memref_slice %arg5[%add3A_749, %dma_start3A_753] : memref<512x2048xbf16, #tpu.memory_space<hbm>> -> memref<8x2048xbf16, #tpu.memory_space<hbm>>
    %dma_start3A_755 = arith.constant 0 : i32
    %dma_start3A_756 = tpu.memref_slice %arg5[%add3A_749, %dma_start3A_755] : memref<512x2048xbf16, #tpu.memory_space<hbm>> -> memref<8x2048xbf16, #tpu.memory_space<hbm>>
    %dma_start3A_757 = arith.constant 8 : i32
    %dma_start3A_758 = arith.constant 0 : i32
    %dma_start3A_759 = tpu.memref_slice %arg8[%dma_start3A_757, %dma_start3A_758] : memref<16x2048xbf16, #tpu.memory_space<vmem>> -> memref<8x2048xbf16, #tpu.memory_space<vmem>>
    tpu.enqueue_dma source(%dma_start3A_759 : memref<8x2048xbf16, #tpu.memory_space<vmem>>) target(%dma_start3A_756 : memref<8x2048xbf16, #tpu.memory_space<hbm>>) target_semaphore(%arg15 : memref<!tpu.dma_semaphore, #tpu.memory_space<semaphore_mem>>)
    %dma_wait3A_760 = arith.constant 0 : i32
    %dma_wait3A_761 = arith.constant 0 : i32
    %dma_wait3A_762 = tpu.memref_slice %arg8[%dma_wait3A_760, %dma_wait3A_761] : memref<16x2048xbf16, #tpu.memory_space<vmem>> -> memref<8x2048xbf16, #tpu.memory_space<vmem>>
    %dma_wait3A_763 = arith.constant 0 : i32
    %dma_wait3A_764 = tpu.memref_slice %arg5[%mul3A_2, %dma_wait3A_763] : memref<512x2048xbf16, #tpu.memory_space<hbm>> -> memref<8x2048xbf16, #tpu.memory_space<hbm>>
    %dma_wait3A_765 = arith.constant 0 : i32
    %dma_wait3A_766 = tpu.memref_slice %arg5[%mul3A_2, %dma_wait3A_765] : memref<512x2048xbf16, #tpu.memory_space<hbm>> -> memref<8x2048xbf16, #tpu.memory_space<hbm>>
    %dma_wait3A_767 = arith.constant 0 : i32
    %dma_wait3A_768 = arith.constant 0 : i32
    %dma_wait3A_769 = tpu.memref_slice %arg8[%dma_wait3A_767, %dma_wait3A_768] : memref<16x2048xbf16, #tpu.memory_space<vmem>> -> memref<8x2048xbf16, #tpu.memory_space<vmem>>
    tpu.wait_dma2 semaphore(%arg15 : memref<!tpu.dma_semaphore, #tpu.memory_space<semaphore_mem>>) src(%dma_wait3A_769 : memref<8x2048xbf16, #tpu.memory_space<vmem>>) dst(%dma_wait3A_766 : memref<8x2048xbf16, #tpu.memory_space<hbm>>)
    %add3A_770 = arith.constant 8 : i32
    %add3A_771 = arith.addi %mul3A_2, %add3A_770 : i32
    %dma_wait3A_772 = arith.constant 8 : i32
    %dma_wait3A_773 = arith.constant 0 : i32
    %dma_wait3A_774 = tpu.memref_slice %arg8[%dma_wait3A_772, %dma_wait3A_773] : memref<16x2048xbf16, #tpu.memory_space<vmem>> -> memref<8x2048xbf16, #tpu.memory_space<vmem>>
    %dma_wait3A_775 = arith.constant 0 : i32
    %dma_wait3A_776 = tpu.memref_slice %arg5[%add3A_771, %dma_wait3A_775] : memref<512x2048xbf16, #tpu.memory_space<hbm>> -> memref<8x2048xbf16, #tpu.memory_space<hbm>>
    %dma_wait3A_777 = arith.constant 0 : i32
    %dma_wait3A_778 = tpu.memref_slice %arg5[%add3A_771, %dma_wait3A_777] : memref<512x2048xbf16, #tpu.memory_space<hbm>> -> memref<8x2048xbf16, #tpu.memory_space<hbm>>
    %dma_wait3A_779 = arith.constant 8 : i32
    %dma_wait3A_780 = arith.constant 0 : i32
    %dma_wait3A_781 = tpu.memref_slice %arg8[%dma_wait3A_779, %dma_wait3A_780] : memref<16x2048xbf16, #tpu.memory_space<vmem>> -> memref<8x2048xbf16, #tpu.memory_space<vmem>>
    tpu.wait_dma2 semaphore(%arg15 : memref<!tpu.dma_semaphore, #tpu.memory_space<semaphore_mem>>) src(%dma_wait3A_781 : memref<8x2048xbf16, #tpu.memory_space<vmem>>) dst(%dma_wait3A_778 : memref<8x2048xbf16, #tpu.memory_space<hbm>>)
    return
  }
}

module attributes {stable_mosaic.version = 14 : i64} {
  func.func @_matmul_body(%arg0: i32, %arg1: memref<512x1024xbf16, #tpu.memory_space<vmem>>, %arg2: memref<64x512xf32, #tpu.memory_space<vmem>>, %arg3: memref<1x64xf32, #tpu.memory_space<vmem>>, %arg4: memref<1024x64xf32, #tpu.memory_space<vmem>>) attributes {dimension_semantics = [#tpu.dimension_semantics<arbitrary>], iteration_bounds = array<i64: 2>, scalar_prefetch = 0 : i64, scratch_operands = 0 : i64, tpu.core_type = #tpu.core_type<tc>, window_params = [{transform_indices = @transform_0, window_bounds = array<i64: 512, 1024>}, {pipeline_mode = #tpu.pipeline_mode<synchronous>, transform_indices = @transform_1, window_bounds = array<i64: 64, 512>}, {pipeline_mode = #tpu.pipeline_mode<synchronous>, transform_indices = @transform_2, window_bounds = array<i64: 1, 64>}, {transform_indices = @transform_3, window_bounds = array<i64: 1024, 64>}]} {
    %get3A = arith.constant 0 : index
    %get3A_0 = arith.constant 0 : index
    %get3A_1 = vector.load %arg1[%get3A, %get3A_0] : memref<512x1024xbf16, #tpu.memory_space<vmem>>, vector<512x1024xbf16>
    %get3A_2 = arith.constant 0 : index
    %get3A_3 = arith.constant 0 : index
    %get3A_4 = vector.load %arg2[%get3A_2, %get3A_3] : memref<64x512xf32, #tpu.memory_space<vmem>>, vector<64x512xf32>
    %convert_element_type3A = arith.truncf %get3A_4 : vector<64x512xf32> to vector<64x512xbf16>
    %dot_general3A = arith.constant dense<0.000000e+00> : vector<1024x64xf32>
    %dot_general3A_5 = tpu.matmul %get3A_1, %convert_element_type3A, %dot_general3A {dimension_numbers = #tpu.dot_dimension_numbers<[0], [1], [1], [0], [0, 1, 1, 0], [], []>, transpose_lhs_hint = false} : vector<512x1024xbf16>, vector<64x512xbf16>, vector<1024x64xf32> -> vector<1024x64xf32>
    %get3A_6 = arith.constant 0 : index
    %get3A_7 = arith.constant 0 : index
    %get3A_8 = vector.load %arg3[%get3A_6, %get3A_7] : memref<1x64xf32, #tpu.memory_space<vmem>>, vector<1x64xf32>
    %add3A = vector.broadcast %get3A_8 : vector<1x64xf32> to vector<1024x64xf32>
    %add3A_9 = arith.addf %dot_general3A_5, %add3A : vector<1024x64xf32>
    %swap3A = arith.constant 0 : index
    %swap3A_10 = arith.constant 0 : index
    %swap3A_11 = vector.load %arg4[%swap3A, %swap3A_10] : memref<1024x64xf32, #tpu.memory_space<vmem>>, vector<1024x64xf32>
    tpu.vector_store %arg4[%swap3A, %swap3A_10], %add3A_9 {strides = array<i32>} : memref<1024x64xf32, #tpu.memory_space<vmem>>, vector<1024x64xf32>,
    return
  }
  func.func @transform_0(%arg0: i32) -> (i32, i32) {
    %c0_i32 = arith.constant 0 : i32
    %c0_i32_0 = arith.constant 0 : i32
    return %c0_i32, %arg0 : i32, i32
  }
  func.func @transform_1(%arg0: i32) -> (i32, i32) {
    %c0_i32 = arith.constant 0 : i32
    %c0_i32_0 = arith.constant 0 : i32
    %c0_i32_1 = arith.constant 0 : i32
    return %c0_i32, %c0_i32_0 : i32, i32
  }
  func.func @transform_2(%arg0: i32) -> (i32, i32) {
    %c0_i32 = arith.constant 0 : i32
    %c0_i32_0 = arith.constant 0 : i32
    %c0_i32_1 = arith.constant 0 : i32
    return %c0_i32, %c0_i32_0 : i32, i32
  }
  func.func @transform_3(%arg0: i32) -> (i32, i32) {
    %c0_i32 = arith.constant 0 : i32
    %c0_i32_0 = arith.constant 0 : i32
    return %arg0, %c0_i32 : i32, i32
  }
}

</mosaic_0001>

<sc_bundles>
// kernel: kernel.4.cloned.1.call-start
scs
__scs_entry_jumppad:
0x0: {  	(pc) =	sbr.rel $0x88, $3  }
0x1: {  	(tag) =	ssettag $0x0;
	lr =	simm.s32 $0x1  }
0x2: {  	[smem:$0x3F9C] =	sst lr;
	_ =	strace $0xD0000000  }
0x3: {  	_ = 	snop  }
0x4: {  	_ = 	snop  }
0x5: {  	_ = 	snop  }
0x6: {  	_ = 	snop  }
0x7: {  	_ = 	snop  }
__scs_overlays_trampoline_lowered:
0x8: {  	[smem:$0x3FAB] =	sst s0  }
0x9: {  	[smem:$0x3FAC] =	sst s1  }
0xa: {  	[smem:$0x3FAD] =	sst s2  }
0xb: {  	[smem:$0x3FAE] =	sst s3  }
0xc: {  	[smem:$0x3FAF] =	sst s4  }
0xd: {  	[smem:$0x3FB0] =	sst s5  }
0xe: {  	[smem:$0x3FB1] =	sst s6  }
0xf: {  	[smem:$0x3FB2] =	sst s7  }
0x10: {  	[smem:$0x3FB3] =	sst s8  }
0x11: {  	[smem:$0x3FB4] =	sst s9;
	s0 =	simm.s32 @!p0 $0x0  }
0x12: {  	s1 =	sld [smem:$0x3F9A];
	s0 =	simm.s32 @p0 $0x1  }
0x13: {  	[smem:$0x3FB5] =	sst s0;
	s0 =	simm.s32 @!p1 $0x0  }
0x14: {  	s2 =	sld [smem:$0x3F99];
	s0 =	simm.s32 @p1 $0x1  }
0x15: {  	[smem:$0x3FB6] =	sst s0;
	s0 =	simm.s32 @!p2 $0x0  }
0x16: {  	s3 =	sld [smem:$0x3FDB];
	s0 =	simm.s32 @p2 $0x1  }
0x17: {  	s4 =	simm.s32 $0x1BF5;
	[smem:$0x3FB8] =	sst s0  }
0x18: {  	s0 =	sld [smem:$0x3F9B];
	_ =	swait.ge [sflag:s4], $0x0  }
0x19: {  	s7 =	sld [smem:$0x3F9C]  }
0x1a: {  	s8 =	sadd.s32 $0xFFFFE003, lr  }
0x1b: {  	s9 =	sadd.s32 $0xFFFFFEF7, lr;
	s5 =	simm.s32 $0xFFFFFFFF;
	p2 =	slt.u32 s8, $0xFFFFF086  }
0x1c: {  	p1 =	slt.u32 s9, $0xF7A;
	s5 =	simm.s32 @!p2 $0x0  }
0x1d: {  	s5 =	simm.s32 @p1 $0x1;
	p0 =	seq.s32 s7, s2  }
0x1e: {  	s7 =	smul.u32 @!p0 $0xF7A, s2;
	p2 =	seq.s32 @!p0 s5, $0x0  }
0x1f: {  	s9 =	smul.u32 $0xF7A, s1;
	s8 =	simm.s32 @!p0 $0x1BF5;
	p2 =	por !p2, p0  }
0x20: {  	[sflag:s8] =	ssyncset.s32 @!p0 $0xFFFFF086;
	s6 =	sadd.s32 @!p0 s3, s7;
	s7 =	simm.s32 @!p0 $0x108  }
0x21: {  	s3 =	sadd.s32 s3, s9;
	s6 =	sadd.s32 @!p0 $0x88, s6;
	s7 =	simm.s32 @p2 $0x1082  }
0x22: {  	[simem:s7], [sflag:s8] =	dma.local @!p0 [hbm:s6], $0xF7A  }
0x23: {  	s9 =	sor.u32 $0xD0000000, s2;
	s6 =	simm.s32 $0x108;
	_ =	swait.ge @!p0 [sflag:s8], $0x0  }
0x24: {  	s3 =	sadd.s32 $0x88, s3;
	s6 =	simm.s32 @!p1 $0x1082;
	[sflag:s4] =	ssyncset.s32 $0xFFFFF086  }
0x25: {  	[simem:s6], [sflag:s4] =	dma.local [hbm:s3], $0xF7A  }
0x26: {  	[smem:$0x3F9C] =	sst s1;
	(tag) =	ssettag s2;
	_ =	strace s9  }
0x27: {  	s1 =	sld [smem:$0x3FAC]  }
0x28: {  	s2 =	sld [smem:$0x3FAD]  }
0x29: {  	s4 =	sld [smem:$0x3FAF]  }
0x2a: {  	p0 =	seq.s32 s5, $0x0;
	s5 =	sld [smem:$0x3FB0]  }
0x2b: {  	s6 =	sld [smem:$0x3FB1]  }
0x2c: {  	s7 =	sld [smem:$0x3FB2]  }
0x2d: {  	s3 =	simm.s32 $0x108;
	s8 =	sld [smem:$0x3FB3]  }
0x2e: {  	s3 =	simm.s32 @!p0 $0x1082;
	s9 =	sld [smem:$0x3FB4]  }
0x2f: {  	lr =	sadd.s32 s0, s3;
	s0 =	sld [smem:$0x3FAB]  }
0x30: {  	s3 =	sld [smem:$0x3FAE]  }
0x31: {  	[smem:$0x3FB7] =	sst s10  }
0x32: {  	s10 =	sld [smem:$0x3FB5];
	_ =	sdelay $0x3  }
0x33: {  	p0 =	seq.s32 s10, $0x1;
	s10 =	sld [smem:$0x3FB7];
	_ =	sdelay $0x3  }
0x34: {  	[smem:$0x3FB7] =	sst s10  }
0x35: {  	s10 =	sld [smem:$0x3FB6];
	_ =	sdelay $0x3  }
0x36: {  	p1 =	seq.s32 s10, $0x1;
	s10 =	sld [smem:$0x3FB7];
	_ =	sdelay $0x3  }
0x37: {  	[smem:$0x3FB7] =	sst s10  }
0x38: {  	s10 =	sld [smem:$0x3FB8]  }
0x39: {  	_ = 	snop;
	(pc) =	sbr.ind lr, $3  }
0x3a: {  	_ = 	snop  }
0x3b: {  	_ = 	snop  }
0x3c: {  	p2 =	seq.s32 s10, $0x1;
	s10 =	sld [smem:$0x3FB7]  }
0x3d: {  	_ =	shalt  }
0x3e: {  	_ =	shalt  }
0x3f: {  	_ =	shalt  }
0x40: {  	_ =	shalt  }
0x41: {  	_ =	shalt  }
0x42: {  	_ =	shalt  }
0x43: {  	_ =	shalt  }
0x44: {  	_ =	shalt  }
0x45: {  	_ =	shalt  }
0x46: {  	_ =	shalt  }
0x47: {  	_ =	shalt  }
0x48: {  	_ =	shalt  }
0x49: {  	_ =	shalt  }
0x4a: {  	_ =	shalt  }
0x4b: {  	_ =	shalt  }
0x4c: {  	_ =	shalt  }
0x4d: {  	_ =	shalt  }
0x4e: {  	_ =	shalt  }
0x4f: {  	_ =	shalt  }
0x50: {  	_ =	shalt  }
0x51: {  	_ =	shalt  }
0x52: {  	_ =	shalt  }
0x53: {  	_ =	shalt  }
0x54: {  	_ =	shalt  }
0x55: {  	_ =	shalt  }
0x56: {  	_ =	shalt  }
0x57: {  	_ =	shalt  }
0x58: {  	_ =	shalt  }
0x59: {  	_ =	shalt  }
0x5a: {  	_ =	shalt  }
0x5b: {  	_ =	shalt  }
0x5c: {  	_ =	shalt  }
0x5d: {  	_ =	shalt  }
0x5e: {  	_ =	shalt  }
0x5f: {  	_ =	shalt  }
0x60: {  	_ =	shalt  }
0x61: {  	_ =	shalt  }
0x62: {  	_ =	shalt  }
0x63: {  	_ =	shalt  }
0x64: {  	_ =	shalt  }
0x65: {  	_ =	shalt  }
0x66: {  	_ =	shalt  }
0x67: {  	_ =	shalt  }
0x68: {  	_ =	shalt  }
0x69: {  	_ =	shalt  }
0x6a: {  	_ =	shalt  }
0x6b: {  	_ =	shalt  }
0x6c: {  	_ =	shalt  }
0x6d: {  	_ =	shalt  }
0x6e: {  	_ =	shalt  }
0x6f: {  	_ =	shalt  }
0x70: {  	_ =	shalt  }
0x71: {  	_ =	shalt  }
0x72: {  	_ =	shalt  }
0x73: {  	_ =	shalt  }
0x74: {  	_ =	shalt  }
0x75: {  	_ =	shalt  }
0x76: {  	_ =	shalt  }
0x77: {  	_ =	shalt  }
0x78: {  	_ =	shalt  }
0x79: {  	_ =	shalt  }
0x7a: {  	_ =	shalt  }
0x7b: {  	_ =	shalt  }
0x7c: {  	_ =	shalt  }
0x7d: {  	_ =	shalt  }
0x7e: {  	_ =	shalt  }
0x7f: {  	_ =	shalt  }
0x80: {  	_ =	shalt  }
0x81: {  	_ =	shalt  }
0x82: {  	_ =	shalt  }
0x83: {  	_ =	shalt  }
0x84: {  	_ =	shalt  }
0x85: {  	_ =	shalt  }
0x86: {  	_ =	shalt  }
0x87: {  	_ =	shalt  }
.Lfunc_end0:
.L_simem_size_0:
called_computation_lowered:
.L_overlay_start_0:
0x88: {  	s2 =	sld [smem:$0x3FD9]  }
0x89: {  	s3 =	sld [smem:$0x3FFE];
	_ =	sdelay $0x1  }
0x8a: {  	s1 =	srdreg.scid  }
0x8b: {  	s0 =	sand.u32 $0x1, s1  }
0x8c: {  	s17 =	sshll.u32 s0, $0xA;
	s2 =	sadd.s32 s3, s2  }
0x8d: {  	s2 =	sadd.s32 s2, s17  }
0x8e: {  	[smem:$0x3FC3] =	sst s2  }
0x8f: {  	_ = 	snop  }
0x90: {  	s2 =	sld [smem:$0x3FC9]  }
0x91: {  	s18 =	sld [smem:$0x3FC8]  }
0x92: {  	s4 =	sld [smem:$0x3FC7];
	(tm) =	ssettm $0x1  }
0x93: {  	s5 =	sld [smem:$0x3FFB];
	_ =	sdelay $0x3  }
0x94: {  	_ =	strace s5  }
0x95: {  	s5 =	sld [smem:$0x3FFC];
	_ =	sdelay $0x3  }
0x96: {  	_ =	strace s5  }
0x97: {  	s5 =	sld [smem:$0x3FFD];
	_ =	sdelay $0x3  }
0x98: {  	_ =	strace s5  }
0x99: {  	_ =	strace $0x8FFFFFFF  }
0x9a: {  	s19 =	sld [smem:$0x3FDB];
	_ =	sdelay $0x1  }
0x9b: {  	s6 =	simm.s32 $_scs_section_size  }
0x9c: {  	s7 =	simm.s32 $_size__tile_overlayer_lowered;
	s8 =	simm.s32 $_tile_overlayer_lowered  }
0x9d: {  	s22 =	simm.s32 $0x1BFF;
	s21 =	sshll.u32 s8, $0x1;
	s5 =	sadd.s32 s6, s19  }
0x9e: {  	s9 =	simm.s32 $0x0;
	s20 =	sshll.u32 s7, $0x1;
	s7 =	sadd.s32 s21, s5  }
0x9f: {  	[timem:s9], [sflag:s22] =	dma.local [hbm:s7], s20  }
0xa0: {  	_ =	swait.ge [sflag:s22], s20  }
0xa1: {  	s6 =	ssub.s32 $0x0, s20;
	[sflag:s22] =	ssyncset.done $0x0  }
0xa2: {  	[sflag:s22] =	ssyncadd.s32 s6;
	_ =	sdelay $0x1  }
0xa3: {  	s23 =	simm.s32 $0x1B8B  }
0xa4: {  	_ =	swait.ge [sflag:s23], $0x1  }
0xa5: {  	[sflag:s23] =	ssyncset.done $0x0  }
0xa6: {  	s25 =	simm.s32 $0x1B8E;
	s24 =	sld [smem:$0x3FFE];
	[sflag:s23] =	ssyncadd.s32 $0xFFFFFFFF  }
0xa7: {  	s26 =	simm.s32 $execute0_lowered;
	[smem:$0x3FD2] =	sst s25  }
0xa8: {  	s7 =	sshll.u32 s26, $0x1;
	_ =	strace $0x80000046;
	[dreg:$0x1] =	wrdreg $0xFFFFFFFF  }
0xa9: {  	s28 =	simm.s32 $_size_execute0_lowered;
	s5 =	sadd.s32 s5, s7;
	[dreg:$0x0] =	wrdreg $0x0  }
0xaa: {  	s7 =	sshll.u32 s28, $0x1;
	[dreg:$0x2] =	wrdreg s5  }
0xab: {  	[dreg:$0x3] =	wrdreg s7  }
0xac: {  	[dreg:$0x4] =	wrdreg $0xC0  }
0xad: {  	_ =	task [dreg:s9], $0x5FFFF  }
0xae: {  	[dreg:$0x1] =	wrdreg $0xFFFFFFFF  }
0xaf: {  	[dreg:$0x0] =	wrdreg $0x60  }
0xb0: {  	[dreg:$0x2] =	wrdreg s18  }
0xb1: {  	[dreg:$0x3] =	wrdreg s2  }
0xb2: {  	[dreg:$0x4] =	wrdreg s4  }
0xb3: {  	[dreg:$0x5] =	wrdreg s24  }
0xb4: {  	[dreg:$0x6] =	wrdreg $0x9  }
0xb5: {  	_ =	task.clear_ibuf [dreg:s9], $0x7FFFF;
	_ =	strace $0x90000046  }
0xb6: {  	s29 =	simm.s32 $0x9;
	_ =	strace $0x80000048  }
0xb7: {  	_ =	swait.ge [sflag:s29], $0x1  }
0xb8: {  	[sflag:s29] =	ssyncadd.s32 $0xFFFFFFFF  }
0xb9: {  	_ =	strace $0x90000048  }
0xba: {  	_ =	sfence  }
0xbb: {  	s30 =	sld [smem:$0x0];
	_ =	sdelay $0x2  }
0xbc: {  	s31 =	sshll.u32 s1, $0xD;
	s1 =	sshrl.u32 s1, $0x2  }
0xbd: {  	s3 =	sand.u32 $0x4000, s31;
	s1 =	sadd.s32 s1, s30  }
0xbe: {  	s0 =	sor.u32 s3, s0;
	s1 =	sshll.u32 s1, $0x11  }
0xbf: {  	s0 =	sor.u32 s1, s0  }
0xc0: {  	s0 =	sadd.s32 $0x8F2B, s0  }
0xc1: {  	[sflag:s0] =	ssyncadd.remote.s32 $0x1  }
0xc2: {  	_ =	sfence.sel $0xFFFF  }
0xc3: {  	[dreg:$0x0] =	wrdreg $0xFFFFFFFF;
	(pc) =	sbr.abs _section_cstart, $3  }
0xc4: {  	[dreg:$0x1] =	wrdreg $0xFFFFFFFF  }
0xc5: {  	_ =	task.clear_ibuf [dreg:s9], $0x2FFFF;
	_ =	strace $0x9FFFFFFF  }
0xc6: {  	(tm) =	ssettm $0x7FFFFFFF  }
0xc7: {  	_ =	shalt  }
tec
execute0_lowered:
.L_overlay_start_1:
0x0: {  	(tag) =	ssettag $0x1  }
0x1: {  	s0 =	rddreg [dreg:$0x0]  }
0x2: {  	s4 =	rddreg [dreg:$0x1]  }
0x3: {  	s2 =	rddreg [dreg:$0x2];
	s5 =	srdreg.scid  }
0x4: {  	s3 =	rddreg [dreg:$0x3];
	s6 =	stileid.u32;
	s5 =	sand.u32 $0x1, s5  }
0x5: {  	s1 =	simm.s32 $0x0;
	s6 =	sshll.u32 s6, $0x5;
	s7 =	sshll.u32 s5, $0x4  }
0x6: {  	[smem:$0x7FF] =	sst s1;
	s19 =	sor.u32 s7, s6  }
0x7: {  	s18 =	ssub.s32 $0x2, s5;
	s7 =	sshll.u32 s19, $0x7;
	s5 =	sshrl.u32 s19, $0x3  }
0x8: {  	s20 =	sshrl.u32 s18, $0x1;
	s2 =	sadd.s32 s2, s5;
	s21 =	sor.u32 $0x10, s7  }
0x9: {  	s9 =	ssub.s32 s18, s20;
	[dreg:$0x5] =	wrdreg s2;
	s22 =	sadd.s32 s0, s21  }
0xa: {  	s23 =	sor.u32 $0x20, s7;
	s2 =	sadd.s32 s4, s21;
	[dreg:$0x6] =	wrdreg s22  }
0xb: {  	s25 =	sor.u32 $0x30, s7;
	s24 =	sadd.s32 s0, s23;
	[dreg:$0x7] =	wrdreg s2  }
0xc: {  	s28 =	sor.u32 $0x40, s7;
	s26 =	sadd.s32 s0, s25;
	[dreg:$0x8] =	wrdreg s24  }
0xd: {  	s30 =	sor.u32 $0x50, s7;
	s29 =	sadd.s32 s0, s28;
	[dreg:$0xa] =	wrdreg s26  }
0xe: {  	s5 =	sor.u32 $0x60, s7;
	s31 =	sadd.s32 s0, s30;
	[dreg:$0xc] =	wrdreg s29  }
0xf: {  	s10 =	sor.u32 $0x70, s7;
	s6 =	sadd.s32 s0, s5;
	[dreg:$0xe] =	wrdreg s31  }
0x10: {  	s12 =	sor.u32 $0x410, s7;
	s11 =	sadd.s32 s0, s10;
	[dreg:$0x10] =	wrdreg s6  }
0x11: {  	s14 =	sor.u32 $0x420, s7;
	s13 =	sadd.s32 s0, s12;
	[dreg:$0x12] =	wrdreg s11  }
0x12: {  	s16 =	sor.u32 $0x430, s7;
	s15 =	sadd.s32 s0, s14;
	[dreg:$0x14] =	wrdreg s13  }
0x13: {  	s18 =	sor.u32 $0x440, s7;
	s17 =	sadd.s32 s0, s16;
	[dreg:$0x16] =	wrdreg s15  }
0x14: {  	s20 =	sor.u32 $0x450, s7;
	s19 =	sadd.s32 s0, s18;
	[dreg:$0x18] =	wrdreg s17  }
0x15: {  	s21 =	sadd.s32 s0, s20;
	[dreg:$0x1a] =	wrdreg s19  }
0x16: {  	s2 =	sadd.s32 s4, s23;
	[dreg:$0x1c] =	wrdreg s21  }
0x17: {  	s22 =	sor.u32 $0x460, s7;
	[dreg:$0x9] =	wrdreg s2;
	s2 =	sadd.s32 s4, s25  }
0x18: {  	s23 =	sadd.s32 s0, s22;
	[dreg:$0xb] =	wrdreg s2  }
0x19: {  	s24 =	sor.u32 $0x400, s7;
	s25 =	sadd.s32 s0, s7;
	[dreg:$0x1e] =	wrdreg s23  }
0x1a: {  	s26 =	sadd.s32 s0, s24;
	[smem:$0x7F8] =	sst s25  }
0x1b: {  	s31 =	sadd.s32 s4, s24;
	[smem:$0x7F9] =	sst s26  }
0x1c: {  	s8 =	sadd.s32 $0xA00, s3;
	s2 =	sadd.s32 s4, s28;
	[smem:$0x7FD] =	sst s31  }
0x1d: {  	s28 =	sor.u32 $0x470, s7;
	[dreg:$0xd] =	wrdreg s2;
	s2 =	sadd.s32 s4, s30  }
0x1e: {  	s11 =	simm.s32 $0x1;
	s0 =	sadd.s32 s0, s28;
	[dreg:$0xf] =	wrdreg s2  }
0x1f: {  	s13 =	simm.s32 $0xC900;
	s29 =	sadd.s32 s4, s28;
	[smem:$0x7FA] =	sst s0  }
0x20: {  	s15 =	simm.s32 $0xD180;
	s30 =	sadd.s32 s4, s7;
	[smem:$0x7FB] =	sst s29  }
0x21: {  	s17 =	simm.s32 $0x3;
	s2 =	sadd.s32 s4, s5;
	[smem:$0x7FC] =	sst s30  }
0x22: {  	s6 =	sadd.s32 s8, s24;
	[dreg:$0x11] =	wrdreg s2;
	s2 =	sadd.s32 s4, s10  }
0x23: {  	s5 =	sadd.s32 s8, s7;
	[dreg:$0x13] =	wrdreg s2;
	s2 =	sadd.s32 s4, s12  }
0x24: {  	s7 =	smax.u32 s9, $0x1;
	[dreg:$0x15] =	wrdreg s2;
	s2 =	sadd.s32 s4, s14  }
0x25: {  	s8 =	simm.s32 $0x80;
	[dreg:$0x17] =	wrdreg s2;
	s2 =	sadd.s32 s4, s16  }
.Ltmp0:
0x26: {  	v0 =	vlaneseq.u32;
	[dreg:$0x19] =	wrdreg s2;
	s2 =	sadd.s32 s4, s18;
	(pc) =	sbr.rel .LBB2_1-.Ltmp0, $4  }
0x27: {  	v3 =	vmul.u32 $0x10, v0;
	v1 =	vmul.u32 $0x2, v0;
	s9 =	simm.s32 $0x400;
	[dreg:$0x1b] =	wrdreg s2;
	s2 =	sadd.s32 s4, s20  }
0x28: {  	v2 =	vimm.s32 $0x0;
	s10 =	simm.s32 $0x4080;
	[dreg:$0x1d] =	wrdreg s2;
	s2 =	sadd.s32 s4, s22  }
0x29: {  	v4 =	vadd.s32 $0xFFFFFFFF, v0;
	v3 =	vor.u32 $0xF, v3;
	v5 =	vor.u32 $0x1, v1;
	s12 =	simm.s32 $0xC100;
	s14 =	simm.s32 $0xD100;
	[dreg:$0x1f] =	wrdreg s2  }
0x2a: {  	v6 =	vor.u32 $0x21, v1;
	v7 =	vor.u32 $0x41, v1;
	v8 =	vor.u32 $0x61, v1;
	s16 =	simm.s32 $0x2;
	s18 =	simm.s32 $0x0;
	_ =	strace $0x80000047  }
.LBB2_43:
0x2b: {  	s0 =	simm.s32 $0x8300  }
0x2c: {  	[hbm4b:s6+s1] =	stream.linear.scatter [tilespmem:s0], [sflag:$0x3], $0x200, $0x38;
	[tilespmem:$0xD200] =	vst v63  }
0x2d: {  	s31 =	sadd.s32 $0x40, s6;
	s2 =	simm.s32 $0x8700  }
0x2e: {  	[hbm4b:s31+s1] =	stream.linear.scatter [tilespmem:s2], [sflag:$0x3], $0x200, $0x38;
	[tilespmem:$0xD200] =	vst v63  }
0x2f: {  	s3 =	sadd.s32 $0x80, s6;
	s4 =	simm.s32 $0x8B00  }
0x30: {  	[hbm4b:s3+s1] =	stream.linear.scatter [tilespmem:s4], [sflag:$0x3], $0x200, $0x38;
	[tilespmem:$0xD200] =	vst v63  }
0x31: {  	s19 =	sadd.s32 $0xC0, s6;
	s20 =	simm.s32 $0x8F00  }
0x32: {  	[hbm4b:s19+s1] =	stream.linear.scatter [tilespmem:s20], [sflag:$0x3], $0x200, $0x38;
	[tilespmem:$0xD200] =	vst v63  }
0x33: {  	s21 =	sadd.s32 $0x100, s6;
	s22 =	simm.s32 $0x9300  }
0x34: {  	[hbm4b:s21+s1] =	stream.linear.scatter [tilespmem:s22], [sflag:$0x3], $0x200, $0x38;
	[tilespmem:$0xD200] =	vst v63  }
0x35: {  	s23 =	sadd.s32 $0x140, s6;
	s24 =	simm.s32 $0x9700  }
0x36: {  	[hbm4b:s23+s1] =	stream.linear.scatter [tilespmem:s24], [sflag:$0x3], $0x200, $0x38;
	[tilespmem:$0xD200] =	vst v63  }
0x37: {  	s25 =	sadd.s32 $0x180, s6;
	s26 =	simm.s32 $0x9B00  }
0x38: {  	[hbm4b:s25+s1] =	stream.linear.scatter [tilespmem:s26], [sflag:$0x3], $0x200, $0x38;
	[tilespmem:$0xD200] =	vst v63  }
0x39: {  	s28 =	sadd.s32 $0x1C0, s6;
	s29 =	simm.s32 $0x9F00  }
0x3a: {  	[hbm4b:s28+s1] =	stream.linear.scatter [tilespmem:s29], [sflag:$0x3], $0x200, $0x38;
	[tilespmem:$0xD200] =	vst v63  }
0x3b: {  	s30 =	sadd.s32 $0x200, s6;
	s31 =	simm.s32 $0xA300  }
0x3c: {  	[hbm4b:s30+s1] =	stream.linear.scatter [tilespmem:s31], [sflag:$0x3], $0x200, $0x38;
	[tilespmem:$0xD200] =	vst v63  }
0x3d: {  	s3 =	sadd.s32 $0x240, s6;
	s4 =	simm.s32 $0xA700  }
0x3e: {  	[hbm4b:s3+s1] =	stream.linear.scatter [tilespmem:s4], [sflag:$0x3], $0x200, $0x38;
	[tilespmem:$0xD200] =	vst v63  }
0x3f: {  	s19 =	sadd.s32 $0x280, s6;
	s20 =	simm.s32 $0xAB00  }
0x40: {  	[hbm4b:s19+s1] =	stream.linear.scatter [tilespmem:s20], [sflag:$0x3], $0x200, $0x38;
	[tilespmem:$0xD200] =	vst v63  }
0x41: {  	s21 =	sadd.s32 $0x2C0, s6;
	s22 =	simm.s32 $0xAF00  }
0x42: {  	[hbm4b:s21+s1] =	stream.linear.scatter [tilespmem:s22], [sflag:$0x3], $0x200, $0x38;
	[tilespmem:$0xD200] =	vst v63  }
0x43: {  	s23 =	sadd.s32 $0x300, s6;
	s24 =	simm.s32 $0xB300  }
0x44: {  	[hbm4b:s23+s1] =	stream.linear.scatter [tilespmem:s24], [sflag:$0x3], $0x200, $0x38;
	[tilespmem:$0xD200] =	vst v63  }
0x45: {  	s25 =	sadd.s32 $0x340, s6;
	s26 =	simm.s32 $0xB700  }
0x46: {  	[hbm4b:s25+s1] =	stream.linear.scatter [tilespmem:s26], [sflag:$0x3], $0x200, $0x38;
	[tilespmem:$0xD200] =	vst v63  }
0x47: {  	s28 =	sadd.s32 $0x380, s6;
	s29 =	simm.s32 $0xBB00  }
0x48: {  	[hbm4b:s28+s1] =	stream.linear.scatter [tilespmem:s29], [sflag:$0x3], $0x200, $0x38;
	[tilespmem:$0xD200] =	vst v63  }
0x49: {  	s18 =	sadd.s32 $0x1, s18;
	s30 =	sadd.s32 $0x3C0, s6;
	s31 =	simm.s32 $0xBF00  }
0x4a: {  	[hbm4b:s30+s1] =	stream.linear.scatter [tilespmem:s31], [sflag:$0x3], $0x200, $0x38;
	[tilespmem:$0xD200] =	vst v63  }
0x4b: {  	p0 =	sne.s32 s18, s7;
	_ =	swait.ge [sflag:s17], $0x2000  }
.Ltmp1:
0x4c: {  	[sflag:s17] =	ssyncset.done $0x0;
	(pc) =	sbr.rel @!p0 .LBB2_44-.Ltmp1, $4  }
0x4d: {  	[sflag:s17] =	ssyncadd.s32 $0xFFFFE000  }
0x4e: {  	_ =	swait.ge [sflag:s17], $0x2000  }
0x4f: {  	[sflag:s17] =	ssyncset.done $0x0  }
0x50: {  	[sflag:s17] =	ssyncadd.s32 $0xFFFFE000  }
.LBB2_1:
0x51: {  	s0 =	sld [smem:$0x7F8];
	_ =	sdelay $0x1  }
0x52: {  	s26 =	sld [smem:$0x7FC]  }
0x53: {  	[tilespmem:s1], [sflag:$0x1] =	stream.strided.gather [hbm4b:s0+s8], $0x400, s9, s8, $0x38;
	[tilespmem:$0xD200] =	vst v63  }
0x54: {  	s28 =	rddreg [dreg:$0x5]  }
0x55: {  	[tilespmem:s10], [sflag:$0x1] =	stream.strided.gather [hbm4b:s26+s8], $0x400, s9, s8, $0x38;
	[tilespmem:$0xD200] =	vst v63  }
0x56: {  	s2 =	simm.s32 $0x8080;
	s29 =	rddreg [dreg:$0x6]  }
0x57: {  	[tilespmem:s2], [sflag:$0x1] =	stream.linear.gather [hbm4b:s28+s1], $0x10, $0x38;
	[tilespmem:$0xD200] =	vst v63  }
0x58: {  	s30 =	rddreg [dreg:$0x7]  }
0x59: {  	[tilespmem:s9], [sflag:$0x2] =	stream.strided.gather [hbm4b:s29+s8], $0x400, s9, s8, $0x38;
	[tilespmem:$0xD200] =	vst v63  }
0x5a: {  	s31 =	simm.s32 $0x4480;
	s3 =	rddreg [dreg:$0x8]  }
0x5b: {  	[tilespmem:s31], [sflag:$0x2] =	stream.strided.gather [hbm4b:s30+s8], $0x400, s9, s8, $0x38;
	[tilespmem:$0xD200] =	vst v63  }
0x5c: {  	s4 =	simm.s32 $0x800;
	s19 =	rddreg [dreg:$0x9]  }
0x5d: {  	[tilespmem:s4], [sflag:$0x2] =	stream.strided.gather [hbm4b:s3+s8], $0x400, s9, s8, $0x38;
	[tilespmem:$0xD200] =	vst v63  }
0x5e: {  	s20 =	simm.s32 $0x4880;
	s21 =	rddreg [dreg:$0xa]  }
0x5f: {  	[tilespmem:s20], [sflag:$0x2] =	stream.strided.gather [hbm4b:s19+s8], $0x400, s9, s8, $0x38;
	[tilespmem:$0xD200] =	vst v63  }
0x60: {  	s22 =	simm.s32 $0xC00;
	s23 =	rddreg [dreg:$0xb]  }
0x61: {  	[tilespmem:s22], [sflag:$0x2] =	stream.strided.gather [hbm4b:s21+s8], $0x400, s9, s8, $0x38;
	[tilespmem:$0xD200] =	vst v63  }
0x62: {  	s24 =	simm.s32 $0x4C80;
	s25 =	rddreg [dreg:$0xc]  }
0x63: {  	[tilespmem:s24], [sflag:$0x2] =	stream.strided.gather [hbm4b:s23+s8], $0x400, s9, s8, $0x38;
	[tilespmem:$0xD200] =	vst v63  }
0x64: {  	s26 =	simm.s32 $0x1000;
	s28 =	rddreg [dreg:$0xd]  }
0x65: {  	[tilespmem:s26], [sflag:$0x2] =	stream.strided.gather [hbm4b:s25+s8], $0x400, s9, s8, $0x38;
	[tilespmem:$0xD200] =	vst v63  }
0x66: {  	s29 =	simm.s32 $0x5080;
	s30 =	rddreg [dreg:$0xe]  }
0x67: {  	[tilespmem:s29], [sflag:$0x2] =	stream.strided.gather [hbm4b:s28+s8], $0x400, s9, s8, $0x38;
	[tilespmem:$0xD200] =	vst v63  }
0x68: {  	s31 =	simm.s32 $0x1400;
	s3 =	rddreg [dreg:$0xf]  }
0x69: {  	[tilespmem:s31], [sflag:$0x2] =	stream.strided.gather [hbm4b:s30+s8], $0x400, s9, s8, $0x38;
	[tilespmem:$0xD200] =	vst v63  }
0x6a: {  	s4 =	simm.s32 $0x5480;
	s19 =	rddreg [dreg:$0x10]  }
0x6b: {  	[tilespmem:s4], [sflag:$0x2] =	stream.strided.gather [hbm4b:s3+s8], $0x400, s9, s8, $0x38;
	[tilespmem:$0xD200] =	vst v63  }
0x6c: {  	s20 =	simm.s32 $0x1800;
	s21 =	rddreg [dreg:$0x11]  }
0x6d: {  	[tilespmem:s20], [sflag:$0x2] =	stream.strided.gather [hbm4b:s19+s8], $0x400, s9, s8, $0x38;
	[tilespmem:$0xD200] =	vst v63  }
0x6e: {  	s22 =	simm.s32 $0x5880;
	s23 =	rddreg [dreg:$0x12]  }
0x6f: {  	[tilespmem:s22], [sflag:$0x2] =	stream.strided.gather [hbm4b:s21+s8], $0x400, s9, s8, $0x38;
	[tilespmem:$0xD200] =	vst v63  }
0x70: {  	s24 =	simm.s32 $0x1C00;
	s25 =	rddreg [dreg:$0x13]  }
0x71: {  	[tilespmem:s24], [sflag:$0x2] =	stream.strided.gather [hbm4b:s23+s8], $0x400, s9, s8, $0x38;
	[tilespmem:$0xD200] =	vst v63  }
0x72: {  	s26 =	simm.s32 $0x5C80;
	s28 =	sld [smem:$0x7F9]  }
0x73: {  	[tilespmem:s26], [sflag:$0x2] =	stream.strided.gather [hbm4b:s25+s8], $0x400, s9, s8, $0x38;
	[tilespmem:$0xD200] =	vst v63  }
0x74: {  	s29 =	simm.s32 $0x2000;
	s30 =	sld [smem:$0x7FD]  }
0x75: {  	[tilespmem:s29], [sflag:$0x2] =	stream.strided.gather [hbm4b:s28+s8], $0x400, s9, s8, $0x38;
	[tilespmem:$0xD200] =	vst v63  }
0x76: {  	s31 =	simm.s32 $0x6080;
	s3 =	rddreg [dreg:$0x14]  }
0x77: {  	[tilespmem:s31], [sflag:$0x2] =	stream.strided.gather [hbm4b:s30+s8], $0x400, s9, s8, $0x38;
	[tilespmem:$0xD200] =	vst v63  }
0x78: {  	s4 =	simm.s32 $0x2400;
	s19 =	rddreg [dreg:$0x15]  }
0x79: {  	[tilespmem:s4], [sflag:$0x2] =	stream.strided.gather [hbm4b:s3+s8], $0x400, s9, s8, $0x38;
	[tilespmem:$0xD200] =	vst v63  }
0x7a: {  	s20 =	simm.s32 $0x6480;
	s21 =	rddreg [dreg:$0x16]  }
0x7b: {  	[tilespmem:s20], [sflag:$0x2] =	stream.strided.gather [hbm4b:s19+s8], $0x400, s9, s8, $0x38;
	[tilespmem:$0xD200] =	vst v63  }
0x7c: {  	s22 =	simm.s32 $0x2800;
	s23 =	rddreg [dreg:$0x17]  }
0x7d: {  	[tilespmem:s22], [sflag:$0x2] =	stream.strided.gather [hbm4b:s21+s8], $0x400, s9, s8, $0x38;
	[tilespmem:$0xD200] =	vst v63  }
0x7e: {  	s24 =	simm.s32 $0x6880;
	s25 =	rddreg [dreg:$0x18]  }
0x7f: {  	[tilespmem:s24], [sflag:$0x2] =	stream.strided.gather [hbm4b:s23+s8], $0x400, s9, s8, $0x38;
	[tilespmem:$0xD200] =	vst v63  }
0x80: {  	s26 =	simm.s32 $0x2C00;
	s28 =	rddreg [dreg:$0x19]  }
0x81: {  	[tilespmem:s26], [sflag:$0x2] =	stream.strided.gather [hbm4b:s25+s8], $0x400, s9, s8, $0x38;
	[tilespmem:$0xD200] =	vst v63  }
0x82: {  	s29 =	simm.s32 $0x6C80;
	s30 =	rddreg [dreg:$0x1a]  }
0x83: {  	[tilespmem:s29], [sflag:$0x2] =	stream.strided.gather [hbm4b:s28+s8], $0x400, s9, s8, $0x38;
	[tilespmem:$0xD200] =	vst v63  }
0x84: {  	s31 =	simm.s32 $0x3000;
	s3 =	rddreg [dreg:$0x1b]  }
0x85: {  	[tilespmem:s31], [sflag:$0x2] =	stream.strided.gather [hbm4b:s30+s8], $0x400, s9, s8, $0x38;
	[tilespmem:$0xD200] =	vst v63  }
0x86: {  	s4 =	simm.s32 $0x7080;
	s19 =	rddreg [dreg:$0x1c]  }
0x87: {  	[tilespmem:s4], [sflag:$0x2] =	stream.strided.gather [hbm4b:s3+s8], $0x400, s9, s8, $0x38;
	[tilespmem:$0xD200] =	vst v63  }
0x88: {  	s20 =	simm.s32 $0x3400;
	s21 =	rddreg [dreg:$0x1d]  }
0x89: {  	[tilespmem:s20], [sflag:$0x2] =	stream.strided.gather [hbm4b:s19+s8], $0x400, s9, s8, $0x38;
	[tilespmem:$0xD200] =	vst v63  }
0x8a: {  	s22 =	simm.s32 $0x7480;
	s23 =	rddreg [dreg:$0x1e]  }
0x8b: {  	[tilespmem:s22], [sflag:$0x2] =	stream.strided.gather [hbm4b:s21+s8], $0x400, s9, s8, $0x38;
	[tilespmem:$0xD200] =	vst v63  }
0x8c: {  	s24 =	simm.s32 $0x3800;
	s25 =	rddreg [dreg:$0x1f]  }
0x8d: {  	[tilespmem:s24], [sflag:$0x2] =	stream.strided.gather [hbm4b:s23+s8], $0x400, s9, s8, $0x38;
	[tilespmem:$0xD200] =	vst v63  }
0x8e: {  	s26 =	simm.s32 $0x7880;
	s28 =	sld [smem:$0x7FA]  }
0x8f: {  	[tilespmem:s26], [sflag:$0x2] =	stream.strided.gather [hbm4b:s25+s8], $0x400, s9, s8, $0x38;
	[tilespmem:$0xD200] =	vst v63  }
0x90: {  	s29 =	simm.s32 $0x3C00;
	s30 =	sld [smem:$0x7FB]  }
0x91: {  	[tilespmem:s29], [sflag:$0x2] =	stream.strided.gather [hbm4b:s28+s8], $0x400, s9, s8, $0x38;
	[tilespmem:$0xD200] =	vst v63  }
0x92: {  	s31 =	simm.s32 $0x7C80  }
0x93: {  	[tilespmem:s31], [sflag:$0x2] =	stream.strided.gather [hbm4b:s30+s8], $0x400, s9, s8, $0x38;
	[tilespmem:$0xD200] =	vst v63  }
0x94: {  	_ =	swait.ge [sflag:s11], $0x400  }
0x95: {  	[sflag:s11] =	ssyncset.done $0x0  }
0x96: {  	[sflag:s11] =	ssyncadd.s32 $0xFFFFFC00  }
0x97: {  	_ =	swait.ge [sflag:s11], $0x400  }
0x98: {  	[sflag:s11] =	ssyncset.done $0x0  }
0x99: {  	[sflag:s11] =	ssyncadd.s32 $0xFFFFFC00  }
0x9a: {  	_ =	swait.ge [sflag:s11], $0x10  }
0x9b: {  	[sflag:s11] =	ssyncset.done $0x0  }
0x9c: {  	s20 =	simm.s32 $0xC120;
	[sflag:s11] =	ssyncadd.s32 $0xFFFFFFF0  }
0x9d: {  	[tilespmem:s20+$0xFFFFFFE0] =	vst v2  }
0x9e: {  	[tilespmem:s20+$0x10] =	vst v2  }
0x9f: {  	s19 =	simm.s32 $0x20;
	s21 =	simm.s32 $0x0;
	[tilespmem:s20+$0x0] =	vst v2  }
.LBB2_2:
0xa0: {  	s21 =	sadd.s32 $0x4, s21  }
0xa1: {  	[tilespmem:s20+$0xFFFFFFF0] =	vst v2;
	s20 =	sadd.s32 $0x40, s20;
	s22 =	simm.s32 $0x31;
	p0 =	slt.u32 s21, $0x7C  }
.Ltmp2:
0xa2: {  	[tilespmem:s20+$0xFFFFFFE0] =	vst v2;
	(pc) =	sbr.rel @p0 .LBB2_2-.Ltmp2, $3  }
0xa3: {  	_ =	sdelay $0x1  }
0xa4: {  	[tilespmem:s20+$0x10] =	vst v2  }
0xa5: {  	[tilespmem:s20+$0x0] =	vst v2  }
0xa6: {  	v9 =	vadd.s32 s22, v0;
	_ =	sdelay $0x2  }
0xa7: {  	s21 =	simm.s32 $0x1;
	[tilespmem:s20+$0xFFFFFFF0] =	vst v2  }
0xa8: {  	s25 =	simm.s32 $0x11;
	v10 =	vadd.s32 s21, v0;
	v15 =	vld [tilespmem:s19+$0x10]  }
0xa9: {  	s26 =	simm.s32 $0x21;
	v11 =	vadd.s32 s25, v0;
	v18 =	vld.idx.msk [tilespmem:v9+s1+$0x0], $0xffff  }
0xaa: {  	v12 =	vadd.s32 s26, v0;
	v20 =	vld [tilespmem:s19+$0xFFFFFFE0]  }
0xab: {  	s28 =	simm.s32 $0x71;
	v22 =	vld [tilespmem:s19+$0xFFFFFFF0]  }
0xac: {  	s29 =	simm.s32 $0x41;
	v13 =	vadd.s32 s28, v0;
	v21 =	vld [tilespmem:s19+$0x0]  }
0xad: {  	s30 =	simm.s32 $0x51;
	v14 =	vadd.s32 s29, v0;
	v19 =	vld.idx.msk [tilespmem:v10+s1+$0x0], $0xffff  }
0xae: {  	s31 =	simm.s32 $0x61;
	v27 =	vadd.s32 s30, v0;
	vm1 =	veq.s32 v9, $0x400;
	v16 =	vld.idx.msk [tilespmem:v11+s1+$0x0], $0xffff;
	vm0 =	vne.s32 v15, v18  }
0xaf: {  	s20 =	simm.s32 $0x60;
	v26 =	vadd.s32 s31, v0;
	v17 =	vld.idx.msk [tilespmem:v12+s1+$0x0], $0xffff;
	vm0 =	vmor vm1, vm0  }
0xb0: {  	v23 =	vld [tilespmem:s20+$0x10]  }
0xb1: {  	v25 =	vld.idx.msk [tilespmem:v13+s1+$0x0], $0xffff  }
0xb2: {  	s22 =	simm.s32 $0xB1;
	s21 =	simm.s32 $0x4;
	v24 =	vld.idx.msk [tilespmem:v14+s1+$0x0], $0xffff;
	v18 =	vmov v26;
	vm1 =	vne.s32 v20, v19;
	v19 =	vmov v27  }
.LBB2_4:
0xb3: {  	s19 =	sadd.s32 $0xFFFFFFE0, s22;
	s23 =	sadd.s32 $0xFFFFFFF0, s22;
	v28 =	vadd.s32 s22, v0;
	s21 =	sadd.s32 $0x4, s21;
	vm2 =	vne.s32 v22, v16;
	v16 =	vld.idx.msk [tilespmem:v27+s1+$0x0], $0xffff;
	v29 =	vmovc v20;
	v30 =	vmov v22  }
0xb4: {  	s24 =	sadd.s32 $0xFFFFFFD0, s22;
	v27 =	vadd.s32 s19, v0;
	p0 =	slt.u32 s21, $0x3C;
	vm3 =	vne.s32 v21, v17;
	v17 =	vld.idx.msk [tilespmem:v26+s1+$0x0], $0xffff;
	v26 =	vadd.s32 s23, v0;
	v31 =	vmovc v21  }
0xb5: {  	v32 =	vadd.s32 s24, v0;
	s19 =	simm.s32 $0xC920;
	v20 =	vld [tilespmem:s20+$0xFFFFFFE0];
	[tilespmem:v15+s12+$0x0] =	vst.idx.msk vm0, v9;
	v9 =	vmov v13;
	v13 =	vmov v28  }
.Ltmp3:
0xb6: {  	v22 =	vld [tilespmem:s20+$0xFFFFFFF0];
	vm0 =	vne.s32 v23, v25;
	vm4 =	veq.s32 v9, $0x400;
	v15 =	vmov v23;
	(pc) =	sbr.rel @p0 .LBB2_4-.Ltmp3, $4  }
0xb7: {  	v21 =	vld [tilespmem:s20+$0x0];
	vm0 =	vmor vm4, vm0  }
0xb8: {  	s20 =	sadd.s32 $0x40, s20;
	v25 =	vld.idx.msk [tilespmem:v28+s1+$0x0], $0xffff;
	[tilespmem:v29+s12+$0x0] =	vst.idx.msk vm1, v10;
	v10 =	vmov v14;
	v14 =	vmov v32  }
0xb9: {  	v23 =	vld [tilespmem:s20+$0x10];
	[tilespmem:v30+s12+$0x0] =	vst.idx.msk vm2, v11;
	v11 =	vmov v19;
	v19 =	vmov v27  }
0xba: {  	s22 =	sadd.s32 $0x40, s22;
	vm1 =	vne.s32 v20, v24;
	v24 =	vld.idx.msk [tilespmem:v32+s1+$0x0], $0xffff;
	[tilespmem:v31+s12+$0x0] =	vst.idx.msk vm3, v12;
	v12 =	vmov v18;
	v18 =	vmov v26  }
0xbb: {  	_ =	sdelay $0x3  }
0xbc: {  	v27 =	vld.idx.msk [tilespmem:v27+s1+$0x0], $0xffff  }
0xbd: {  	v26 =	vld.idx.msk [tilespmem:v26+s1+$0x0], $0xffff  }
0xbe: {  	v28 =	vld [tilespmem:s20+$0xFFFFFFE0]  }
0xbf: {  	v29 =	vld [tilespmem:s20+$0xFFFFFFF0]  }
0xc0: {  	vm2 =	vne.s32 v22, v16;
	v63 =	vld [tilespmem:s20+$0x0]  }
0xc1: {  	vm5 =	veq.s32 v13, $0x400;
	vm3 =	vne.s32 v21, v17;
	vm4 =	vne.s32 v23, v25  }
0xc2: {  	vm4 =	vmor vm5, vm4  }
0xc3: {  	vm13 =	vne.s32 v28, v24  }
0xc4: {  	[tilespmem:v15+s12+$0x0] =	vst.idx.msk vm0, v9;
	vm14 =	vne.s32 v29, v27  }
0xc5: {  	[tilespmem:v20+s12+$0x0] =	vst.idx.msk vm1, v10;
	vm15 =	vne.s32 v63, v26  }
0xc6: {  	[tilespmem:v22+s12+$0x0] =	vst.idx.msk vm2, v11  }
0xc7: {  	[tilespmem:v21+s12+$0x0] =	vst.idx.msk vm3, v12  }
0xc8: {  	[tilespmem:v23+s12+$0x0] =	vst.idx.msk vm4, v13  }
0xc9: {  	[tilespmem:v28+s12+$0x0] =	vst.idx.msk vm13, v14  }
0xca: {  	[tilespmem:v29+s12+$0x0] =	vst.idx.msk vm14, v19  }
0xcb: {  	s21 =	simm.s32 $0xC120;
	[tilespmem:v63+s12+$0x0] =	vst.idx.msk vm15, v18  }
0xcc: {  	v9 =	vld [tilespmem:s21+$0xFFFFFFE0];
	_ =	sdelay $0x1  }
0xcd: {  	v10 =	vld [tilespmem:s21+$0x0]  }
0xce: {  	v11 =	vld [tilespmem:s21+$0xFFFFFFF0]  }
0xcf: {  	v12 =	vld [tilespmem:s21+$0x10]  }
0xd0: {  	v9 =	vxor.u32 $0x80000000, v9  }
0xd1: {  	(xrf0) =	vmax.scan.msk.u32 $0xffff, v9;
	_ =	sdelay $0x2  }
0xd2: {  	s20 =	simm.s32 $0xC160;
	v10 =	vxor.u32 $0x80000000, v10;
	v9 =	vxor.u32 $0x80000000, v11;
	v11 =	vxor.u32 $0x80000000, v12  }
0xd3: {  	v12 =	vld [tilespmem:s20+$0x0];
	(xrf0) =	vmax.scan.msk.u32 $0xffff, v10  }
0xd4: {  	v10 =	vld [tilespmem:s20+$0xFFFFFFE0];
	(xrf0) =	vmax.scan.msk.u32 $0xffff, v9  }
0xd5: {  	v9 =	vimm.s32 $0x0;
	(xrf0) =	vmax.scan.msk.u32 $0xffff, v11;
	v11, _, _ =	vpop (xrf0)  }
0xd6: {  	v13 =	vld [tilespmem:s20+$0xFFFFFFF0];
	[tilespmem:s21+$0xFFFFFFE0] =	vst v9;
	v11 =	vxor.u32 $0x80000000, v11  }
0xd7: {  	[tilespmem:s19+$0xFFFFFFE0] =	vst v11;
	v11 =	vld [tilespmem:s20+$0x10]  }
0xd8: {  	[tilespmem:s21+$0x0] =	vst v9;
	v12 =	vxor.u32 $0x80000000, v12  }
0xd9: {  	[tilespmem:s20+$0x0] =	vst v9;
	v10 =	vxor.u32 $0x80000000, v10;
	v14, _, _ =	vpop (xrf0)  }
0xda: {  	[tilespmem:s21+$0xFFFFFFF0] =	vst v9;
	(xrf0) =	vmax.scan.msk.u32 $0xffff, v10;
	v10 =	vxor.u32 $0x80000000, v14;
	v14, _, _ =	vpop (xrf0)  }
0xdb: {  	s23 =	simm.s32 $0x4;
	s24 =	simm.s32 $0xC1A0;
	s22 =	simm.s32 $0xC920;
	v13 =	vxor.u32 $0x80000000, v13;
	[tilespmem:s21+$0x10] =	vst v9;
	(xrf0) =	vmax.scan.msk.u32 $0xffff, v12;
	v14 =	vxor.u32 $0x80000000, v14;
	v12, _, _ =	vpop (xrf0)  }
.LBB2_6:
0xdc: {  	v15 =	vld [tilespmem:s24+$0xFFFFFFE0];
	s23 =	sadd.s32 $0x4, s23;
	v11 =	vxor.u32 $0x80000000, v11;
	(xrf0) =	vmax.scan.msk.u32 $0xffff, v13;
	[tilespmem:s19+$0xFFFFFFF0] =	vst v14;
	s22 =	sadd.s32 $0x40, s22;
	s21 =	simm.s32 $0xF;
	v16 =	vmov v9  }
0xdd: {  	s25 =	smov.u32 s20;
	s20 =	smov.u32 s24;
	v13 =	vld [tilespmem:s24+$0x0];
	p0 =	slt.u32 s23, $0x7C;
	(xrf0) =	vmax.scan.msk.u32 $0xffff, v11;
	[tilespmem:s19+$0x0] =	vst v10;
	v10 =	vxor.u32 $0x80000000, v12  }
0xde: {  	v12 =	vld [tilespmem:s24+$0xFFFFFFF0];
	[tilespmem:s19+$0x10] =	vst v10;
	s19 =	smov.u32 s22  }
.Ltmp4:
0xdf: {  	[tilespmem:s24+$0x0] =	vst v9;
	v11 =	vld [tilespmem:s24+$0x10];
	(pc) =	sbr.rel @p0 .LBB2_6-.Ltmp4, $4  }
0xe0: {  	[tilespmem:s25+$0xFFFFFFF0] =	vst v16;
	v10, _, _ =	vpop (xrf0)  }
0xe1: {  	v18 =	vxor.u32 $0x80000000, v15;
	[tilespmem:s25+$0xFFFFFFE0] =	vst v16;
	v10 =	vxor.u32 $0x80000000, v10;
	v15, _, _ =	vpop (xrf0)  }
0xe2: {  	v17 =	vxor.u32 $0x80000000, v13;
	(xrf0) =	vmax.scan.msk.u32 $0xffff, v18;
	[tilespmem:s22+$0xFFFFFFE0] =	vst v10;
	v10 =	vxor.u32 $0x80000000, v15;
	v14, _, _ =	vpop (xrf0)  }
0xe3: {  	s24 =	sadd.s32 $0x40, s24;
	v13 =	vxor.u32 $0x80000000, v12;
	(xrf0) =	vmax.scan.msk.u32 $0xffff, v17;
	v14 =	vxor.u32 $0x80000000, v14;
	[tilespmem:s25+$0x10] =	vst v16;
	v12, _, _ =	vpop (xrf0)  }
0xe4: {  	_ = 	snop  }
0xe5: {  	[tilespmem:s19+$0x0] =	vst v10;
	v10 =	vxor.u32 $0x80000000, v12  }
0xe6: {  	(xrf0) =	vmax.scan.msk.u32 $0xffff, v13;
	v11 =	vxor.u32 $0x80000000, v11  }
0xe7: {  	[tilespmem:s19+$0xFFFFFFF0] =	vst v14;
	(xrf0) =	vmax.scan.msk.u32 $0xffff, v11  }
0xe8: {  	[tilespmem:s19+$0x10] =	vst v10;
	v10, _, _ =	vpop (xrf0)  }
0xe9: {  	[tilespmem:s20+$0xFFFFFFF0] =	vst v9;
	v10 =	vxor.u32 $0x80000000, v10  }
0xea: {  	[tilespmem:s20+$0xFFFFFFE0] =	vst v9;
	s19 =	simm.s32 $0x0  }
0xeb: {  	s22 =	sadd.s32 $0x40, s22;
	[tilespmem:s20+$0x10] =	vst v9;
	v62 =	vor.u32 s19, v3;
	v11, _, _ =	vpop (xrf0)  }
0xec: {  	[tilespmem:s22+$0xFFFFFFE0] =	vst v10;
	v11 =	vxor.u32 $0x80000000, v11;
	v10, _, _ =	vpop (xrf0)  }
0xed: {  	[tilespmem:s22+$0x0] =	vst v11;
	v10 =	vxor.u32 $0x80000000, v10;
	v63, _, _ =	vpop (xrf0)  }
0xee: {  	[tilespmem:s22+$0xFFFFFFF0] =	vst v10;
	v10 =	vxor.u32 $0x80000000, v63  }
0xef: {  	[tilespmem:s22+$0x10] =	vst v10  }
0xf0: {  	v10 =	vld.idx.msk [tilespmem:v62+s13+$0x0], $0xffff;
	_ =	sdelay $0x4  }
0xf1: {  	v10 =	vxor.u32 $0x80000000, v10  }
0xf2: {  	(xrf0) =	vmax.scan.msk.u32 $0xffff, v10;
	_ =	sdelay $0x4  }
0xf3: {  	s31 =	simm.s32 $0x100  }
0xf4: {  	v10 =	vor.u32 s31, v3;
	v11, _, _ =	vpop (xrf0)  }
0xf5: {  	v11 =	vxor.u32 $0x80000000, v11  }
0xf6: {  	vm0 =	vgt.s32 v11, v9  }
0xf7: {  	s20 =	simm.s32 $0xD100;
	v9 =	vsel vm0, v11, v9  }
0xf8: {  	[tilespmem:s20+$0x0] =	vst v9  }
0xf9: {  	v9 =	vld.idx.msk [tilespmem:v10+s13+$0x0], $0xffff;
	_ =	sdelay $0x4  }
0xfa: {  	v9 =	vxor.u32 $0x80000000, v9  }
0xfb: {  	(xrf0) =	vmax.scan.msk.u32 $0xffff, v9;
	v9 =	vmov s21;
	_ =	sdelay $0x4  }
0xfc: {  	v9 =	vld.idx.msk [tilespmem:v9+s14+$0x0], $0xffff;
	_ =	sdelay $0x1  }
0xfd: {  	s22 =	simm.s32 $0x200  }
0xfe: {  	s23 =	simm.s32 $0x2F;
	s24 =	simm.s32 $0x3F;
	v10 =	vor.u32 s22, v3;
	s21 =	simm.s32 $0x1F;
	v11, _, _ =	vpop (xrf0)  }
.LBB2_8:
0xff: {  	p0 =	sne.s32 s24, $0x7F;
	v11 =	vxor.u32 $0x80000000, v11;
	v12 =	vmov s21;
	s21 =	smov.u32 s23;
	s23 =	smov.u32 s24  }
0x100: {  	vm0 =	vgt.s32 v11, v9  }
0x101: {  	s20 =	sadd.s32 $0x10, s20;
	v9 =	vsel vm0, v11, v9  }
0x102: {  	[tilespmem:s20+$0x0] =	vst v9  }
0x103: {  	v10 =	vld.idx.msk [tilespmem:v10+s13+$0x0], $0xffff  }
0x104: {  	v9 =	vld.idx.msk [tilespmem:v12+s14+$0x0], $0xffff;
	_ =	sdelay $0x4  }
0x105: {  	v10 =	vxor.u32 $0x80000000, v10  }
0x106: {  	(xrf0) =	vmax.scan.msk.u32 $0xffff, v10;
	_ =	sdelay $0x1  }
.Ltmp5:
0x107: {  	(pc) =	sbr.rel @p0 .LBB2_8-.Ltmp5, $3  }
0x108: {  	_ =	sdelay $0x1  }
0x109: {  	s22 =	sadd.s32 $0x100, s22  }
0x10a: {  	s24 =	sadd.s32 $0x10, s24;
	v10 =	vor.u32 s22, v3;
	v11, _, _ =	vpop (xrf0)  }
0x10b: {  	v11 =	vxor.u32 $0x80000000, v11  }
0x10c: {  	vm0 =	vgt.s32 v11, v9  }
0x10d: {  	s20 =	sadd.s32 $0x10, s20;
	v9 =	vsel vm0, v11, v9  }
0x10e: {  	[tilespmem:s20+$0x0] =	vst v9  }
0x10f: {  	v9 =	vld.idx.msk [tilespmem:v10+s13+$0x0], $0xffff;
	_ =	sdelay $0x3  }
0x110: {  	v10 =	vmov s21  }
0x111: {  	v9 =	vxor.u32 $0x80000000, v9  }
0x112: {  	(xrf0) =	vmax.scan.msk.u32 $0xffff, v9;
	_ =	sdelay $0x2  }
0x113: {  	v9 =	vld.idx.msk [tilespmem:v10+s14+$0x0], $0xffff;
	_ =	sdelay $0x1  }
0x114: {  	p2 =	por $0x1, $0x1  }
.Ltmp6:
0x115: {  	v10, _, _ =	vpop (xrf0);
	(pc) =	sbr.rel @!p2 .LBB2_10-.Ltmp6, $4  }
0x116: {  	v10 =	vxor.u32 $0x80000000, v10  }
0x117: {  	v11 =	vadd.s32 s19, v4;
	vm14 =	vgt.s32 v10, v9  }
0x118: {  	p0 =	por $0x0, $0x0;
	s31 =	sadd.s32 $0x10, s20;
	vm15 =	vgt.s32 v11, $0x0;
	v9 =	vsel vm14, v10, v9  }
0x119: {  	p1 =	por $0x0, $0x0;
	s20 =	simm.s32 $0xD180;
	s21 =	simm.s32 $0x10;
	[tilespmem:s31+$0x0] =	vst v9;
	v9 =	vnsel vm15, $0x0, v11  }
0x11a: {  	p2 =	por $0x1, $0x1  }
.Ltmp7:
0x11b: {  	_ = 	snop;
	(pc) =	sbr.rel @!p2 .LBB2_12-.Ltmp7, $4  }
0x11c: {  	_ = 	snop  }
0x11d: {  	v10 =	vadd.s32 s21, v4  }
0x11e: {  	vm0 =	vgt.s32 v10, $0x0  }
0x11f: {  	v11 =	vld.idx.msk [tilespmem:v9+s14+$0x0], $0xffff;
	s22 =	simm.s32 $0x20;
	p0 =	por $0x1, $0x1;
	v9 =	vnsel vm0, $0x0, v10;
	v10 =	vmov s19  }
0x120: {  	_ =	sdelay $0x1  }
0x121: {  	v13 =	vadd.s32 s22, v4;
	p2 =	por $0x1, $0x1  }
.Ltmp8:
0x122: {  	vm1 =	vgt.s32 v13, $0x0;
	(pc) =	sbr.rel @!p2 .LBB2_14-.Ltmp8, $4  }
0x123: {  	v12 =	vld.idx.msk [tilespmem:v9+s14+$0x0], $0xffff;
	v9 =	vnsel vm1, $0x0, v13  }
0x124: {  	vm0 =	veq.s32 v10, v0  }
0x125: {  	v10 =	vsel vm0, $0x0, v11  }
0x126: {  	s23 =	simm.s32 $0x30;
	p1 =	por $0x1, $0x1;
	s19 =	simm.s32 $0xD180;
	[tilespmem:s20+$0x0] =	vst v10;
	v10 =	vmov s21  }
.LBB2_15:
0x127: {  	v11 =	vadd.s32 s23, v4;
	p2 =	sne.s32 s23, $0x70;
	vm0 =	veq.s32 v10, v0;
	s21 =	smov.u32 s23;
	s23 =	sadd.s32 $0x10, s23  }
.Ltmp9:
0x128: {  	s19 =	sadd.s32 $0x10, s19;
	vm1 =	vgt.s32 v11, $0x0;
	v10 =	vsel vm0, $0x0, v12;
	v12 =	vld.idx.msk [tilespmem:v9+s14+$0x0], $0xffff;
	(pc) =	sbr.rel @p2 .LBB2_15-.Ltmp9, $2  }
0x129: {  	v9 =	vnsel vm1, $0x0, v11;
	[tilespmem:s19+$0x0] =	vst v10;
	_ =	sdelay $0x2  }
0x12a: {  	v10 =	vmov s22;
	s22 =	smov.u32 s21  }
0x12b: {  	v11 =	vmov v12;
	s21 =	smov.u32 s22  }
.LBB2_17:
0x12c: {  	_ =	sdelay $0x3  }
0x12d: {  	v9 =	vld.idx.msk [tilespmem:v9+s14+$0x0], $0xffff;
	s22 =	simm.s32 $0x60  }
0x12e: {  	v12 =	vor.u32 s22, v1  }
0x12f: {  	s19 =	sadd.s32 @p1 $0x10, s19;
	s23 =	simm.s32 $0xD180;
	v13 =	vshrl.u32 v12, $0x4  }
0x130: {  	vm0 =	veq.s32 @p0 v10, v0;
	v10 =	vmov s21;
	s23 =	smov.u32 @p1 s19;
	v13 =	vand.u32 $0x7F, v13  }
0x131: {  	v11 =	vsel @p0 vm0, $0x0, v11;
	vm0 =	veq.s32 v10, v0;
	v10 =	vor.u32 s22, v8;
	s19 =	sadd.s32 @p0 $0x10, s23  }
0x132: {  	s24 =	simm.s32 $0x0;
	[tilespmem:s23+$0x0] =	vst @p0 v11;
	s20 =	smov.u32 @p0 s19;
	v9 =	vsel vm0, $0x0, v9  }
0x133: {  	s25 =	simm.s32 $0x20;
	v11 =	vor.u32 s24, v1;
	[tilespmem:s20+$0x0] =	vst v9  }
0x134: {  	v18 =	vor.u32 s25, v6;
	v12 =	vld.idx.msk [tilespmem:v12+s13+$0x0], $0xffff  }
0x135: {  	s26 =	simm.s32 $0x40;
	v19 =	vor.u32 s24, v5;
	v13 =	vld.idx.msk [tilespmem:v13+s15+$0x0], $0xffff  }
0x136: {  	v14 =	vor.u32 s26, v1;
	v20 =	vor.u32 s26, v7;
	v10 =	vld.idx.msk [tilespmem:v10+s13+$0x0], $0xffff  }
0x137: {  	v17 =	vshrl.u32 v14, $0x4;
	v16 =	vshrl.u32 v11, $0x4  }
0x138: {  	v17 =	vand.u32 $0x7F, v17;
	v9 =	vor.u32 s25, v1;
	v11 =	vld.idx.msk [tilespmem:v11+s13+$0x0], $0xffff  }
0x139: {  	s29 =	simm.s32 $0xA0;
	v15 =	vshrl.u32 v9, $0x4;
	v18 =	vld.idx.msk [tilespmem:v18+s13+$0x0], $0xffff  }
0x13a: {  	s30 =	simm.s32 $0xE0;
	v21 =	vor.u32 s29, v1;
	v19 =	vld.idx.msk [tilespmem:v19+s13+$0x0], $0xffff;
	v15 =	vand.u32 $0x7F, v15;
	vm0 =	vgt.s32 v12, v13  }
0x13b: {  	v22 =	vor.u32 s30, v1;
	v20 =	vld.idx.msk [tilespmem:v20+s13+$0x0], $0xffff;
	v12 =	vsel vm0, v12, v13;
	vm0 =	vgt.s32 v10, v13  }
0x13c: {  	v16 =	vld.idx.msk [tilespmem:v16+s15+$0x0], $0xffff;
	v10 =	vsel vm0, v10, v13;
	vm0 =	vgt.s32 v12, $0x0;
	v12 =	vadd.s32 $0xFFFFFFFF, v12  }
0x13d: {  	s28 =	simm.s32 $0x80;
	v17 =	vld.idx.msk [tilespmem:v17+s15+$0x0], $0xffff;
	v12 =	vnsel vm0, $0x4000, v12;
	vm0 =	vgt.s32 v10, $0x0;
	v10 =	vadd.s32 $0xFFFFFFFF, v10  }
0x13e: {  	s31 =	simm.s32 $0xC0;
	v23 =	vor.u32 s28, v5;
	v24 =	vshrl.u32 v22, $0x4;
	v9 =	vld.idx.msk [tilespmem:v9+s13+$0x0], $0xffff;
	v10 =	vnsel vm0, $0x4000, v10  }
0x13f: {  	v25 =	vor.u32 s31, v1;
	v30 =	vor.u32 s29, v6;
	v24 =	vand.u32 $0x7F, v24;
	v15 =	vld.idx.msk [tilespmem:v15+s15+$0x0], $0xffff  }
0x140: {  	v26 =	vshrl.u32 v21, $0x4;
	v27 =	vshrl.u32 v25, $0x4;
	v13 =	vld.idx.msk [tilespmem:v14+s13+$0x0], $0xffff;
	v14 =	vor.u32 s28, v1  }
0x141: {  	v31 =	vor.u32 s31, v7;
	v26 =	vand.u32 $0x7F, v26;
	v27 =	vand.u32 $0x7F, v27;
	v32 =	vld.idx.msk [tilespmem:v21+s13+$0x0], $0xffff  }
0x142: {  	v33 =	vld.idx.msk [tilespmem:v22+s13+$0x0], $0xffff;
	vm1 =	vgt.s32 v11, v16;
	vm2 =	vgt.s32 v19, v16;
	vm3 =	vgt.s32 v20, v17  }
0x143: {  	v11 =	vsel vm1, v11, v16;
	v16 =	vsel vm2, v19, v16;
	v28 =	vld.idx.msk [tilespmem:v10+s10+$0x0], $0xffff;
	v10 =	vor.u32 s30, v8  }
0x144: {  	v19 =	vld.idx.msk [tilespmem:v24+s15+$0x0], $0xffff;
	vm4 =	vgt.s32 v11, $0x0;
	v29 =	vshrl.u32 v14, $0x4;
	vm0 =	vgt.s32 v9, v15  }
0x145: {  	vm5 =	vgt.s32 v16, $0x0;
	v9 =	vsel vm0, v9, v15;
	vm0 =	vgt.s32 v18, v15;
	v14 =	vld.idx.msk [tilespmem:v14+s13+$0x0], $0xffff  }
0x146: {  	vm1 =	vgt.s32 v13, v17;
	v15 =	vsel vm0, v18, v15;
	vm0 =	vgt.s32 v9, $0x0;
	v12 =	vld.idx.msk [tilespmem:v12+s10+$0x0], $0xffff  }
0x147: {  	v13 =	vsel vm1, v13, v17;
	v17 =	vsel vm3, v20, v17;
	v20 =	vadd.s32 $0xFFFFFFFF, v11;
	v11 =	vld.idx.msk [tilespmem:v27+s15+$0x0], $0xffff  }
0x148: {  	v9 =	vadd.s32 $0xFFFFFFFF, v9;
	vm1 =	vgt.s32 v15, $0x0;
	vm2 =	vgt.s32 v13, $0x0;
	v24 =	vld.idx.msk [tilespmem:v10+s13+$0x0], $0xffff  }
0x149: {  	v18 =	vadd.s32 $0xFFFFFFFF, v13;
	vm3 =	vgt.s32 v17, $0x0;
	v17 =	vadd.s32 $0xFFFFFFFF, v17;
	v13 =	vld.idx.msk [tilespmem:v29+s15+$0x0], $0xffff  }
0x14a: {  	v15 =	vadd.s32 $0xFFFFFFFF, v15;
	v9 =	vnsel vm0, $0x4000, v9;
	v22 =	vnsel vm3, $0x4000, v17;
	v17 =	vld.idx.msk [tilespmem:v25+s13+$0x0], $0xffff  }
0x14b: {  	vm0 =	vgt.s32 v33, v19;
	v27 =	vnsel vm1, $0x4000, v15;
	v21 =	vnsel vm4, $0x4000, v20;
	v10 =	vld.idx.msk [tilespmem:v26+s15+$0x0], $0xffff  }
0x14c: {  	v63 =	vnsel vm2, $0x4000, v18;
	v25 =	vsel vm0, v33, v19;
	v26 =	vadd.s32 $0xFFFFFFFF, v16;
	v16 =	vld.idx.msk [tilespmem:v30+s13+$0x0], $0xffff  }
0x14d: {  	v20 =	vld.idx.msk [tilespmem:v23+s13+$0x0], $0xffff;
	v23 =	vadd.s32 $0xFFFFFFFF, v25;
	v12 =	vpack.i.f32.bf16 v28, v12;
	vm0 =	vgt.s32 v24, v19  }
0x14e: {  	v18 =	vld.idx.msk [tilespmem:v31+s13+$0x0], $0xffff;
	vm1 =	vgt.s32 v14, v13;
	v19 =	vsel vm0, v24, v19;
	vm0 =	vgt.s32 v25, $0x0  }
0x14f: {  	s19 =	simm.s32 $0x8140;
	v9 =	vld.idx.msk [tilespmem:v9+s10+$0x0], $0xffff;
	v23 =	vnsel vm0, $0x4000, v23;
	vm0 =	vgt.s32 v19, $0x0;
	v19 =	vadd.s32 $0xFFFFFFFF, v19  }
0x150: {  	v15 =	vnsel vm5, $0x4000, v26;
	[tilespmem:s19+$0x20] =	vst v12;
	v12 =	vld.idx.msk [tilespmem:v27+s10+$0x0], $0xffff;
	vm2 =	vgt.s32 v32, v10;
	v24 =	vnsel vm0, $0x4000, v19  }
0x151: {  	s21 =	simm.s32 $0x4;
	s22 =	simm.s32 $0x100;
	s20 =	simm.s32 $0x8140;
	v25 =	vsel vm2, v32, v10;
	v19 =	vsel vm1, v14, v13;
	vm0 =	vgt.s32 v16, v10;
	v14 =	vld.idx.msk [tilespmem:v63+s10+$0x0], $0xffff  }
.LBB2_18:
0x152: {  	v26 =	vor.u32 s22, v1;
	v27 =	vor.u32 s22, v5;
	s23 =	sadd.s32 $0x20, s22;
	s24 =	sadd.s32 $0x40, s22;
	s25 =	sadd.s32 $0x60, s22;
	vm1 =	vgt.s32 v17, v11;
	v28 =	vld.idx.msk [tilespmem:v22+s10+$0x0], $0xffff  }
0x153: {  	s21 =	sadd.s32 $0x4, s21;
	v22 =	vor.u32 s23, v1;
	v29 =	vor.u32 s24, v1;
	v30 =	vor.u32 s25, v1;
	v31 =	vld.idx.msk [tilespmem:v21+s10+$0x0], $0xffff  }
0x154: {  	p0 =	slt.u32 s21, $0x3C;
	v21 =	vshrl.u32 v22, $0x4;
	v32 =	vshrl.u32 v29, $0x4;
	v33 =	vshrl.u32 v30, $0x4;
	v23 =	vld.idx.msk [tilespmem:v23+s10+$0x0], $0xffff  }
0x155: {  	v21 =	vand.u32 $0x7F, v21;
	v32 =	vand.u32 $0x7F, v32;
	v33 =	vand.u32 $0x7F, v33;
	v24 =	vld.idx.msk [tilespmem:v24+s10+$0x0], $0xffff  }
0x156: {  	v34 =	vshrl.u32 v26, $0x4;
	v35 =	vor.u32 s23, v6;
	v36 =	vor.u32 s25, v8;
	v37 =	vld.idx.msk [tilespmem:v15+s10+$0x0], $0xffff  }
0x157: {  	vm3 =	vgt.s32 v18, v11;
	v38 =	vor.u32 s24, v7;
	vm2 =	vgt.s32 v20, v13;
	v26 =	vld.idx.msk [tilespmem:v26+s13+$0x0], $0xffff  }
0x158: {  	v10 =	vsel vm0, v16, v10;
	v15 =	vsel vm1, v17, v11;
	v11 =	vsel vm3, v18, v11;
	v39 =	vld.idx.msk [tilespmem:v22+s13+$0x0], $0xffff  }
0x159: {  	vm0 =	vgt.s32 v25, $0x0;
	v16 =	vadd.s32 $0xFFFFFFFF, v25;
	v13 =	vsel vm2, v20, v13;
	v30 =	vld.idx.msk [tilespmem:v30+s13+$0x0], $0xffff  }
0x15a: {  	vm1 =	vgt.s32 v10, $0x0;
	v17 =	vadd.s32 $0xFFFFFFFF, v10;
	vm2 =	vgt.s32 v15, $0x0;
	v25 =	vld.idx.msk [tilespmem:v33+s15+$0x0], $0xffff  }
0x15b: {  	s19 =	sadd.s32 $0x400, s19;
	v15 =	vadd.s32 $0xFFFFFFFF, v15;
	vm3 =	vgt.s32 v11, $0x0;
	v18 =	vpack.i.f32.bf16 v24, v23;
	v33 =	vld.idx.msk [tilespmem:v36+s13+$0x0], $0xffff  }
0x15c: {  	vm4 =	vgt.s32 v19, $0x0;
	v19 =	vadd.s32 $0xFFFFFFFF, v19;
	v20 =	vadd.s32 $0xFFFFFFFF, v11;
	v10 =	vld.idx.msk [tilespmem:v21+s15+$0x0], $0xffff;
	[tilespmem:s19+$0x20] =	vst v18  }
0x15d: {  	vm5 =	vgt.s32 v13, $0x0;
	v24 =	vnsel vm0, $0x4000, v16;
	v18 =	vadd.s32 $0xFFFFFFFF, v13;
	v11 =	vld.idx.msk [tilespmem:v32+s15+$0x0], $0xffff  }
0x15e: {  	v22 =	vnsel vm3, $0x4000, v20;
	v32 =	vnsel vm1, $0x4000, v17;
	v13 =	vld.idx.msk [tilespmem:v34+s15+$0x0], $0xffff;
	v34 =	vnsel vm2, $0x4000, v15  }
0x15f: {  	v9 =	vpack.i.f32.bf16 v12, v9;
	v21 =	vnsel vm4, $0x4000, v19;
	v15 =	vnsel vm5, $0x4000, v18;
	v16 =	vld.idx.msk [tilespmem:v35+s13+$0x0], $0xffff  }
0x160: {  	v14 =	vpack.i.f32.bf16 v28, v14;
	v12 =	vpack.i.f32.bf16 v37, v31;
	vm0 =	vgt.s32 v30, v25;
	v17 =	vld.idx.msk [tilespmem:v29+s13+$0x0], $0xffff  }
.Ltmp10:
0x161: {  	v19 =	vsel vm0, v30, v25;
	vm0 =	vgt.s32 v33, v25;
	v18 =	vld.idx.msk [tilespmem:v38+s13+$0x0], $0xffff;
	[tilespmem:s20+$0xFFFFFFE0] =	vst v9;
	(pc) =	sbr.rel @p0 .LBB2_18-.Ltmp10, $4  }
0x162: {  	v9 =	vsel vm0, v33, v25;
	vm0 =	vgt.s32 v19, $0x0;
	v19 =	vadd.s32 $0xFFFFFFFF, v19;
	v20 =	vld.idx.msk [tilespmem:v27+s13+$0x0], $0xffff;
	[tilespmem:s20+$0x0] =	vst v14  }
0x163: {  	v23 =	vnsel vm0, $0x4000, v19;
	vm0 =	vgt.s32 v9, $0x0;
	v14 =	vadd.s32 $0xFFFFFFFF, v9;
	v9 =	vld.idx.msk [tilespmem:v24+s10+$0x0], $0xffff;
	[tilespmem:s20+$0xFFFFFFC0] =	vst v12;
	s20 =	smov.u32 s19  }
0x164: {  	vm2 =	vgt.s32 v39, v10;
	vm1 =	vgt.s32 v26, v13;
	v24 =	vnsel vm0, $0x4000, v14;
	v12 =	vld.idx.msk [tilespmem:v32+s10+$0x0], $0xffff  }
0x165: {  	s22 =	sadd.s32 $0x80, s22;
	v25 =	vsel vm2, v39, v10;
	v19 =	vsel vm1, v26, v13;
	vm0 =	vgt.s32 v16, v10;
	v14 =	vld.idx.msk [tilespmem:v34+s10+$0x0], $0xffff  }
0x166: {  	_ = 	snop  }
0x167: {  	vm1 =	vgt.s32 v17, v11;
	vm3 =	vgt.s32 v18, v11;
	v10 =	vsel vm0, v16, v10  }
0x168: {  	vm10 =	vgt.s32 v25, $0x0;
	v56 =	vadd.s32 $0xFFFFFFFF, v25;
	vm14 =	vgt.s32 v19, $0x0  }
0x169: {  	v61 =	vadd.s32 $0xFFFFFFFF, v19;
	vm2 =	vgt.s32 v20, v13;
	v55 =	vsel vm1, v17, v11  }
0x16a: {  	v57 =	vld.idx.msk [tilespmem:v22+s10+$0x0], $0xffff;
	v11 =	vsel vm3, v18, v11;
	vm11 =	vgt.s32 v10, $0x0;
	v17 =	vnsel vm10, $0x4000, v56  }
0x16b: {  	v58 =	vld.idx.msk [tilespmem:v21+s10+$0x0], $0xffff;
	v10 =	vadd.s32 $0xFFFFFFFF, v10;
	v19 =	vnsel vm14, $0x4000, v61;
	v13 =	vsel vm2, v20, v13  }
0x16c: {  	v59 =	vld.idx.msk [tilespmem:v23+s10+$0x0], $0xffff;
	vm12 =	vgt.s32 v55, $0x0;
	v16 =	vadd.s32 $0xFFFFFFFF, v55;
	v10 =	vnsel vm11, $0x4000, v10  }
0x16d: {  	v60 =	vld.idx.msk [tilespmem:v24+s10+$0x0], $0xffff;
	vm13 =	vgt.s32 v11, $0x0;
	v11 =	vadd.s32 $0xFFFFFFFF, v11;
	v16 =	vnsel vm12, $0x4000, v16  }
0x16e: {  	v15 =	vld.idx.msk [tilespmem:v15+s10+$0x0], $0xffff;
	v11 =	vnsel vm13, $0x4000, v11;
	vm15 =	vgt.s32 v13, $0x0;
	v13 =	vadd.s32 $0xFFFFFFFF, v13  }
0x16f: {  	v13 =	vnsel vm15, $0x4000, v13;
	v17 =	vld.idx.msk [tilespmem:v17+s10+$0x0], $0xffff  }
0x170: {  	v19 =	vld.idx.msk [tilespmem:v19+s10+$0x0], $0xffff  }
0x171: {  	v10 =	vld.idx.msk [tilespmem:v10+s10+$0x0], $0xffff  }
0x172: {  	v16 =	vld.idx.msk [tilespmem:v16+s10+$0x0], $0xffff  }
0x173: {  	v9 =	vpack.i.f32.bf16 v12, v9;
	v11 =	vld.idx.msk [tilespmem:v11+s10+$0x0], $0xffff  }
0x174: {  	s19 =	sadd.s32 $0x400, s19;
	[tilespmem:s20+$0xFFFFFFE0] =	vst v9;
	v21 =	vpack.i.f32.bf16 v60, v59;
	v62 =	vld.idx.msk [tilespmem:v13+s10+$0x0], $0xffff  }
0x175: {  	v63 =	vpack.i.f32.bf16 v57, v14;
	[tilespmem:s19+$0x20] =	vst v21  }
0x176: {  	v9 =	vpack.i.f32.bf16 v15, v58;
	[tilespmem:s20+$0x0] =	vst v63  }
0x177: {  	[tilespmem:s20+$0xFFFFFFC0] =	vst v9;
	v9 =	vpack.i.f32.bf16 v10, v17  }
0x178: {  	v10 =	vpack.i.f32.bf16 v11, v16;
	[tilespmem:s19+$0xFFFFFFE0] =	vst v9  }
0x179: {  	v9 =	vpack.i.f32.bf16 v62, v19;
	[tilespmem:s19+$0x0] =	vst v10  }
0x17a: {  	[tilespmem:s19+$0xFFFFFFC0] =	vst v9  }
0x17b: {  	_ =	swait.ge [sflag:s16], $0x400  }
0x17c: {  	[sflag:s16] =	ssyncset.done $0x0  }
0x17d: {  	[sflag:s16] =	ssyncadd.s32 $0xFFFFFC00  }
0x17e: {  	_ =	swait.ge [sflag:s16], $0x400  }
0x17f: {  	[sflag:s16] =	ssyncset.done $0x0  }
0x180: {  	[sflag:s16] =	ssyncadd.s32 $0xFFFFFC00  }
0x181: {  	_ =	swait.ge [sflag:s16], $0x400  }
0x182: {  	[sflag:s16] =	ssyncset.done $0x0  }
0x183: {  	[sflag:s16] =	ssyncadd.s32 $0xFFFFFC00  }
0x184: {  	_ =	swait.ge [sflag:s16], $0x400  }
0x185: {  	[sflag:s16] =	ssyncset.done $0x0  }
0x186: {  	[sflag:s16] =	ssyncadd.s32 $0xFFFFFC00  }
0x187: {  	_ =	swait.ge [sflag:s16], $0x400  }
0x188: {  	[sflag:s16] =	ssyncset.done $0x0  }
0x189: {  	[sflag:s16] =	ssyncadd.s32 $0xFFFFFC00  }
0x18a: {  	_ =	swait.ge [sflag:s16], $0x400  }
0x18b: {  	[sflag:s16] =	ssyncset.done $0x0  }
0x18c: {  	[sflag:s16] =	ssyncadd.s32 $0xFFFFFC00  }
0x18d: {  	_ =	swait.ge [sflag:s16], $0x400  }
0x18e: {  	[sflag:s16] =	ssyncset.done $0x0  }
0x18f: {  	[sflag:s16] =	ssyncadd.s32 $0xFFFFFC00  }
0x190: {  	_ =	swait.ge [sflag:s16], $0x400  }
0x191: {  	[sflag:s16] =	ssyncset.done $0x0  }
0x192: {  	[sflag:s16] =	ssyncadd.s32 $0xFFFFFC00  }
0x193: {  	_ =	swait.ge [sflag:s16], $0x400  }
0x194: {  	[sflag:s16] =	ssyncset.done $0x0  }
0x195: {  	[sflag:s16] =	ssyncadd.s32 $0xFFFFFC00  }
0x196: {  	_ =	swait.ge [sflag:s16], $0x400  }
0x197: {  	[sflag:s16] =	ssyncset.done $0x0  }
0x198: {  	[sflag:s16] =	ssyncadd.s32 $0xFFFFFC00  }
0x199: {  	_ =	swait.ge [sflag:s16], $0x400  }
0x19a: {  	[sflag:s16] =	ssyncset.done $0x0  }
0x19b: {  	[sflag:s16] =	ssyncadd.s32 $0xFFFFFC00  }
0x19c: {  	_ =	swait.ge [sflag:s16], $0x400  }
0x19d: {  	[sflag:s16] =	ssyncset.done $0x0  }
0x19e: {  	[sflag:s16] =	ssyncadd.s32 $0xFFFFFC00  }
0x19f: {  	_ =	swait.ge [sflag:s16], $0x400  }
0x1a0: {  	[sflag:s16] =	ssyncset.done $0x0  }
0x1a1: {  	[sflag:s16] =	ssyncadd.s32 $0xFFFFFC00  }
0x1a2: {  	_ =	swait.ge [sflag:s16], $0x400  }
0x1a3: {  	[sflag:s16] =	ssyncset.done $0x0  }
0x1a4: {  	[sflag:s16] =	ssyncadd.s32 $0xFFFFFC00  }
0x1a5: {  	_ =	swait.ge [sflag:s16], $0x400  }
0x1a6: {  	[sflag:s16] =	ssyncset.done $0x0  }
0x1a7: {  	[sflag:s16] =	ssyncadd.s32 $0xFFFFFC00  }
0x1a8: {  	_ =	swait.ge [sflag:s16], $0x400  }
0x1a9: {  	[sflag:s16] =	ssyncset.done $0x0  }
0x1aa: {  	[sflag:s16] =	ssyncadd.s32 $0xFFFFFC00  }
0x1ab: {  	_ =	swait.ge [sflag:s16], $0x400  }
0x1ac: {  	[sflag:s16] =	ssyncset.done $0x0  }
0x1ad: {  	[sflag:s16] =	ssyncadd.s32 $0xFFFFFC00  }
0x1ae: {  	_ =	swait.ge [sflag:s16], $0x400  }
0x1af: {  	[sflag:s16] =	ssyncset.done $0x0  }
0x1b0: {  	[sflag:s16] =	ssyncadd.s32 $0xFFFFFC00  }
0x1b1: {  	_ =	swait.ge [sflag:s16], $0x400  }
0x1b2: {  	[sflag:s16] =	ssyncset.done $0x0  }
0x1b3: {  	[sflag:s16] =	ssyncadd.s32 $0xFFFFFC00  }
0x1b4: {  	_ =	swait.ge [sflag:s16], $0x400  }
0x1b5: {  	[sflag:s16] =	ssyncset.done $0x0  }
0x1b6: {  	[sflag:s16] =	ssyncadd.s32 $0xFFFFFC00  }
0x1b7: {  	_ =	swait.ge [sflag:s16], $0x400  }
0x1b8: {  	[sflag:s16] =	ssyncset.done $0x0  }
0x1b9: {  	[sflag:s16] =	ssyncadd.s32 $0xFFFFFC00  }
0x1ba: {  	_ =	swait.ge [sflag:s16], $0x400  }
0x1bb: {  	[sflag:s16] =	ssyncset.done $0x0  }
0x1bc: {  	[sflag:s16] =	ssyncadd.s32 $0xFFFFFC00  }
0x1bd: {  	_ =	swait.ge [sflag:s16], $0x400  }
0x1be: {  	[sflag:s16] =	ssyncset.done $0x0  }
0x1bf: {  	[sflag:s16] =	ssyncadd.s32 $0xFFFFFC00  }
0x1c0: {  	_ =	swait.ge [sflag:s16], $0x400  }
0x1c1: {  	[sflag:s16] =	ssyncset.done $0x0  }
0x1c2: {  	[sflag:s16] =	ssyncadd.s32 $0xFFFFFC00  }
0x1c3: {  	_ =	swait.ge [sflag:s16], $0x400  }
0x1c4: {  	[sflag:s16] =	ssyncset.done $0x0  }
0x1c5: {  	[sflag:s16] =	ssyncadd.s32 $0xFFFFFC00  }
0x1c6: {  	_ =	swait.ge [sflag:s16], $0x400  }
0x1c7: {  	[sflag:s16] =	ssyncset.done $0x0  }
0x1c8: {  	[sflag:s16] =	ssyncadd.s32 $0xFFFFFC00  }
0x1c9: {  	_ =	swait.ge [sflag:s16], $0x400  }
0x1ca: {  	[sflag:s16] =	ssyncset.done $0x0  }
0x1cb: {  	[sflag:s16] =	ssyncadd.s32 $0xFFFFFC00  }
0x1cc: {  	_ =	swait.ge [sflag:s16], $0x400  }
0x1cd: {  	[sflag:s16] =	ssyncset.done $0x0  }
0x1ce: {  	[sflag:s16] =	ssyncadd.s32 $0xFFFFFC00  }
0x1cf: {  	_ =	swait.ge [sflag:s16], $0x400  }
0x1d0: {  	[sflag:s16] =	ssyncset.done $0x0  }
0x1d1: {  	[sflag:s16] =	ssyncadd.s32 $0xFFFFFC00  }
0x1d2: {  	s21 =	simm.s32 $0x80;
	_ =	swait.ge [sflag:s16], $0x400  }
0x1d3: {  	p0 =	por $0x1, $0x1;
	s22 =	simm.s32 $0x0;
	[sflag:s16] =	ssyncset.done $0x0  }
0x1d4: {  	s20 =	simm.s32 $0x0;
	s19 =	simm.s32 $0x1;
	[sflag:s16] =	ssyncadd.s32 $0xFFFFFC00  }
.LBB2_20:
0x1d5: {  	s23 =	sadd.s32 $0x0, s22;
	s24 =	sshrl.u32 s21, $0x1  }
0x1d6: {  	s26 =	sshll.u32 s19, $0xA;
	s28 =	simm.s32 $0x10;
	s3 =	simm.s32 $0x30  }
0x1d7: {  	s4 =	sand.u32 $0x40, s20;
	s25 =	sadd.s32 $0x431, s23;
	s24 =	sand.u32 $0x3FFFFF80, s24  }
0x1d8: {  	s0 =	sadd.s32 $0x401, s23;
	s30 =	sadd.s32 $0x411, s23;
	s31 =	sadd.s32 $0x430, s23;
	v9 =	vadd.s32 s25, v0  }
0x1d9: {  	s29 =	sadd.s32 $0x400, s23;
	v11 =	vadd.s32 s30, v0;
	s31 =	sand.u32 $0x3F80, s31;
	s30 =	sand.u32 $0x70, s3  }
0x1da: {  	s2 =	sadd.s32 $0x410, s23;
	v10 =	vadd.s32 s0, v0;
	s29 =	sand.u32 $0x3F80, s29;
	s30 =	sor.u32 s30, s31  }
0x1db: {  	s28 =	sand.u32 $0x50, s28;
	s25 =	sadd.s32 $0x400, s26;
	s31 =	sor.u32 s4, s29;
	v14 =	vld [tilespmem:s30+$0x0]  }
0x1dc: {  	s26 =	sand.u32 $0x3F80, s2;
	s0 =	sadd.s32 $0x421, s23;
	s2 =	simm.s32 $0x20;
	v16 =	vld [tilespmem:s31+$0x0]  }
0x1dd: {  	s24 =	sadd.s32 $0x8140, s24;
	v12 =	vadd.s32 s0, v0;
	s26 =	sor.u32 s28, s26;
	s2 =	sand.u32 $0x60, s2;
	v19 =	vld.idx.msk [tilespmem:v9+s1+$0x0], $0xffff  }
0x1de: {  	s28 =	sadd.s32 $0x40, s22;
	v13 =	vmov s25;
	s25 =	simm.s32 $0x50;
	s30 =	sadd.s32 $0x420, s23;
	v17 =	vld [tilespmem:s26+$0x0]  }
0x1df: {  	s29 =	sadd.s32 $0x431, s28;
	s23 =	simm.s32 $0x4;
	s0 =	sand.u32 $0x3F80, s30;
	v21 =	vld.idx.msk [tilespmem:v10+s1+$0x0], $0xffff  }
0x1e0: {  	s3 =	sadd.s32 $0x401, s28;
	s4 =	sadd.s32 $0x411, s28;
	v15 =	vadd.s32 s29, v0;
	s0 =	sor.u32 s2, s0;
	v24 =	vld.idx.msk [tilespmem:v11+s1+$0x0], $0xffff  }
0x1e1: {  	vm1 =	veq.s32 v11, v13;
	s25 =	sand.u32 $0x50, s25;
	vm3 =	veq.s32 v9, v13;
	s30 =	sadd.s32 $0x400, s28;
	s29 =	sadd.s32 $0x410, s28;
	v18 =	vadd.s32 s3, v0;
	v20 =	vld [tilespmem:s0+$0x0]  }
0x1e2: {  	vm2 =	vmmov vm1;
	s3 =	sadd.s32 $0x430, s28;
	v22 =	vadd.s32 s4, v0;
	s4 =	simm.s32 $0x60;
	s2 =	simm.s32 $0x40;
	v26 =	vld.idx.msk [tilespmem:v12+s1+$0x0], $0xffff;
	vm1 =	vne.s32 v14, v19  }
0x1e3: {  	vm0 =	veq.s32 v10, v13;
	s26 =	sand.u32 $0x3F80, s30;
	s0 =	sand.u32 $0x40, s2;
	s2 =	simm.s32 $0x70;
	vm3 =	vmor vm3, vm1  }
0x1e4: {  	vm0 =	vmmov vm0;
	s29 =	sand.u32 $0x3F80, s29;
	s30 =	sand.u32 $0x3F80, s3;
	s2 =	sand.u32 $0x70, s2;
	vm4 =	vne.s32 v16, v21  }
0x1e5: {  	vm5 =	veq.s32 v18, v13;
	s3 =	sadd.s32 $0x420, s28;
	s28 =	sadd.s32 $0x421, s28;
	s2 =	sor.u32 s2, s30;
	v23 =	vld.idx.msk [tilespmem:v15+s1+$0x0], $0xffff;
	vm1 =	vmor vm0, vm4;
	vm0 =	vne.s32 v17, v24  }
0x1e6: {  	vm6 =	veq.s32 v22, v13;
	s31 =	sand.u32 $0x60, s4;
	s26 =	sor.u32 s0, s26;
	s30 =	sand.u32 $0x3F80, s3;
	v25 =	vld [tilespmem:s2+$0x0];
	v19 =	vadd.s32 s28, v0;
	vm4 =	vmor vm2, vm0  }
0x1e7: {  	s28 =	sor.u32 s25, s29;
	s29 =	sor.u32 s31, s30;
	s25 =	simm.s32 $0x80;
	v21 =	vmovc v22;
	v24 =	vld.idx.msk [tilespmem:v18+s1+$0x0], $0xffff;
	vm2 =	vmmov vm5;
	vm0 =	vmmov vm6;
	vm5 =	vne.s32 v20, v26  }
.LBB2_21:
0x1e8: {  	s0 =	sadd.s32 s25, s22  }
0x1e9: {  	s2 =	sadd.s32 $0x10, s25;
	s23 =	sadd.s32 $0x4, s23;
	v26 =	vld.idx.msk [tilespmem:v22+s1+$0x0], $0xffff;
	[tilespmem:v14+s12+$0x0] =	vst.idx.msk vm3, v9;
	v9 =	vmov v15;
	s3 =	sadd.s32 $0x400, s0  }
0x1ea: {  	s30 =	sadd.s32 $0x431, s0;
	p1 =	slt.u32 s23, $0x3C;
	v27 =	vld [tilespmem:s26+$0x0];
	s26 =	sadd.s32 $0x401, s0  }
0x1eb: {  	s31 =	sadd.s32 $0x410, s0;
	s4 =	sadd.s32 $0x411, s0;
	s2 =	sand.u32 $0x50, s2;
	v15 =	vadd.s32 s30, v0;
	v28 =	vld [tilespmem:s28+$0x0]  }
0x1ec: {  	vm7 =	veq.s32 v9, v13;
	v29 =	vadd.s32 s26, v0;
	s3 =	sand.u32 $0x3F80, s3;
	s28 =	sand.u32 $0x3F80, s31;
	s26 =	sand.u32 $0x40, s25;
	v30 =	vld.idx.msk [tilespmem:v19+s1+$0x0], $0xffff;
	vm3 =	vne.s32 v25, v23;
	v14 =	vmovc v25  }
0x1ed: {  	v22 =	vadd.s32 s4, v0;
	s4 =	sadd.s32 $0x20, s25;
	s30 =	sadd.s32 $0x420, s0;
	s31 =	sadd.s32 $0x30, s25;
	vm6 =	veq.s32 v29, v13;
	v31 =	vld [tilespmem:s29+$0x0];
	vm3 =	vmor vm7, vm3;
	[tilespmem:v16+s12+$0x0] =	vst.idx.msk vm1, v10;
	v10 =	vmovc v18  }
.Ltmp11:
0x1ee: {  	vm7 =	veq.s32 v22, v13;
	s29 =	sadd.s32 $0x421, s0;
	s0 =	sadd.s32 $0x430, s0;
	[tilespmem:v17+s12+$0x0] =	vst.idx.msk vm4, v11;
	(pc) =	sbr.rel @p1 .LBB2_21-.Ltmp11, $4  }
0x1ef: {  	s26 =	sor.u32 s26, s3;
	s3 =	sand.u32 $0x70, s31;
	v18 =	vmovc v29;
	v32 =	vadd.s32 s29, v0;
	s0 =	sand.u32 $0x3F80, s0;
	vm1 =	vne.s32 v27, v24;
	[tilespmem:v20+s12+$0x0] =	vst.idx.msk vm5, v12;
	v16 =	vmov v27  }
0x1f0: {  	s28 =	sor.u32 s2, s28;
	s2 =	sand.u32 $0x3F80, s30;
	v11 =	vmovc v21;
	v21 =	vmovc v22;
	s0 =	sor.u32 s3, s0;
	v23 =	vld.idx.msk [tilespmem:v15+s1+$0x0], $0xffff;
	vm1 =	vmor vm2, vm1;
	vm2 =	vne.s32 v28, v26;
	v17 =	vmov v28  }
0x1f1: {  	s3 =	sand.u32 $0x60, s4;
	v12 =	vmovc v19;
	v19 =	vmovc v32;
	v25 =	vld [tilespmem:s0+$0x0];
	vm4 =	vmor vm0, vm2;
	vm2 =	vmmov vm6;
	vm0 =	vmmov vm7  }
0x1f2: {  	s25 =	sadd.s32 $0x40, s25;
	s29 =	sor.u32 s3, s2;
	v24 =	vld.idx.msk [tilespmem:v29+s1+$0x0], $0xffff;
	vm5 =	vne.s32 v31, v30;
	v20 =	vmov v31  }
0x1f3: {  	_ =	sdelay $0x3  }
0x1f4: {  	v22 =	vld.idx.msk [tilespmem:v22+s1+$0x0], $0xffff  }
0x1f5: {  	v26 =	vld [tilespmem:s26+$0x0]  }
0x1f6: {  	v28 =	vld.idx.msk [tilespmem:v19+s1+$0x0], $0xffff  }
0x1f7: {  	v29 =	vld [tilespmem:s29+$0x0]  }
0x1f8: {  	v27 =	vld [tilespmem:s28+$0x0];
	_ =	sdelay $0x1  }
0x1f9: {  	vm7 =	veq.s32 v15, v13;
	vm6 =	vne.s32 v25, v23  }
0x1fa: {  	vm6 =	vmor vm7, vm6  }
0x1fb: {  	vm13 =	vne.s32 v26, v24;
	vm15 =	vne.s32 v29, v28  }
0x1fc: {  	[tilespmem:v14+s12+$0x0] =	vst.idx.msk vm3, v9;
	vm14 =	vne.s32 v27, v22;
	vm2 =	vmor vm2, vm13  }
0x1fd: {  	[tilespmem:v16+s12+$0x0] =	vst.idx.msk vm1, v10;
	vm0 =	vmor vm0, vm14  }
0x1fe: {  	[tilespmem:v17+s12+$0x0] =	vst.idx.msk vm4, v11  }
0x1ff: {  	[tilespmem:v20+s12+$0x0] =	vst.idx.msk vm5, v12  }
0x200: {  	[tilespmem:v25+s12+$0x0] =	vst.idx.msk vm6, v15  }
0x201: {  	[tilespmem:v29+s12+$0x0] =	vst.idx.msk vm15, v19  }
0x202: {  	[tilespmem:v26+s12+$0x0] =	vst.idx.msk vm2, v18  }
0x203: {  	s0 =	simm.s32 $0xC120;
	[tilespmem:v27+s12+$0x0] =	vst.idx.msk vm0, v21  }
0x204: {  	v9 =	vld [tilespmem:s0+$0xFFFFFFE0];
	_ =	sdelay $0x1  }
0x205: {  	v10 =	vld [tilespmem:s0+$0x0]  }
0x206: {  	v11 =	vld [tilespmem:s0+$0xFFFFFFF0]  }
0x207: {  	v12 =	vld [tilespmem:s0+$0x10]  }
0x208: {  	v9 =	vxor.u32 $0x80000000, v9  }
0x209: {  	(xrf0) =	vmax.scan.msk.u32 $0xffff, v9;
	_ =	sdelay $0x2  }
0x20a: {  	s23 =	simm.s32 $0xC160;
	v10 =	vxor.u32 $0x80000000, v10;
	v9 =	vxor.u32 $0x80000000, v11;
	v11 =	vxor.u32 $0x80000000, v12  }
0x20b: {  	v12 =	vld [tilespmem:s23+$0x0];
	(xrf0) =	vmax.scan.msk.u32 $0xffff, v10  }
0x20c: {  	v10 =	vld [tilespmem:s23+$0xFFFFFFE0];
	(xrf0) =	vmax.scan.msk.u32 $0xffff, v9  }
0x20d: {  	v9 =	vimm.s32 $0x0;
	(xrf0) =	vmax.scan.msk.u32 $0xffff, v11;
	v11, _, _ =	vpop (xrf0)  }
0x20e: {  	s25 =	simm.s32 $0xC920;
	v13 =	vld [tilespmem:s23+$0xFFFFFFF0];
	[tilespmem:s0+$0xFFFFFFE0] =	vst v9;
	v11 =	vxor.u32 $0x80000000, v11  }
0x20f: {  	[tilespmem:s25+$0xFFFFFFE0] =	vst v11;
	v11 =	vld [tilespmem:s23+$0x10]  }
0x210: {  	[tilespmem:s0+$0x0] =	vst v9;
	v12 =	vxor.u32 $0x80000000, v12  }
0x211: {  	[tilespmem:s23+$0x0] =	vst v9;
	v10 =	vxor.u32 $0x80000000, v10;
	v14, _, _ =	vpop (xrf0)  }
0x212: {  	[tilespmem:s0+$0xFFFFFFF0] =	vst v9;
	(xrf0) =	vmax.scan.msk.u32 $0xffff, v10;
	v10 =	vxor.u32 $0x80000000, v14;
	v14, _, _ =	vpop (xrf0)  }
0x213: {  	s28 =	simm.s32 $0x4;
	s29 =	simm.s32 $0xC1A0;
	s26 =	simm.s32 $0xC920;
	v13 =	vxor.u32 $0x80000000, v13;
	[tilespmem:s0+$0x10] =	vst v9;
	(xrf0) =	vmax.scan.msk.u32 $0xffff, v12;
	v14 =	vxor.u32 $0x80000000, v14;
	v12, _, _ =	vpop (xrf0)  }
.LBB2_23:
0x214: {  	v15 =	vld [tilespmem:s29+$0xFFFFFFE0];
	s28 =	sadd.s32 $0x4, s28;
	v11 =	vxor.u32 $0x80000000, v11;
	(xrf0) =	vmax.scan.msk.u32 $0xffff, v13;
	[tilespmem:s25+$0xFFFFFFF0] =	vst v14;
	s26 =	sadd.s32 $0x40, s26;
	v16 =	vmov v9  }
0x215: {  	s0 =	smov.u32 s23;
	s23 =	smov.u32 s29;
	v13 =	vld [tilespmem:s29+$0x0];
	p1 =	slt.u32 s28, $0x7C;
	(xrf0) =	vmax.scan.msk.u32 $0xffff, v11;
	[tilespmem:s25+$0x0] =	vst v10;
	v10 =	vxor.u32 $0x80000000, v12  }
0x216: {  	v12 =	vld [tilespmem:s29+$0xFFFFFFF0];
	[tilespmem:s25+$0x10] =	vst v10;
	s25 =	smov.u32 s26  }
.Ltmp12:
0x217: {  	[tilespmem:s29+$0x0] =	vst v9;
	v11 =	vld [tilespmem:s29+$0x10];
	(pc) =	sbr.rel @p1 .LBB2_23-.Ltmp12, $4  }
0x218: {  	[tilespmem:s0+$0xFFFFFFF0] =	vst v16;
	v10, _, _ =	vpop (xrf0)  }
0x219: {  	v18 =	vxor.u32 $0x80000000, v15;
	[tilespmem:s0+$0xFFFFFFE0] =	vst v16;
	v10 =	vxor.u32 $0x80000000, v10;
	v15, _, _ =	vpop (xrf0)  }
0x21a: {  	v17 =	vxor.u32 $0x80000000, v13;
	(xrf0) =	vmax.scan.msk.u32 $0xffff, v18;
	[tilespmem:s26+$0xFFFFFFE0] =	vst v10;
	v10 =	vxor.u32 $0x80000000, v15;
	v14, _, _ =	vpop (xrf0)  }
0x21b: {  	s29 =	sadd.s32 $0x40, s29;
	v13 =	vxor.u32 $0x80000000, v12;
	(xrf0) =	vmax.scan.msk.u32 $0xffff, v17;
	v14 =	vxor.u32 $0x80000000, v14;
	[tilespmem:s0+$0x10] =	vst v16;
	v12, _, _ =	vpop (xrf0)  }
0x21c: {  	_ = 	snop  }
0x21d: {  	[tilespmem:s25+$0x0] =	vst v10;
	v10 =	vxor.u32 $0x80000000, v12  }
0x21e: {  	(xrf0) =	vmax.scan.msk.u32 $0xffff, v13;
	v11 =	vxor.u32 $0x80000000, v11  }
0x21f: {  	[tilespmem:s25+$0xFFFFFFF0] =	vst v14;
	(xrf0) =	vmax.scan.msk.u32 $0xffff, v11  }
0x220: {  	[tilespmem:s25+$0x10] =	vst v10;
	v10, _, _ =	vpop (xrf0)  }
0x221: {  	[tilespmem:s23+$0xFFFFFFF0] =	vst v9;
	v10 =	vxor.u32 $0x80000000, v10  }
0x222: {  	[tilespmem:s23+$0xFFFFFFE0] =	vst v9;
	p3 =	por $0x0, $0x0  }
.Ltmp13:
0x223: {  	s0 =	sadd.s32 $0x40, s26;
	[tilespmem:s23+$0x10] =	vst v9;
	v11, _, _ =	vpop (xrf0);
	(pc) =	sbr.rel @p3 .LBB2_25-.Ltmp13, $4  }
0x224: {  	[tilespmem:s0+$0xFFFFFFE0] =	vst v10;
	v11 =	vxor.u32 $0x80000000, v11;
	v10, _, _ =	vpop (xrf0)  }
0x225: {  	[tilespmem:s0+$0x0] =	vst v11;
	v10 =	vxor.u32 $0x80000000, v10;
	v63, _, _ =	vpop (xrf0)  }
0x226: {  	s23 =	simm.s32 $0x0;
	s29 =	simm.s32 $0xF;
	s26 =	simm.s32 $0x1F;
	[tilespmem:s0+$0xFFFFFFF0] =	vst v10;
	v10 =	vxor.u32 $0x80000000, v63  }
0x227: {  	p1 =	por $0x0, $0x0;
	p2 =	por $0x0, $0x0;
	s25 =	simm.s32 $0xD100;
	[tilespmem:s0+$0x10] =	vst v10;
	v10 =	vor.u32 s23, v3  }
0x228: {  	_ =	sdelay $0x3  }
0x229: {  	v10 =	vld.idx.msk [tilespmem:v10+s13+$0x0], $0xffff;
	_ =	sdelay $0x4  }
0x22a: {  	v10 =	vxor.u32 $0x80000000, v10  }
0x22b: {  	(xrf0) =	vmax.scan.msk.u32 $0xffff, v10  }
0x22c: {  	p3 =	por $0x0, $0x0  }
.Ltmp14:
0x22d: {  	_ = 	snop;
	(pc) =	sbr.rel @p3 .LBB2_27-.Ltmp14, $3  }
0x22e: {  	_ =	sdelay $0x1  }
0x22f: {  	s0 =	simm.s32 $0x100  }
0x230: {  	s28 =	simm.s32 $0x2F;
	p1 =	por $0x1, $0x1;
	v10 =	vor.u32 s0, v3;
	v12, _, _ =	vpop (xrf0)  }
0x231: {  	v11 =	vxor.u32 $0x80000000, v12  }
0x232: {  	vm0 =	vgt.s32 v11, v9  }
0x233: {  	v11 =	vsel vm0, v11, v9  }
0x234: {  	[tilespmem:s25+$0x0] =	vst v11  }
0x235: {  	v10 =	vld.idx.msk [tilespmem:v10+s13+$0x0], $0xffff;
	_ =	sdelay $0x4  }
0x236: {  	v10 =	vxor.u32 $0x80000000, v10  }
0x237: {  	(xrf0) =	vmax.scan.msk.u32 $0xffff, v10;
	v10 =	vmov s29;
	_ =	sdelay $0x2  }
0x238: {  	p3 =	por $0x0, $0x0  }
.Ltmp15:
0x239: {  	_ = 	snop;
	(pc) =	sbr.rel @p3 .LBB2_29-.Ltmp15, $3  }
0x23a: {  	v11 =	vld.idx.msk [tilespmem:v10+s14+$0x0], $0xffff;
	_ =	sdelay $0x1  }
0x23b: {  	s29 =	simm.s32 $0x200  }
0x23c: {  	s31 =	simm.s32 $0x3F;
	p2 =	por $0x1, $0x1;
	s30 =	simm.s32 $0xD100;
	v10 =	vor.u32 s29, v3;
	v12, _, _ =	vpop (xrf0)  }
.LBB2_30:
0x23d: {  	p3 =	seq.s32 s31, $0x7F;
	v12 =	vxor.u32 $0x80000000, v12;
	v13 =	vmov s26;
	s26 =	smov.u32 s28;
	s28 =	smov.u32 s31  }
0x23e: {  	vm0 =	vgt.s32 v12, v11  }
0x23f: {  	s30 =	sadd.s32 $0x10, s30;
	v11 =	vsel vm0, v12, v11  }
0x240: {  	[tilespmem:s30+$0x0] =	vst v11  }
0x241: {  	v10 =	vld.idx.msk [tilespmem:v10+s13+$0x0], $0xffff  }
0x242: {  	v11 =	vld.idx.msk [tilespmem:v13+s14+$0x0], $0xffff;
	_ =	sdelay $0x4  }
0x243: {  	v10 =	vxor.u32 $0x80000000, v10  }
0x244: {  	(xrf0) =	vmax.scan.msk.u32 $0xffff, v10;
	_ =	sdelay $0x1  }
.Ltmp16:
0x245: {  	(pc) =	sbr.rel @!p3 .LBB2_30-.Ltmp16, $3  }
0x246: {  	_ =	sdelay $0x1  }
0x247: {  	s29 =	sadd.s32 $0x100, s29  }
0x248: {  	s31 =	sadd.s32 $0x10, s31;
	v10 =	vor.u32 s29, v3;
	v12, _, _ =	vpop (xrf0)  }
0x249: {  	s29 =	smov.u32 s26  }
.LBB2_32:
0x24a: {  	v12 =	vxor.u32 @p1 $0x80000000, v12  }
0x24b: {  	s0 =	sadd.s32 @p2 $0x10, s30;
	s2 =	simm.s32 $0xD100;
	vm0 =	vgt.s32 @p1 v12, v11  }
0x24c: {  	s2 =	smov.u32 @p2 s0;
	v11 =	vsel @p1 vm0, v12, v11  }
0x24d: {  	[tilespmem:s2+$0x0] =	vst @p1 v11  }
0x24e: {  	v10 =	vld.idx.msk [tilespmem:v10+s13+$0x0], $0xffff;
	_ =	sdelay $0x2  }
0x24f: {  	v11 =	vmov @p1 s29;
	_ =	sdelay $0x1  }
0x250: {  	v10 =	vxor.u32 $0x80000000, v10  }
0x251: {  	(xrf0) =	vmax.scan.msk.u32 $0xffff, v10;
	_ =	sdelay $0x1  }
0x252: {  	v10 =	vld.idx.msk @p1 [tilespmem:v11+s14+$0x0], $0xffff;
	_ =	sdelay $0x3  }
0x253: {  	v11, _, _ =	vpop (xrf0)  }
0x254: {  	p3 =	por $0x0, $0x0;
	v9 =	vpsel p1, v10, v9;
	v10 =	vxor.u32 $0x80000000, v11  }
.Ltmp17:
0x255: {  	s0 =	sadd.s32 @p1 $0x10, s2;
	vm14 =	vgt.s32 v10, v9;
	(pc) =	sbr.rel @p3 .LBB2_33-.Ltmp17, $4  }
0x256: {  	s25 =	smov.u32 @p1 s0;
	v9 =	vsel vm14, v10, v9  }
0x257: {  	[tilespmem:s25+$0x0] =	vst v9;
	v9 =	vadd.s32 s23, v4  }
0x258: {  	s28 =	simm.s32 $0x10;
	vm15 =	vgt.s32 v9, $0x0  }
0x259: {  	p2 =	por $0x0, $0x0;
	p1 =	por $0x0, $0x0;
	s25 =	simm.s32 $0xD180;
	v9 =	vnsel vm15, $0x0, v9  }
0x25a: {  	p3 =	por $0x0, $0x0  }
.Ltmp18:
0x25b: {  	_ = 	snop;
	(pc) =	sbr.rel @p3 .LBB2_35-.Ltmp18, $4  }
0x25c: {  	_ = 	snop  }
0x25d: {  	v10 =	vadd.s32 s28, v4  }
0x25e: {  	vm0 =	vgt.s32 v10, $0x0  }
0x25f: {  	v11 =	vld.idx.msk [tilespmem:v9+s14+$0x0], $0xffff;
	s26 =	simm.s32 $0x20;
	p1 =	por $0x1, $0x1;
	v9 =	vnsel vm0, $0x0, v10;
	v10 =	vmov s23  }
0x260: {  	_ =	sdelay $0x1  }
0x261: {  	v13 =	vadd.s32 s26, v4;
	p3 =	por $0x0, $0x0  }
.Ltmp19:
0x262: {  	vm1 =	vgt.s32 v13, $0x0;
	(pc) =	sbr.rel @p3 .LBB2_37-.Ltmp19, $4  }
0x263: {  	v12 =	vld.idx.msk [tilespmem:v9+s14+$0x0], $0xffff;
	v9 =	vnsel vm1, $0x0, v13  }
0x264: {  	vm0 =	veq.s32 v10, v0  }
0x265: {  	v10 =	vsel vm0, $0x0, v11  }
0x266: {  	s29 =	simm.s32 $0x30;
	p2 =	por $0x1, $0x1;
	s23 =	simm.s32 $0xD180;
	[tilespmem:s25+$0x0] =	vst v10;
	v10 =	vmov s28  }
.LBB2_38:
0x267: {  	v11 =	vadd.s32 s29, v4;
	p3 =	seq.s32 s29, $0x70;
	vm0 =	veq.s32 v10, v0;
	s0 =	smov.u32 s29;
	s29 =	sadd.s32 $0x10, s29  }
.Ltmp20:
0x268: {  	s23 =	sadd.s32 $0x10, s23;
	vm1 =	vgt.s32 v11, $0x0;
	v10 =	vsel vm0, $0x0, v12;
	v12 =	vld.idx.msk [tilespmem:v9+s14+$0x0], $0xffff;
	(pc) =	sbr.rel @!p3 .LBB2_38-.Ltmp20, $2  }
0x269: {  	v9 =	vnsel vm1, $0x0, v11;
	[tilespmem:s23+$0x0] =	vst v10;
	_ =	sdelay $0x2  }
0x26a: {  	v10 =	vmov s26;
	s26 =	smov.u32 s0  }
0x26b: {  	v11 =	vmov v12;
	s28 =	smov.u32 s26  }
.LBB2_40:
0x26c: {  	_ =	sdelay $0x3  }
0x26d: {  	v9 =	vld.idx.msk [tilespmem:v9+s14+$0x0], $0xffff;
	_ =	sdelay $0x1  }
0x26e: {  	s0 =	sadd.s32 @p2 $0x10, s23;
	s2 =	simm.s32 $0xD180  }
0x26f: {  	vm0 =	veq.s32 @p1 v10, v0;
	v10 =	vmov s28;
	s2 =	smov.u32 @p2 s0  }
0x270: {  	v11 =	vsel @p1 vm0, $0x0, v11;
	vm0 =	veq.s32 v10, v0;
	s0 =	sadd.s32 @p1 $0x10, s2  }
0x271: {  	s25 =	smov.u32 @p1 s0;
	v9 =	vsel vm0, $0x0, v9  }
0x272: {  	[tilespmem:s25+$0x0] =	vst v9;
	s25 =	simm.s32 $0x60  }
0x273: {  	v10 =	vor.u32 s25, v1  }
0x274: {  	[tilespmem:s2+$0x0] =	vst @p1 v11;
	v11 =	vshrl.u32 v10, $0x4  }
0x275: {  	v11 =	vand.u32 $0x7F, v11  }
0x276: {  	v12 =	vor.u32 s25, v8;
	_ =	sdelay $0x1  }
0x277: {  	s4 =	simm.s32 $0x0  }
0x278: {  	s26 =	simm.s32 $0x20;
	v13 =	vor.u32 s4, v1;
	v10 =	vld.idx.msk [tilespmem:v10+s13+$0x0], $0xffff  }
0x279: {  	v14 =	vor.u32 s26, v1;
	v11 =	vld.idx.msk [tilespmem:v11+s15+$0x0], $0xffff  }
0x27a: {  	v17 =	vshrl.u32 v13, $0x4;
	v12 =	vld.idx.msk [tilespmem:v12+s13+$0x0], $0xffff  }
0x27b: {  	s28 =	simm.s32 $0x40;
	v19 =	vor.u32 s26, v6  }
0x27c: {  	s30 =	simm.s32 $0xA0;
	v15 =	vor.u32 s28, v1;
	v20 =	vor.u32 s4, v5;
	v21 =	vor.u32 s28, v7  }
0x27d: {  	v22 =	vor.u32 s30, v1;
	v16 =	vshrl.u32 v14, $0x4;
	v18 =	vshrl.u32 v15, $0x4;
	v13 =	vld.idx.msk [tilespmem:v13+s13+$0x0], $0xffff  }
0x27e: {  	s3 =	sor.u32 $0x4000, s19;
	v16 =	vand.u32 $0x7F, v16;
	v18 =	vand.u32 $0x7F, v18;
	v14 =	vld.idx.msk [tilespmem:v14+s13+$0x0], $0xffff;
	vm0 =	vgt.s32 v10, v11  }
0x27f: {  	v9 =	vmov s3;
	v17 =	vld.idx.msk [tilespmem:v17+s15+$0x0], $0xffff;
	v10 =	vsel vm0, v10, v11;
	vm0 =	vgt.s32 v12, v11  }
0x280: {  	v19 =	vld.idx.msk [tilespmem:v19+s13+$0x0], $0xffff;
	v11 =	vsel vm0, v12, v11;
	vm0 =	vgt.s32 v10, $0x0;
	v10 =	vadd.s32 $0xFFFFFFFF, v10  }
0x281: {  	s3 =	simm.s32 $0xE0;
	v20 =	vld.idx.msk [tilespmem:v20+s13+$0x0], $0xffff;
	v10 =	vsel vm0, v10, v9;
	vm0 =	vgt.s32 v11, $0x0;
	v11 =	vadd.s32 $0xFFFFFFFF, v11  }
0x282: {  	v23 =	vor.u32 s3, v1;
	v21 =	vld.idx.msk [tilespmem:v21+s13+$0x0], $0xffff;
	v11 =	vsel vm0, v11, v9  }
0x283: {  	s29 =	simm.s32 $0x80;
	v16 =	vld.idx.msk [tilespmem:v16+s15+$0x0], $0xffff;
	v25 =	vshrl.u32 v23, $0x4  }
0x284: {  	s31 =	simm.s32 $0xC0;
	v24 =	vor.u32 s29, v5;
	v18 =	vld.idx.msk [tilespmem:v18+s15+$0x0], $0xffff;
	v25 =	vand.u32 $0x7F, v25  }
0x285: {  	v26 =	vor.u32 s31, v1;
	v31 =	vor.u32 s30, v6;
	v12 =	vld.idx.msk [tilespmem:v15+s13+$0x0], $0xffff;
	v15 =	vor.u32 s29, v1  }
0x286: {  	v32 =	vor.u32 s31, v7;
	v27 =	vshrl.u32 v22, $0x4;
	v28 =	vshrl.u32 v26, $0x4;
	v33 =	vld.idx.msk [tilespmem:v22+s13+$0x0], $0xffff  }
0x287: {  	v27 =	vand.u32 $0x7F, v27;
	vm1 =	vgt.s32 v13, v17;
	v29 =	vld.idx.msk [tilespmem:v11+s10+$0x0], $0xffff;
	v11 =	vor.u32 s3, v8  }
0x288: {  	v28 =	vand.u32 $0x7F, v28;
	vm2 =	vgt.s32 v20, v17;
	v34 =	vld.idx.msk [tilespmem:v23+s13+$0x0], $0xffff;
	v13 =	vsel vm1, v13, v17  }
0x289: {  	vm3 =	vgt.s32 v21, v18;
	v17 =	vsel vm2, v20, v17;
	v20 =	vld.idx.msk [tilespmem:v25+s15+$0x0], $0xffff;
	v30 =	vshrl.u32 v15, $0x4  }
0x28a: {  	vm4 =	vgt.s32 v13, $0x0;
	v13 =	vadd.s32 $0xFFFFFFFF, v13;
	vm0 =	vgt.s32 v14, v16;
	v15 =	vld.idx.msk [tilespmem:v15+s13+$0x0], $0xffff  }
0x28b: {  	vm5 =	vgt.s32 v17, $0x0;
	v14 =	vsel vm0, v14, v16;
	vm0 =	vgt.s32 v19, v16;
	v10 =	vld.idx.msk [tilespmem:v10+s10+$0x0], $0xffff  }
0x28c: {  	v22 =	vsel vm4, v13, v9;
	v16 =	vsel vm0, v19, v16;
	vm1 =	vgt.s32 v12, v18;
	v25 =	vld.idx.msk [tilespmem:v11+s13+$0x0], $0xffff  }
0x28d: {  	vm0 =	vgt.s32 v14, $0x0;
	v14 =	vadd.s32 $0xFFFFFFFF, v14;
	v12 =	vsel vm1, v12, v18;
	v11 =	vld.idx.msk [tilespmem:v27+s15+$0x0], $0xffff  }
0x28e: {  	v18 =	vsel vm3, v21, v18;
	vm1 =	vgt.s32 v16, $0x0;
	v27 =	vsel vm0, v14, v9;
	v14 =	vld.idx.msk [tilespmem:v30+s15+$0x0], $0xffff  }
0x28f: {  	v16 =	vadd.s32 $0xFFFFFFFF, v16;
	v21 =	vadd.s32 $0xFFFFFFFF, v17;
	vm2 =	vgt.s32 v12, $0x0  }
0x290: {  	v17 =	vld.idx.msk [tilespmem:v31+s13+$0x0], $0xffff;
	v19 =	vadd.s32 $0xFFFFFFFF, v12;
	vm3 =	vgt.s32 v18, $0x0;
	v18 =	vadd.s32 $0xFFFFFFFF, v18  }
0x291: {  	v12 =	vld.idx.msk [tilespmem:v28+s15+$0x0], $0xffff;
	v62 =	vsel vm1, v16, v9;
	v16 =	vsel vm5, v21, v9;
	v63 =	vsel vm2, v19, v9  }
0x292: {  	v21 =	vld.idx.msk [tilespmem:v24+s13+$0x0], $0xffff;
	v23 =	vsel vm3, v18, v9;
	v10 =	vpack.i.f32.bf16 v29, v10;
	vm0 =	vgt.s32 v34, v20  }
0x293: {  	v18 =	vld.idx.msk [tilespmem:v26+s13+$0x0], $0xffff;
	v13 =	vsel vm0, v34, v20;
	vm0 =	vgt.s32 v25, v20;
	vm1 =	vgt.s32 v15, v14  }
0x294: {  	v19 =	vld.idx.msk [tilespmem:v32+s13+$0x0], $0xffff;
	v20 =	vsel vm0, v25, v20;
	vm0 =	vgt.s32 v13, $0x0;
	v13 =	vadd.s32 $0xFFFFFFFF, v13  }
0x295: {  	[tilespmem:s24+$0x20] =	vst v10;
	v10 =	vld.idx.msk [tilespmem:v27+s10+$0x0], $0xffff;
	v24 =	vsel vm0, v13, v9;
	vm0 =	vgt.s32 v20, $0x0;
	v13 =	vadd.s32 $0xFFFFFFFF, v20  }
0x296: {  	vm2 =	vgt.s32 v33, v11;
	v20 =	vsel vm1, v15, v14;
	v15 =	vld.idx.msk [tilespmem:v63+s10+$0x0], $0xffff;
	v25 =	vsel vm0, v13, v9  }
0x297: {  	s23 =	smov.u32 s24;
	s26 =	simm.s32 $0x100;
	s25 =	simm.s32 $0x4;
	v26 =	vsel vm2, v33, v11;
	v13 =	vld.idx.msk [tilespmem:v62+s10+$0x0], $0xffff;
	vm0 =	vgt.s32 v17, v11  }
.LBB2_41:
0x298: {  	v27 =	vor.u32 s26, v1;
	v28 =	vor.u32 s26, v5;
	s0 =	sadd.s32 $0x20, s26;
	s2 =	sadd.s32 $0x40, s26;
	s3 =	sadd.s32 $0x60, s26;
	vm1 =	vgt.s32 v18, v12;
	v29 =	vld.idx.msk [tilespmem:v23+s10+$0x0], $0xffff  }
0x299: {  	s25 =	sadd.s32 $0x4, s25;
	v23 =	vor.u32 s0, v1;
	v30 =	vor.u32 s2, v1;
	v31 =	vor.u32 s3, v1;
	v32 =	vld.idx.msk [tilespmem:v22+s10+$0x0], $0xffff  }
0x29a: {  	p1 =	slt.u32 s25, $0x3C;
	v22 =	vshrl.u32 v23, $0x4;
	v33 =	vshrl.u32 v30, $0x4;
	v34 =	vshrl.u32 v31, $0x4;
	v24 =	vld.idx.msk [tilespmem:v24+s10+$0x0], $0xffff  }
0x29b: {  	v22 =	vand.u32 $0x7F, v22;
	v33 =	vand.u32 $0x7F, v33;
	v34 =	vand.u32 $0x7F, v34;
	v25 =	vld.idx.msk [tilespmem:v25+s10+$0x0], $0xffff  }
0x29c: {  	v35 =	vshrl.u32 v27, $0x4;
	v36 =	vor.u32 s0, v6;
	v37 =	vor.u32 s3, v8;
	v38 =	vld.idx.msk [tilespmem:v16+s10+$0x0], $0xffff  }
0x29d: {  	vm3 =	vgt.s32 v19, v12;
	v39 =	vor.u32 s2, v7;
	vm2 =	vgt.s32 v21, v14;
	v27 =	vld.idx.msk [tilespmem:v27+s13+$0x0], $0xffff  }
0x29e: {  	v11 =	vsel vm0, v17, v11;
	v16 =	vsel vm1, v18, v12;
	v12 =	vsel vm3, v19, v12;
	v40 =	vld.idx.msk [tilespmem:v23+s13+$0x0], $0xffff  }
0x29f: {  	vm0 =	vgt.s32 v26, $0x0;
	v17 =	vadd.s32 $0xFFFFFFFF, v26;
	v14 =	vsel vm2, v21, v14;
	v31 =	vld.idx.msk [tilespmem:v31+s13+$0x0], $0xffff  }
0x2a0: {  	vm1 =	vgt.s32 v11, $0x0;
	v18 =	vadd.s32 $0xFFFFFFFF, v11;
	vm2 =	vgt.s32 v16, $0x0;
	v26 =	vld.idx.msk [tilespmem:v34+s15+$0x0], $0xffff  }
0x2a1: {  	s24 =	sadd.s32 $0x400, s24;
	v16 =	vadd.s32 $0xFFFFFFFF, v16;
	vm3 =	vgt.s32 v12, $0x0;
	v19 =	vpack.i.f32.bf16 v25, v24;
	v34 =	vld.idx.msk [tilespmem:v37+s13+$0x0], $0xffff  }
0x2a2: {  	vm4 =	vgt.s32 v20, $0x0;
	v20 =	vadd.s32 $0xFFFFFFFF, v20;
	v21 =	vadd.s32 $0xFFFFFFFF, v12;
	v11 =	vld.idx.msk [tilespmem:v22+s15+$0x0], $0xffff;
	[tilespmem:s24+$0x20] =	vst v19  }
0x2a3: {  	vm5 =	vgt.s32 v14, $0x0;
	v25 =	vsel vm0, v17, v9;
	v19 =	vadd.s32 $0xFFFFFFFF, v14;
	v12 =	vld.idx.msk [tilespmem:v33+s15+$0x0], $0xffff  }
0x2a4: {  	v23 =	vsel vm3, v21, v9;
	v33 =	vsel vm1, v18, v9;
	v14 =	vld.idx.msk [tilespmem:v35+s15+$0x0], $0xffff;
	v35 =	vsel vm2, v16, v9  }
0x2a5: {  	v10 =	vpack.i.f32.bf16 v13, v10;
	v22 =	vsel vm4, v20, v9;
	v16 =	vsel vm5, v19, v9;
	v17 =	vld.idx.msk [tilespmem:v36+s13+$0x0], $0xffff  }
0x2a6: {  	v15 =	vpack.i.f32.bf16 v29, v15;
	v13 =	vpack.i.f32.bf16 v38, v32;
	vm0 =	vgt.s32 v31, v26;
	v18 =	vld.idx.msk [tilespmem:v30+s13+$0x0], $0xffff  }
.Ltmp21:
0x2a7: {  	v20 =	vsel vm0, v31, v26;
	vm0 =	vgt.s32 v34, v26;
	v19 =	vld.idx.msk [tilespmem:v39+s13+$0x0], $0xffff;
	[tilespmem:s23+$0xFFFFFFE0] =	vst v10;
	(pc) =	sbr.rel @p1 .LBB2_41-.Ltmp21, $4  }
0x2a8: {  	v10 =	vsel vm0, v34, v26;
	vm0 =	vgt.s32 v20, $0x0;
	v20 =	vadd.s32 $0xFFFFFFFF, v20;
	v21 =	vld.idx.msk [tilespmem:v28+s13+$0x0], $0xffff;
	[tilespmem:s23+$0x0] =	vst v15  }
0x2a9: {  	v24 =	vsel vm0, v20, v9;
	vm0 =	vgt.s32 v10, $0x0;
	v15 =	vadd.s32 $0xFFFFFFFF, v10;
	v10 =	vld.idx.msk [tilespmem:v25+s10+$0x0], $0xffff;
	[tilespmem:s23+$0xFFFFFFC0] =	vst v13;
	s23 =	smov.u32 s24  }
0x2aa: {  	vm2 =	vgt.s32 v40, v11;
	vm1 =	vgt.s32 v27, v14;
	v25 =	vsel vm0, v15, v9;
	v13 =	vld.idx.msk [tilespmem:v33+s10+$0x0], $0xffff  }
0x2ab: {  	s26 =	sadd.s32 $0x80, s26;
	v26 =	vsel vm2, v40, v11;
	v20 =	vsel vm1, v27, v14;
	vm0 =	vgt.s32 v17, v11;
	v15 =	vld.idx.msk [tilespmem:v35+s10+$0x0], $0xffff  }
0x2ac: {  	_ = 	snop  }
0x2ad: {  	vm1 =	vgt.s32 v18, v12;
	vm3 =	vgt.s32 v19, v12;
	v11 =	vsel vm0, v17, v11  }
0x2ae: {  	vm10 =	vgt.s32 v26, $0x0;
	v55 =	vadd.s32 $0xFFFFFFFF, v26;
	vm14 =	vgt.s32 v20, $0x0  }
0x2af: {  	v60 =	vadd.s32 $0xFFFFFFFF, v20;
	vm2 =	vgt.s32 v21, v14;
	v53 =	vsel vm1, v18, v12  }
0x2b0: {  	v56 =	vld.idx.msk [tilespmem:v23+s10+$0x0], $0xffff;
	v54 =	vsel vm3, v19, v12;
	vm11 =	vgt.s32 v11, $0x0;
	v18 =	vsel vm10, v55, v9  }
0x2b1: {  	v57 =	vld.idx.msk [tilespmem:v22+s10+$0x0], $0xffff;
	v11 =	vadd.s32 $0xFFFFFFFF, v11;
	v20 =	vsel vm14, v60, v9;
	v14 =	vsel vm2, v21, v14  }
0x2b2: {  	v58 =	vld.idx.msk [tilespmem:v24+s10+$0x0], $0xffff;
	vm12 =	vgt.s32 v53, $0x0;
	v17 =	vadd.s32 $0xFFFFFFFF, v53;
	v11 =	vsel vm11, v11, v9  }
0x2b3: {  	v59 =	vld.idx.msk [tilespmem:v25+s10+$0x0], $0xffff;
	vm13 =	vgt.s32 v54, $0x0;
	v12 =	vadd.s32 $0xFFFFFFFF, v54;
	v17 =	vsel vm12, v17, v9  }
0x2b4: {  	v16 =	vld.idx.msk [tilespmem:v16+s10+$0x0], $0xffff;
	v12 =	vsel vm13, v12, v9;
	vm15 =	vgt.s32 v14, $0x0;
	v14 =	vadd.s32 $0xFFFFFFFF, v14  }
0x2b5: {  	v9 =	vsel vm15, v14, v9;
	v61 =	vld.idx.msk [tilespmem:v18+s10+$0x0], $0xffff  }
0x2b6: {  	v20 =	vld.idx.msk [tilespmem:v20+s10+$0x0], $0xffff  }
0x2b7: {  	v11 =	vld.idx.msk [tilespmem:v11+s10+$0x0], $0xffff  }
0x2b8: {  	v17 =	vld.idx.msk [tilespmem:v17+s10+$0x0], $0xffff  }
0x2b9: {  	v10 =	vpack.i.f32.bf16 v13, v10;
	v12 =	vld.idx.msk [tilespmem:v12+s10+$0x0], $0xffff  }
0x2ba: {  	s0 =	sadd.s32 $0x400, s24;
	[tilespmem:s23+$0xFFFFFFE0] =	vst v10;
	v62 =	vpack.i.f32.bf16 v59, v58;
	v9 =	vld.idx.msk [tilespmem:v9+s10+$0x0], $0xffff  }
0x2bb: {  	v63 =	vpack.i.f32.bf16 v56, v15;
	[tilespmem:s0+$0x20] =	vst v62  }
0x2bc: {  	v10 =	vpack.i.f32.bf16 v16, v57;
	[tilespmem:s23+$0x0] =	vst v63  }
0x2bd: {  	[tilespmem:s23+$0xFFFFFFC0] =	vst v10;
	v10 =	vpack.i.f32.bf16 v11, v61  }
0x2be: {  	v11 =	vpack.i.f32.bf16 v12, v17;
	[tilespmem:s0+$0xFFFFFFE0] =	vst v10  }
0x2bf: {  	p1 =	sne.s32 s19, $0x7;
	v9 =	vpack.i.f32.bf16 v9, v20;
	[tilespmem:s0+$0x0] =	vst v11  }
0x2c0: {  	s2 =	simm.s32 @!p1 $0x8100;
	[tilespmem:s0+$0xFFFFFFC0] =	vst v9;
	s0 =	simm.s32 @!p1 $0x0  }
0x2c1: {  	[hbm4b:s5+s0] =	stream.linear.scatter @!p1 [tilespmem:s2], [sflag:$0x3], $0x200, $0x38;
	[tilespmem:$0xD200] =	vst v63  }
0x2c2: {  	s3 =	simm.s32 @!p1 $0x8500;
	s2 =	sadd.s32 @!p1 $0x40, s5  }
0x2c3: {  	[hbm4b:s2+s0] =	stream.linear.scatter @!p1 [tilespmem:s3], [sflag:$0x3], $0x200, $0x38;
	[tilespmem:$0xD200] =	vst v63  }
0x2c4: {  	s2 =	sadd.s32 @!p1 $0x80, s5;
	s3 =	simm.s32 @!p1 $0x8900  }
0x2c5: {  	[hbm4b:s2+s0] =	stream.linear.scatter @!p1 [tilespmem:s3], [sflag:$0x3], $0x200, $0x38;
	[tilespmem:$0xD200] =	vst v63  }
0x2c6: {  	s2 =	sadd.s32 @!p1 $0xC0, s5;
	s3 =	simm.s32 @!p1 $0x8D00  }
0x2c7: {  	[hbm4b:s2+s0] =	stream.linear.scatter @!p1 [tilespmem:s3], [sflag:$0x3], $0x200, $0x38;
	[tilespmem:$0xD200] =	vst v63  }
0x2c8: {  	s2 =	sadd.s32 @!p1 $0x100, s5;
	s3 =	simm.s32 @!p1 $0x9100  }
0x2c9: {  	[hbm4b:s2+s0] =	stream.linear.scatter @!p1 [tilespmem:s3], [sflag:$0x3], $0x200, $0x38;
	[tilespmem:$0xD200] =	vst v63  }
0x2ca: {  	s2 =	sadd.s32 @!p1 $0x140, s5;
	s3 =	simm.s32 @!p1 $0x9500  }
0x2cb: {  	[hbm4b:s2+s0] =	stream.linear.scatter @!p1 [tilespmem:s3], [sflag:$0x3], $0x200, $0x38;
	[tilespmem:$0xD200] =	vst v63  }
0x2cc: {  	s2 =	sadd.s32 @!p1 $0x180, s5;
	s3 =	simm.s32 @!p1 $0x9900  }
0x2cd: {  	[hbm4b:s2+s0] =	stream.linear.scatter @!p1 [tilespmem:s3], [sflag:$0x3], $0x200, $0x38;
	[tilespmem:$0xD200] =	vst v63  }
0x2ce: {  	s2 =	sadd.s32 @!p1 $0x1C0, s5;
	s3 =	simm.s32 @!p1 $0x9D00  }
0x2cf: {  	[hbm4b:s2+s0] =	stream.linear.scatter @!p1 [tilespmem:s3], [sflag:$0x3], $0x200, $0x38;
	[tilespmem:$0xD200] =	vst v63  }
0x2d0: {  	s2 =	sadd.s32 @!p1 $0x200, s5;
	s3 =	simm.s32 @!p1 $0xA100  }
0x2d1: {  	[hbm4b:s2+s0] =	stream.linear.scatter @!p1 [tilespmem:s3], [sflag:$0x3], $0x200, $0x38;
	[tilespmem:$0xD200] =	vst v63  }
0x2d2: {  	s2 =	sadd.s32 @!p1 $0x240, s5;
	s3 =	simm.s32 @!p1 $0xA500  }
0x2d3: {  	[hbm4b:s2+s0] =	stream.linear.scatter @!p1 [tilespmem:s3], [sflag:$0x3], $0x200, $0x38;
	[tilespmem:$0xD200] =	vst v63  }
0x2d4: {  	s2 =	sadd.s32 @!p1 $0x280, s5;
	s3 =	simm.s32 @!p1 $0xA900  }
0x2d5: {  	[hbm4b:s2+s0] =	stream.linear.scatter @!p1 [tilespmem:s3], [sflag:$0x3], $0x200, $0x38;
	[tilespmem:$0xD200] =	vst v63  }
0x2d6: {  	s2 =	sadd.s32 @!p1 $0x2C0, s5;
	s3 =	simm.s32 @!p1 $0xAD00  }
0x2d7: {  	[hbm4b:s2+s0] =	stream.linear.scatter @!p1 [tilespmem:s3], [sflag:$0x3], $0x200, $0x38;
	[tilespmem:$0xD200] =	vst v63  }
0x2d8: {  	s2 =	sadd.s32 @!p1 $0x300, s5;
	s3 =	simm.s32 @!p1 $0xB100  }
0x2d9: {  	[hbm4b:s2+s0] =	stream.linear.scatter @!p1 [tilespmem:s3], [sflag:$0x3], $0x200, $0x38;
	[tilespmem:$0xD200] =	vst v63  }
0x2da: {  	s2 =	sadd.s32 @!p1 $0x340, s5;
	s3 =	simm.s32 @!p1 $0xB500  }
0x2db: {  	[hbm4b:s2+s0] =	stream.linear.scatter @!p1 [tilespmem:s3], [sflag:$0x3], $0x200, $0x38;
	[tilespmem:$0xD200] =	vst v63  }
0x2dc: {  	s2 =	sadd.s32 @!p1 $0x380, s5;
	s3 =	simm.s32 @!p1 $0xB900  }
0x2dd: {  	[hbm4b:s2+s0] =	stream.linear.scatter @!p1 [tilespmem:s3], [sflag:$0x3], $0x200, $0x38;
	[tilespmem:$0xD200] =	vst v63  }
0x2de: {  	s19 =	sadd.s32 $0x1, s19;
	s2 =	sadd.s32 @!p1 $0x3C0, s5;
	s3 =	simm.s32 @!p1 $0xBD00  }
0x2df: {  	[hbm4b:s2+s0] =	stream.linear.scatter @!p1 [tilespmem:s3], [sflag:$0x3], $0x200, $0x38;
	[tilespmem:$0xD200] =	vst v63  }
0x2e0: {  	p1 =	sne.s32 s19, $0x10  }
.Ltmp22:
0x2e1: {  	_ = 	snop;
	(pc) =	sbr.rel @p1 .LBB2_20-.Ltmp22, $4  }
.Ltmp23:
0x2e2: {  	_ = 	snop;
	(pc) =	sbr.rel @!p1 .LBB2_43-.Ltmp23, $4  }
0x2e3: {  	_ = 	snop  }
0x2e4: {  	_ = 	snop  }
0x2e5: {  	s22 =	sadd.s32 $0x400, s22;
	s21 =	sadd.s32 $0x80, s21;
	p0 =	por !p0, !p0  }
0x2e6: {  	_ = 	snop  }
.LBB2_25:
.Ltmp24:
0x2e7: {  	(pc) =	sbr.rel .LBB2_32-.Ltmp24, $2  }
0x2e8: {  	_ =	sdelay $0x2  }
0x2e9: {  	v11 =	vmov v9;
	s30 =	simm.s32 $0xD100  }
.LBB2_33:
.Ltmp25:
0x2ea: {  	(pc) =	sbr.rel .LBB2_40-.Ltmp25, $2  }
0x2eb: {  	_ =	sdelay $0x2  }
0x2ec: {  	s23 =	simm.s32 $0xD180;
	s28 =	simm.s32 $0x0  }
.LBB2_27:
.Ltmp26:
0x2ed: {  	(pc) =	sbr.rel .LBB2_32-.Ltmp26, $2  }
0x2ee: {  	_ =	sdelay $0x2  }
0x2ef: {  	v11 =	vmov v9;
	s30 =	simm.s32 $0xD100  }
.LBB2_35:
.Ltmp27:
0x2f0: {  	(pc) =	sbr.rel .LBB2_40-.Ltmp27, $2  }
0x2f1: {  	_ =	sdelay $0x2  }
0x2f2: {  	s23 =	simm.s32 $0xD180  }
.LBB2_29:
.Ltmp28:
0x2f3: {  	(pc) =	sbr.rel .LBB2_32-.Ltmp28, $2  }
0x2f4: {  	_ =	sdelay $0x2  }
0x2f5: {  	s29 =	simm.s32 $0x1F;
	s30 =	simm.s32 $0xD100  }
.LBB2_37:
.Ltmp29:
0x2f6: {  	(pc) =	sbr.rel .LBB2_40-.Ltmp29, $2  }
0x2f7: {  	_ =	sdelay $0x2  }
0x2f8: {  	s23 =	simm.s32 $0xD180;
	s28 =	simm.s32 $0x20;
	v11 =	vmov v12  }
.LBB2_10:
.Ltmp30:
0x2f9: {  	(pc) =	sbr.rel .LBB2_17-.Ltmp30, $2  }
0x2fa: {  	_ =	sdelay $0x2  }
0x2fb: {  	s19 =	simm.s32 $0xD180;
	s21 =	simm.s32 $0x0  }
.LBB2_12:
.Ltmp31:
0x2fc: {  	(pc) =	sbr.rel .LBB2_17-.Ltmp31, $2  }
0x2fd: {  	_ =	sdelay $0x2  }
0x2fe: {  	s19 =	simm.s32 $0xD180  }
.LBB2_14:
.Ltmp32:
0x2ff: {  	(pc) =	sbr.rel .LBB2_17-.Ltmp32, $2  }
0x300: {  	_ =	sdelay $0x2  }
0x301: {  	s19 =	simm.s32 $0xD180;
	s21 =	simm.s32 $0x20;
	v11 =	vmov v12  }
.LBB2_44:
0x302: {  	_ =	sfence.sel $0x180000  }
0x303: {  	[bflag:$0x0] =	sbarrier.arrive $0xFFFF  }
0x304: {  	_ =	strace $0x90000047  }
0x305: {  	s0 =	stileid.u32;
	[bflag:$0x2] =	sbarrier.arrive $0xFFFF  }
0x306: {  	p0 =	sne.s32 s0, $0x0;
	s0 =	rddreg [dreg:$0x4]  }
0x307: {  	s0 =	sadd.s32 @!p0 $0x100000, s0  }
0x308: {  	[sflag:s0] =	ssyncadd.tile.s32 @!p0 $0x1;
	_ =	shalt  }
.Lfunc_end2:
_tile_overlayer_lowered:
.L_overlay_start_2:
0x309: {  	(tag) =	ssettag $0x2  }
0x30a: {  	s0 =	rddreg [dreg:$0x0];
	s2 =	stileid.u32  }
0x30b: {  	s1 =	rddreg [dreg:$0x1];
	p0 =	sne.s32 s2, $0x0  }
0x30c: {  	s3 =	rddreg [dreg:$0x2];
	[bflag:$0x3] =	sbarrier.arrive $0xFFFF;
	s2 =	simm.s32 @!p0 $0x1C04  }
0x30d: {  	[timem:s3], [sflag:s2] =	dma.local @!p0 [hbm:s0], s1  }
0x30e: {  	s0 =	simm.s32 @!p0 $0x4  }
0x30f: {  	_ =	swait.ge @!p0 [sflag:s0], s1  }
0x310: {  	s1 =	ssub.s32 @!p0 $0x0, s1;
	[sflag:s0] =	ssyncset.done @!p0 $0x0  }
0x311: {  	[sflag:s0] =	ssyncadd.s32 @!p0 s1  }
0x312: {  	[bflag:$0x3] =	sbarrier.arrive $0xFFFF  }
0x313: {  	_ =	shalt  }

</sc_bundles>
